<compile_context>
chip_gen: v7x
topology: tpu7x:2x2x1
jax: 0.10.2.dev20260603
libtpu: 0.0.44.dev20260713+nightly
codegen_flags: <defaults>
</compile_context>

<pallas_src>
import functools

import jax
import jax.numpy as jnp
from jax import lax
from jax.experimental import pallas as pl
from jax.experimental.pallas import tpu as pltpu
from jax.experimental.pallas import tpu_sc as plsc

NUM_INST = 50000
N_TICKS = 3200000

NC = 2
NS = 16
L = 16
NW = NC * NS

C = 1568
NIDS = C * NW
BLK = 4096
ALIGNED = (N_TICKS // BLK) * BLK
TAIL = N_TICKS - ALIGNED
SEARCH_STEPS = 22

_i32 = jnp.int32
_f32 = jnp.float32


def _sc_body(ids_hbm, prc_hbm, cur_hbm, out_hbm,
             acc_hi0, acc_lo0,
             ids_buf0, ids_buf1, prc_buf0, prc_buf1,
             cur_buf, sig_buf, probe_buf, sem_probe, sem_blk0, sem_blk1,
             sem_cur):
    lane = jnp.arange(L, dtype=_i32)
    w = lax.axis_index("s") * NC + lax.axis_index("c")
    base = w * C

    neg_inf = jnp.full((L,), -jnp.inf, dtype=_f32)
    pos_inf = jnp.full((L,), jnp.inf, dtype=_f32)
    cur_cp = pltpu.async_copy(
        cur_hbm.at[pl.ds(pl.multiple_of(base, 8), C)], cur_buf, sem_cur)

    target = jnp.where(lane < 8, base, base + C).astype(_i32)
    k_vec = lane & 7
    group_a = lane < 8

    INIT_CHUNK = C // 7

    def ary_step(lo, hi, geometric, fill_step=None):
        w = hi - lo
        off = ((w * k_vec) >> 3) if geometric else k_vec
        p = lo + off
        pc = jnp.minimum(p, N_TICKS - 1)
        cp = pltpu.async_copy(ids_hbm.at[pc], probe_buf, sem_probe)
        if fill_step is not None:
            def init_body(j, carry):
                o = pl.multiple_of((fill_step * INIT_CHUNK + j) * L, L)
                acc_hi0[pl.ds(o, L)] = neg_inf
                acc_lo0[pl.ds(o, L)] = pos_inf
                return carry

            lax.fori_loop(0, INIT_CHUNK, init_body, 0)
        cp.wait()
        g = probe_buf[...]
        pred = (g < target) & (off < w)
        m_a = plsc.all_reduce_population_count(pred & group_a)[0]
        m_b = plsc.all_reduce_population_count(pred & ~group_a)[0]
        lo_a, hi_a, w_a = lo[0], hi[0], w[0]
        lo_b, hi_b, w_b = lo[8], hi[8], w[8]
        if geometric:
            nlo_a = jnp.where(m_a > 0, lo_a + ((w_a * (m_a - 1)) >> 3) + 1, lo_a)
            nhi_a = jnp.where(m_a < 8, lo_a + ((w_a * m_a) >> 3), hi_a)
            nlo_b = jnp.where(m_b > 0, lo_b + ((w_b * (m_b - 1)) >> 3) + 1, lo_b)
            nhi_b = jnp.where(m_b < 8, lo_b + ((w_b * m_b) >> 3), hi_b)
        else:
            nlo_a = lo_a + m_a
            nhi_a = nlo_a
            nlo_b = lo_b + m_b
            nhi_b = nlo_b
        nlo = jnp.where(group_a, nlo_a, nlo_b).astype(_i32)
        nhi = jnp.where(group_a, nhi_a, nhi_b).astype(_i32)
        return nlo, nhi

    lo0 = jnp.zeros((L,), dtype=_i32)
    hi0 = jnp.full((L,), N_TICKS, dtype=_i32)
    lo_v, hi_v = lax.fori_loop(
        0, 7, lambda s_, c: ary_step(c[0], c[1], True, fill_step=s_),
        (lo0, hi0))
    lo_v, hi_v = ary_step(lo_v, hi_v, False)
    t0 = lo_v[0]
    t1 = lo_v[8]

    start = (t0 // BLK) * BLK
    t1c = jnp.minimum(t1, ALIGNED)
    nblk = jnp.maximum((t1c - start + (BLK - 1)) // BLK, 0)

    UNROLL = 8

    bufs = ((ids_buf0, prc_buf0), (ids_buf1, prc_buf1))

    def issue(bi, slot, sem):
        off = jnp.minimum(start + bi * BLK, ALIGNED - BLK)
        off = pl.multiple_of(off, 8)
        pltpu.async_copy(ids_hbm.at[pl.ds(off, BLK)], bufs[slot][0], sem)
        pltpu.async_copy(prc_hbm.at[pl.ds(off, BLK)], bufs[slot][1], sem)

    def wait_blk(slot, sem):
        pltpu.make_async_copy(
            ids_hbm.at[pl.ds(0, BLK)], bufs[slot][0], sem).wait()
        pltpu.make_async_copy(
            prc_hbm.at[pl.ds(0, BLK)], bufs[slot][1], sem).wait()

    def flush(pid, prm, prn, cont):
        ploc = pid - base
        pvalid = (ploc >= 0) & (ploc < C)
        pslot = jnp.where(pvalid, ploc, 0) * L + lane
        fmask = jnp.logical_not(cont) & pvalid
        plsc.store_scatter(acc_hi0, [pslot], prm, mask=fmask)
        plsc.store_scatter(acc_lo0, [pslot], prn, mask=fmask)

    def step_vec(idv, pv, carry):
        pid, prm, prn = carry
        cont = idv == pid
        flush(pid, prm, prn, cont)
        rm = jnp.maximum(jnp.where(cont, prm, neg_inf), pv)
        rn = jnp.minimum(jnp.where(cont, prn, pos_inf), pv)
        return idv, rm, rn

    def process_block(slot, carry):
        def vec_body(i, c):
            for u in range(UNROLL):
                iu = i * UNROLL + u
                voff = pl.multiple_of(iu * L, L)
                idv = bufs[slot][0][pl.ds(voff, L)]
                pv = bufs[slot][1][pl.ds(voff, L)]
                c = step_vec(idv, pv, c)
            return c

        return lax.fori_loop(0, BLK // (L * UNROLL), vec_body, carry)

    def maybe_process(slot, cond, carry):
        return lax.cond(cond, lambda c: process_block(slot, c),
                        lambda c: c, carry)

    nb2 = (jnp.maximum(nblk, 1) + 1) >> 1
    issue(0, 0, sem_blk0)
    sentinel = jnp.full((L,), -1, dtype=_i32)
    carry0 = (sentinel, neg_inf, pos_inf)

    def pair_body(p2, carry):
        b0 = 2 * p2
        issue(b0 + 1, 1, sem_blk1)
        wait_blk(0, sem_blk0)
        carry = maybe_process(0, b0 < nblk, carry)

        @pl.when(p2 + 1 < nb2)
        def _prefetch():
            issue(b0 + 2, 0, sem_blk0)

        wait_blk(1, sem_blk1)
        carry = maybe_process(1, b0 + 1 < nblk, carry)
        return carry

    pid_f, prm_f, prn_f = lax.fori_loop(0, nb2, pair_body, carry0)
    flush(pid_f, prm_f, prn_f, jnp.zeros((L,), dtype=jnp.bool_))

    pltpu.async_copy(ids_hbm.at[pl.ds(ALIGNED, TAIL)],
                     ids_buf0.at[pl.ds(0, TAIL)], sem_blk0)
    pltpu.async_copy(prc_hbm.at[pl.ds(ALIGNED, TAIL)],
                     prc_buf0.at[pl.ds(0, TAIL)], sem_blk0)
    pltpu.make_async_copy(ids_hbm.at[pl.ds(0, TAIL)],
                          ids_buf0.at[pl.ds(0, TAIL)], sem_blk0).wait()
    pltpu.make_async_copy(prc_hbm.at[pl.ds(0, TAIL)],
                          prc_buf0.at[pl.ds(0, TAIL)], sem_blk0).wait()

    def tail_body(i, carry):
        for u in range(UNROLL):
            iu = i * UNROLL + u
            voff = pl.multiple_of(iu * L, L)
            idv = ids_buf0[pl.ds(voff, L)]
            pv = prc_buf0[pl.ds(voff, L)]
            loc = idv - base
            valid = (loc >= 0) & (loc < C)
            locc = jnp.where(valid, loc, 0)
            perm = (lane + iu) & (L - 1)
            slot_v = locc * L + perm
            h = plsc.load_gather(acc_hi0, [slot_v])
            lw = plsc.load_gather(acc_lo0, [slot_v])
            plsc.store_scatter(acc_hi0, [slot_v], jnp.maximum(h, pv), mask=valid)
            plsc.store_scatter(acc_lo0, [slot_v], jnp.minimum(lw, pv), mask=valid)
        return carry

    lax.fori_loop(0, TAIL // (L * UNROLL), tail_body, 0)

    one = jnp.float32(1.0)
    zero = jnp.float32(0.0)

    cur_cp.wait()

    def comb_body(j, carry):
        joff = j * L
        rowidx = (joff + lane) * L
        h = None
        lw = None
        for p in range(L):
            sk = rowidx + ((lane + p) & (L - 1))
            hp = plsc.load_gather(acc_hi0, [sk])
            lp = plsc.load_gather(acc_lo0, [sk])
            h = hp if h is None else jnp.maximum(h, hp)
            lw = lp if lw is None else jnp.minimum(lw, lp)
        empty = h == -jnp.inf
        h = jnp.where(empty, zero, h)
        lw = jnp.where(empty, zero, lw)
        cur = cur_buf[pl.ds(pl.multiple_of(joff, L), L)]
        sig = jnp.where(cur > h, one, jnp.where(cur < lw, -one, zero))
        sig_buf[pl.ds(pl.multiple_of(joff, L), L)] = sig
        return carry

    lax.fori_loop(0, C // L, comb_body, 0)
    pltpu.sync_copy(sig_buf, out_hbm.at[pl.ds(pl.multiple_of(base, 8), C)])


@jax.jit
def _run(inst_ids, tick_price, cur_price):
    mesh = plsc.VectorSubcoreMesh(core_axis_name="c", subcore_axis_name="s")
    kern = functools.partial(
        pl.kernel,
        mesh=mesh,
        compiler_params=pltpu.CompilerParams(needs_layout_passes=False),
        out_type=jax.ShapeDtypeStruct((NIDS,), _f32),
        scratch_types=[
            pltpu.VMEM((L * C,), _f32),
            pltpu.VMEM((L * C,), _f32),
            pltpu.VMEM((BLK,), _i32),
            pltpu.VMEM((BLK,), _i32),
            pltpu.VMEM((BLK,), _f32),
            pltpu.VMEM((BLK,), _f32),
            pltpu.VMEM((C,), _f32),
            pltpu.VMEM((C,), _f32),
            pltpu.VMEM((L,), _i32),
            pltpu.SemaphoreType.DMA,
            pltpu.SemaphoreType.DMA,
            pltpu.SemaphoreType.DMA,
            pltpu.SemaphoreType.DMA,
        ],
    )(_sc_body)
    cur_pad = jnp.concatenate(
        [cur_price, jnp.zeros((NIDS - NUM_INST,), dtype=_f32)])
    out = kern(inst_ids, tick_price, cur_pad)
    return out[:NUM_INST]


def kernel(timestamp, inst_ids, tick_price, cur_price):
    del timestamp
    return _run(inst_ids.astype(_i32), tick_price, cur_price)

# --- scband reference (transcript-rebuilt; emitter-appended) ---
"""Pipeline reference for scband-alpha-10333691314280 (READ-ONLY COPY).

The authoritative reference and input builder live on the scoring server;
editing this copy changes nothing except your own understanding.
"""

import jax, jax.numpy as jnp
import numpy as np

NUM_INST = 50000
N_TICKS = 3200000


def setup_inputs(seed: int = 0) -> dict:
    key = jax.random.key(seed)
    k1, k2, k3 = jax.random.split(key, 3)
    inst_ids = jnp.sort(jax.random.randint(k1, (N_TICKS,), 0, NUM_INST))
    tick_price = jax.random.uniform(k2, (N_TICKS,), dtype=jnp.float32) * 100.0 + 50.0
    cur_price = jax.random.uniform(k3, (NUM_INST,), dtype=jnp.float32) * 100.0 + 50.0
    return {"timestamp": 1700000000, "inst_ids": inst_ids, "tick_price": tick_price, "cur_price": cur_price}


def _groupby_resample_ohlc(inst_ids, values, num_segments):
    # Faithful translation of torch.ops.xpandas.groupby_resample_ohlc for
    # sorted int64 keys: per-segment open/high/low/close.
    high = jax.ops.segment_max(values, inst_ids, num_segments=num_segments)
    low = -jax.ops.segment_max(-values, inst_ids, num_segments=num_segments)
    counts = jnp.bincount(inst_ids, length=num_segments)
    ends = jnp.cumsum(counts)
    starts = ends - counts
    n = values.shape[0]
    safe_first = jnp.clip(starts, 0, n - 1)
    safe_last = jnp.clip(ends - 1, 0, n - 1)
    opens = values[safe_first]
    closes = values[safe_last]
    empty = counts == 0
    zero = jnp.zeros((), dtype=values.dtype)
    high = jnp.where(empty, zero, high)
    low = jnp.where(empty, zero, low)
    opens = jnp.where(empty, zero, opens)
    closes = jnp.where(empty, zero, closes)
    inst = jnp.arange(num_segments, dtype=jnp.int64)
    return inst, opens, high, low, closes


def reference(timestamp, inst_ids, tick_price, cur_price):
    # on_bod: compute per-instrument OHLC from the day's ticks (segment reduce)
    inst, _open, hist_high, hist_low, _close = _groupby_resample_ohlc(
        inst_ids, tick_price, NUM_INST
    )
    # forward: breakout_signal(price, hist_high, hist_low)
    one = jnp.ones((), dtype=jnp.float32)
    signal = jnp.where(
        cur_price > hist_high,
        one,
        jnp.where(cur_price < hist_low, -one, jnp.zeros((), dtype=jnp.float32)),
    ).astype(jnp.float32)
    return signal

if __name__ == "__main__":
    import jax
    _d = setup_inputs()
    print(jax.jit(kernel)(*tuple(_d.values())))

</pallas_src>

<mosaic_0001>
#map = affine_map<(d0, d1) -> (0)>
module attributes {stable_mosaic.version = 14 : i64} {
  func.func @_sc_body(%arg0: i32, %arg1: i32, %arg2: memref<3200000xi32, #tpu.memory_space<hbm>>, %arg3: memref<3200000xf32, #tpu.memory_space<hbm>>, %arg4: memref<50176xf32, #tpu.memory_space<hbm>>, %arg5: memref<50176xf32, #tpu.memory_space<hbm>>, %arg6: memref<25088xf32, #tpu.memory_space<vmem>>, %arg7: memref<25088xf32, #tpu.memory_space<vmem>>, %arg8: memref<4096xi32, #tpu.memory_space<vmem>>, %arg9: memref<4096xi32, #tpu.memory_space<vmem>>, %arg10: memref<4096xf32, #tpu.memory_space<vmem>>, %arg11: memref<4096xf32, #tpu.memory_space<vmem>>, %arg12: memref<1568xf32, #tpu.memory_space<vmem>>, %arg13: memref<1568xf32, #tpu.memory_space<vmem>>, %arg14: memref<16xi32, #tpu.memory_space<vmem>>, %arg15: memref<!tpu.dma_semaphore, #tpu.memory_space<semaphore_mem>>, %arg16: memref<!tpu.dma_semaphore, #tpu.memory_space<semaphore_mem>>, %arg17: memref<!tpu.dma_semaphore, #tpu.memory_space<semaphore_mem>>, %arg18: memref<!tpu.dma_semaphore, #tpu.memory_space<semaphore_mem>>) attributes {dimension_semantics = [#tpu.dimension_semantics<core_parallel>, #tpu.dimension_semantics<subcore_parallel>], iteration_bounds = array<i64: 2, 16>, scalar_prefetch = 0 : i64, scratch_operands = 13 : i64, tpu.core_type = #tpu.core_type<sc_vector_subcore>, window_params = [{transform_indices = #map}, {transform_indices = #map}, {transform_indices = #map}, {transform_indices = #map}]} {
    %iota3A = tpu.iota {dimensions = array<i32: 0>} : vector<16xi32>
    %mul3A = arith.constant 2 : i32
    %mul3A_0 = arith.muli %arg1, %mul3A : i32
    %add3A = arith.addi %mul3A_0, %arg0 : i32
    %mul3A_1 = arith.constant 1568 : i32
    %mul3A_2 = arith.muli %add3A, %mul3A_1 : i32
    %broadcast_in_dim3A = arith.constant 0xFF800000 : f32
    %broadcast_in_dim3A_3 = vector.broadcast %broadcast_in_dim3A : f32 to vector<16xf32>
    %broadcast_in_dim3A_4 = arith.constant 0x7F800000 : f32
    %broadcast_in_dim3A_5 = vector.broadcast %broadcast_in_dim3A_4 : f32 to vector<16xf32>
    %multiple_of3A = tpu.assume_multiple %mul3A_2, 8 : i32
    %dma_start3A = tpu.memref_slice %arg4[%multiple_of3A] : memref<50176xf32, #tpu.memory_space<hbm>> -> memref<1568xf32, #tpu.memory_space<hbm>>
    %dma_start3A_6 = tpu.memref_slice %arg4[%multiple_of3A] : memref<50176xf32, #tpu.memory_space<hbm>> -> memref<1568xf32, #tpu.memory_space<hbm>>
    tpu.enqueue_dma source(%dma_start3A_6 : memref<1568xf32, #tpu.memory_space<hbm>>) target(%arg12 : memref<1568xf32, #tpu.memory_space<vmem>>) target_semaphore(%arg18 : memref<!tpu.dma_semaphore, #tpu.memory_space<semaphore_mem>>)
    %lt3A = arith.constant 8 : i32
    %lt3A_7 = vector.broadcast %lt3A : i32 to vector<16xi32>
    %lt3A_8 = arith.cmpi slt, %iota3A, %lt3A_7 : vector<16xi32>
    %add3A_9 = arith.constant 1568 : i32
    %add3A_10 = arith.addi %mul3A_2, %add3A_9 : i32
    %broadcast_in_dim3A_11 = vector.broadcast %mul3A_2 : i32 to vector<16xi32>
    %broadcast_in_dim3A_12 = vector.broadcast %add3A_10 : i32 to vector<16xi32>
    %select_n3A = arith.select %lt3A_8, %broadcast_in_dim3A_11, %broadcast_in_dim3A_12 : vector<16xi1>, vector<16xi32>
    %and3A = arith.constant 7 : i32
    %and3A_13 = vector.broadcast %and3A : i32 to vector<16xi32>
    %and3A_14 = arith.andi %iota3A, %and3A_13 : vector<16xi32>
    %lt3A_15 = arith.constant 8 : i32
    %lt3A_16 = vector.broadcast %lt3A_15 : i32 to vector<16xi32>
    %lt3A_17 = arith.cmpi slt, %iota3A, %lt3A_16 : vector<16xi32>
    %broadcast_in_dim3A_18 = arith.constant 0 : i32
    %broadcast_in_dim3A_19 = vector.broadcast %broadcast_in_dim3A_18 : i32 to vector<16xi32>
    %broadcast_in_dim3A_20 = arith.constant 3200000 : i32
    %broadcast_in_dim3A_21 = vector.broadcast %broadcast_in_dim3A_20 : i32 to vector<16xi32>
    %scan3A = arith.constant 0 : i32
    %scan3A_22 = arith.constant 7 : i32
    %scan3A_23 = arith.addi %scan3A, %scan3A_22 : i32
    %scan3A_24 = arith.constant 1 : i32
    %scan3A_25:2 = scf.for %scan3A_213 = %scan3A to %scan3A_23 step %scan3A_24 iter_args(%scan3A_214 = %broadcast_in_dim3A_19, %scan3A_215 = %broadcast_in_dim3A_21) -> (vector<16xi32>, vector<16xi32>)  : i32 {
      %sub3A_216 = arith.subi %scan3A_215, %scan3A_214 : vector<16xi32>
      %mul3A_217 = arith.muli %sub3A_216, %and3A_14 : vector<16xi32>
      %shift_right_arithmetic3A_218 = arith.constant 3 : i32
      %shift_right_arithmetic3A_219 = vector.broadcast %shift_right_arithmetic3A_218 : i32 to vector<16xi32>
      %shift_right_arithmetic3A_220 = arith.shrsi %mul3A_217, %shift_right_arithmetic3A_219 : vector<16xi32>
      %add3A_221 = arith.addi %scan3A_214, %shift_right_arithmetic3A_220 : vector<16xi32>
      %min3A_222 = arith.constant 3199999 : i32
      %min3A_223 = vector.broadcast %min3A_222 : i32 to vector<16xi32>
      %min3A_224 = arith.minsi %add3A_221, %min3A_223 : vector<16xi32>
      %dma_start3A_225 = arith.constant 0 : i32
      %dma_start3A_226 = tpu.memref_slice %arg2[%dma_start3A_225] : memref<3200000xi32, #tpu.memory_space<hbm>> -> memref<3200000xi32, #tpu.memory_space<hbm>>
      tpu.enqueue_indirect_dma source(%dma_start3A_226 : memref<3200000xi32, #tpu.memory_space<hbm>>) target(%arg14 : memref<16xi32, #tpu.memory_space<vmem>>) offsets(%min3A_224 : vector<16xi32>) semaphore(%arg15 : memref<!tpu.dma_semaphore, #tpu.memory_space<semaphore_mem>>)
      %scan3A_227 = arith.constant 0 : i32
      %scan3A_228 = arith.constant 0 : i32
      %scan3A_229 = arith.constant 224 : i32
      %scan3A_230 = arith.addi %scan3A_228, %scan3A_229 : i32
      %scan3A_231 = arith.constant 1 : i32
      scf.for %scan3A_303 = %scan3A_228 to %scan3A_230 step %scan3A_231  : i32 {
        %mul3A_304 = arith.constant 224 : i32
        %mul3A_305 = arith.muli %scan3A_213, %mul3A_304 : i32
        %add3A_306 = arith.addi %mul3A_305, %scan3A_303 : i32
        %mul3A_307 = arith.constant 16 : i32
        %mul3A_308 = arith.muli %add3A_306, %mul3A_307 : i32
        %multiple_of3A_309 = tpu.assume_multiple %mul3A_308, 16 : i32
        %swap3A = arith.index_cast %multiple_of3A_309 : i32 to index
        %swap3A_310 = tpu.vector_load %arg6[%swap3A] {strides = array<i32>} : memref<25088xf32, #tpu.memory_space<vmem>>, vector<16xf32>,
        tpu.vector_store %arg6[%swap3A], %broadcast_in_dim3A_3 {strides = array<i32>} : memref<25088xf32, #tpu.memory_space<vmem>>, vector<16xf32>,
        %swap3A_311 = arith.index_cast %multiple_of3A_309 : i32 to index
        %swap3A_312 = tpu.vector_load %arg7[%swap3A_311] {strides = array<i32>} : memref<25088xf32, #tpu.memory_space<vmem>>, vector<16xf32>,
        tpu.vector_store %arg7[%swap3A_311], %broadcast_in_dim3A_5 {strides = array<i32>} : memref<25088xf32, #tpu.memory_space<vmem>>, vector<16xf32>,
      }
      %scan3A_232 = arith.constant 224 : i32
      %dma_wait3A_233 = arith.constant 0 : i32
      %dma_wait3A_234 = tpu.memref_slice %arg2[%dma_wait3A_233] : memref<3200000xi32, #tpu.memory_space<hbm>> -> memref<3200000xi32, #tpu.memory_space<hbm>>
      tpu.wait_indirect_dma semaphore(%arg15 : memref<!tpu.dma_semaphore, #tpu.memory_space<semaphore_mem>>) src(%dma_wait3A_234 : memref<3200000xi32, #tpu.memory_space<hbm>>) dst(%arg14 : memref<16xi32, #tpu.memory_space<vmem>>)
      %get3A_235 = arith.constant 0 : index
      %get3A_236 = tpu.vector_load %arg14[%get3A_235] {strides = array<i32>} : memref<16xi32, #tpu.memory_space<vmem>>, vector<16xi32>,
      %lt3A_237 = arith.cmpi slt, %get3A_236, %select_n3A : vector<16xi32>
      %lt3A_238 = arith.cmpi slt, %shift_right_arithmetic3A_220, %sub3A_216 : vector<16xi32>
      %and3A_239 = arith.andi %lt3A_237, %lt3A_238 : vector<16xi1>
      %and3A_240 = arith.andi %and3A_239, %lt3A_17 : vector<16xi1>
      %all_reduce_population_count3A_241 = tpu.all_reduce %and3A_240 {dim = 0 : i64, kind = #tpu.reduction_kind<sum>} : vector<16xi1> -> vector<16xi32>
      %slice3A_242 = vector.extract_strided_slice %all_reduce_population_count3A_241 {offsets = [0], sizes = [1], strides = [1]} : vector<16xi32> to vector<1xi32>
      %squeeze3A_243 = vector.extract %slice3A_242[0] : i32 from vector<1xi32>
      %not3A_244 = arith.constant dense<true> : vector<16xi1>
      %not3A_245 = arith.xori %lt3A_17, %not3A_244 : vector<16xi1>
      %and3A_246 = arith.andi %and3A_239, %not3A_245 : vector<16xi1>
      %all_reduce_population_count3A_247 = tpu.all_reduce %and3A_246 {dim = 0 : i64, kind = #tpu.reduction_kind<sum>} : vector<16xi1> -> vector<16xi32>
      %slice3A_248 = vector.extract_strided_slice %all_reduce_population_count3A_247 {offsets = [0], sizes = [1], strides = [1]} : vector<16xi32> to vector<1xi32>
      %squeeze3A_249 = vector.extract %slice3A_248[0] : i32 from vector<1xi32>
      %slice3A_250 = vector.extract_strided_slice %scan3A_214 {offsets = [0], sizes = [1], strides = [1]} : vector<16xi32> to vector<1xi32>
      %squeeze3A_251 = vector.extract %slice3A_250[0] : i32 from vector<1xi32>
      %slice3A_252 = vector.extract_strided_slice %scan3A_215 {offsets = [0], sizes = [1], strides = [1]} : vector<16xi32> to vector<1xi32>
      %squeeze3A_253 = vector.extract %slice3A_252[0] : i32 from vector<1xi32>
      %slice3A_254 = vector.extract_strided_slice %sub3A_216 {offsets = [0], sizes = [1], strides = [1]} : vector<16xi32> to vector<1xi32>
      %squeeze3A_255 = vector.extract %slice3A_254[0] : i32 from vector<1xi32>
      %slice3A_256 = vector.extract_strided_slice %scan3A_214 {offsets = [8], sizes = [1], strides = [1]} : vector<16xi32> to vector<1xi32>
      %squeeze3A_257 = vector.extract %slice3A_256[0] : i32 from vector<1xi32>
      %slice3A_258 = vector.extract_strided_slice %scan3A_215 {offsets = [8], sizes = [1], strides = [1]} : vector<16xi32> to vector<1xi32>
      %squeeze3A_259 = vector.extract %slice3A_258[0] : i32 from vector<1xi32>
      %slice3A_260 = vector.extract_strided_slice %sub3A_216 {offsets = [8], sizes = [1], strides = [1]} : vector<16xi32> to vector<1xi32>
      %squeeze3A_261 = vector.extract %slice3A_260[0] : i32 from vector<1xi32>
      %gt3A = arith.constant 0 : i32
      %gt3A_262 = arith.cmpi sgt, %squeeze3A_243, %gt3A : i32
      %sub3A_263 = arith.constant 1 : i32
      %sub3A_264 = arith.subi %squeeze3A_243, %sub3A_263 : i32
      %mul3A_265 = arith.muli %squeeze3A_255, %sub3A_264 : i32
      %shift_right_arithmetic3A_266 = arith.constant 3 : i32
      %shift_right_arithmetic3A_267 = arith.shrsi %mul3A_265, %shift_right_arithmetic3A_266 : i32
      %add3A_268 = arith.addi %squeeze3A_251, %shift_right_arithmetic3A_267 : i32
      %add3A_269 = arith.constant 1 : i32
      %add3A_270 = arith.addi %add3A_268, %add3A_269 : i32
      %select_n3A_271 = arith.select %gt3A_262, %add3A_270, %squeeze3A_251 : i32
      %lt3A_272 = arith.constant 8 : i32
      %lt3A_273 = arith.cmpi slt, %squeeze3A_243, %lt3A_272 : i32
      %mul3A_274 = arith.muli %squeeze3A_255, %squeeze3A_243 : i32
      %shift_right_arithmetic3A_275 = arith.constant 3 : i32
      %shift_right_arithmetic3A_276 = arith.shrsi %mul3A_274, %shift_right_arithmetic3A_275 : i32
      %add3A_277 = arith.addi %squeeze3A_251, %shift_right_arithmetic3A_276 : i32
      %select_n3A_278 = arith.select %lt3A_273, %add3A_277, %squeeze3A_253 : i32
      %gt3A_279 = arith.constant 0 : i32
      %gt3A_280 = arith.cmpi sgt, %squeeze3A_249, %gt3A_279 : i32
      %sub3A_281 = arith.constant 1 : i32
      %sub3A_282 = arith.subi %squeeze3A_249, %sub3A_281 : i32
      %mul3A_283 = arith.muli %squeeze3A_261, %sub3A_282 : i32
      %shift_right_arithmetic3A_284 = arith.constant 3 : i32
      %shift_right_arithmetic3A_285 = arith.shrsi %mul3A_283, %shift_right_arithmetic3A_284 : i32
      %add3A_286 = arith.addi %squeeze3A_257, %shift_right_arithmetic3A_285 : i32
      %add3A_287 = arith.constant 1 : i32
      %add3A_288 = arith.addi %add3A_286, %add3A_287 : i32
      %select_n3A_289 = arith.select %gt3A_280, %add3A_288, %squeeze3A_257 : i32
      %lt3A_290 = arith.constant 8 : i32
      %lt3A_291 = arith.cmpi slt, %squeeze3A_249, %lt3A_290 : i32
      %mul3A_292 = arith.muli %squeeze3A_261, %squeeze3A_249 : i32
      %shift_right_arithmetic3A_293 = arith.constant 3 : i32
      %shift_right_arithmetic3A_294 = arith.shrsi %mul3A_292, %shift_right_arithmetic3A_293 : i32
      %add3A_295 = arith.addi %squeeze3A_257, %shift_right_arithmetic3A_294 : i32
      %select_n3A_296 = arith.select %lt3A_291, %add3A_295, %squeeze3A_259 : i32
      %broadcast_in_dim3A_297 = vector.broadcast %select_n3A_271 : i32 to vector<16xi32>
      %broadcast_in_dim3A_298 = vector.broadcast %select_n3A_289 : i32 to vector<16xi32>
      %select_n3A_299 = arith.select %lt3A_17, %broadcast_in_dim3A_297, %broadcast_in_dim3A_298 : vector<16xi1>, vector<16xi32>
      %broadcast_in_dim3A_300 = vector.broadcast %select_n3A_278 : i32 to vector<16xi32>
      %broadcast_in_dim3A_301 = vector.broadcast %select_n3A_296 : i32 to vector<16xi32>
      %select_n3A_302 = arith.select %lt3A_17, %broadcast_in_dim3A_300, %broadcast_in_dim3A_301 : vector<16xi1>, vector<16xi32>
      scf.yield %select_n3A_299, %select_n3A_302 : vector<16xi32>, vector<16xi32>
    }
    %scan3A_26 = arith.constant 7 : i32
    %sub3A = arith.subi %scan3A_25#1, %scan3A_25#0 : vector<16xi32>
    %add3A_27 = arith.addi %scan3A_25#0, %and3A_14 : vector<16xi32>
    %min3A = arith.constant 3199999 : i32
    %min3A_28 = vector.broadcast %min3A : i32 to vector<16xi32>
    %min3A_29 = arith.minsi %add3A_27, %min3A_28 : vector<16xi32>
    %dma_start3A_30 = arith.constant 0 : i32
    %dma_start3A_31 = tpu.memref_slice %arg2[%dma_start3A_30] : memref<3200000xi32, #tpu.memory_space<hbm>> -> memref<3200000xi32, #tpu.memory_space<hbm>>
    tpu.enqueue_indirect_dma source(%dma_start3A_31 : memref<3200000xi32, #tpu.memory_space<hbm>>) target(%arg14 : memref<16xi32, #tpu.memory_space<vmem>>) offsets(%min3A_29 : vector<16xi32>) semaphore(%arg15 : memref<!tpu.dma_semaphore, #tpu.memory_space<semaphore_mem>>)
    %dma_wait3A = arith.constant 0 : i32
    %dma_wait3A_32 = tpu.memref_slice %arg2[%dma_wait3A] : memref<3200000xi32, #tpu.memory_space<hbm>> -> memref<3200000xi32, #tpu.memory_space<hbm>>
    tpu.wait_indirect_dma semaphore(%arg15 : memref<!tpu.dma_semaphore, #tpu.memory_space<semaphore_mem>>) src(%dma_wait3A_32 : memref<3200000xi32, #tpu.memory_space<hbm>>) dst(%arg14 : memref<16xi32, #tpu.memory_space<vmem>>)
    %get3A = arith.constant 0 : index
    %get3A_33 = tpu.vector_load %arg14[%get3A] {strides = array<i32>} : memref<16xi32, #tpu.memory_space<vmem>>, vector<16xi32>,
    %lt3A_34 = arith.cmpi slt, %get3A_33, %select_n3A : vector<16xi32>
    %lt3A_35 = arith.cmpi slt, %and3A_14, %sub3A : vector<16xi32>
    %and3A_36 = arith.andi %lt3A_34, %lt3A_35 : vector<16xi1>
    %and3A_37 = arith.andi %and3A_36, %lt3A_17 : vector<16xi1>
    %all_reduce_population_count3A = tpu.all_reduce %and3A_37 {dim = 0 : i64, kind = #tpu.reduction_kind<sum>} : vector<16xi1> -> vector<16xi32>
    %slice3A = vector.extract_strided_slice %all_reduce_population_count3A {offsets = [0], sizes = [1], strides = [1]} : vector<16xi32> to vector<1xi32>
    %squeeze3A = vector.extract %slice3A[0] : i32 from vector<1xi32>
    %not3A = arith.constant dense<true> : vector<16xi1>
    %not3A_38 = arith.xori %lt3A_17, %not3A : vector<16xi1>
    %and3A_39 = arith.andi %and3A_36, %not3A_38 : vector<16xi1>
    %all_reduce_population_count3A_40 = tpu.all_reduce %and3A_39 {dim = 0 : i64, kind = #tpu.reduction_kind<sum>} : vector<16xi1> -> vector<16xi32>
    %slice3A_41 = vector.extract_strided_slice %all_reduce_population_count3A_40 {offsets = [0], sizes = [1], strides = [1]} : vector<16xi32> to vector<1xi32>
    %squeeze3A_42 = vector.extract %slice3A_41[0] : i32 from vector<1xi32>
    %slice3A_43 = vector.extract_strided_slice %scan3A_25#0 {offsets = [0], sizes = [1], strides = [1]} : vector<16xi32> to vector<1xi32>
    %squeeze3A_44 = vector.extract %slice3A_43[0] : i32 from vector<1xi32>
    %slice3A_45 = vector.extract_strided_slice %scan3A_25#1 {offsets = [0], sizes = [1], strides = [1]} : vector<16xi32> to vector<1xi32>
    %squeeze3A_46 = vector.extract %slice3A_45[0] : i32 from vector<1xi32>
    %slice3A_47 = vector.extract_strided_slice %sub3A {offsets = [0], sizes = [1], strides = [1]} : vector<16xi32> to vector<1xi32>
    %squeeze3A_48 = vector.extract %slice3A_47[0] : i32 from vector<1xi32>
    %slice3A_49 = vector.extract_strided_slice %scan3A_25#0 {offsets = [8], sizes = [1], strides = [1]} : vector<16xi32> to vector<1xi32>
    %squeeze3A_50 = vector.extract %slice3A_49[0] : i32 from vector<1xi32>
    %slice3A_51 = vector.extract_strided_slice %scan3A_25#1 {offsets = [8], sizes = [1], strides = [1]} : vector<16xi32> to vector<1xi32>
    %squeeze3A_52 = vector.extract %slice3A_51[0] : i32 from vector<1xi32>
    %slice3A_53 = vector.extract_strided_slice %sub3A {offsets = [8], sizes = [1], strides = [1]} : vector<16xi32> to vector<1xi32>
    %squeeze3A_54 = vector.extract %slice3A_53[0] : i32 from vector<1xi32>
    %add3A_55 = arith.addi %squeeze3A_44, %squeeze3A : i32
    %add3A_56 = arith.addi %squeeze3A_50, %squeeze3A_42 : i32
    %broadcast_in_dim3A_57 = vector.broadcast %add3A_55 : i32 to vector<16xi32>
    %broadcast_in_dim3A_58 = vector.broadcast %add3A_56 : i32 to vector<16xi32>
    %select_n3A_59 = arith.select %lt3A_17, %broadcast_in_dim3A_57, %broadcast_in_dim3A_58 : vector<16xi1>, vector<16xi32>
    %broadcast_in_dim3A_60 = vector.broadcast %add3A_55 : i32 to vector<16xi32>
    %broadcast_in_dim3A_61 = vector.broadcast %add3A_56 : i32 to vector<16xi32>
    %select_n3A_62 = arith.select %lt3A_17, %broadcast_in_dim3A_60, %broadcast_in_dim3A_61 : vector<16xi1>, vector<16xi32>
    %slice3A_63 = vector.extract_strided_slice %select_n3A_59 {offsets = [0], sizes = [1], strides = [1]} : vector<16xi32> to vector<1xi32>
    %squeeze3A_64 = vector.extract %slice3A_63[0] : i32 from vector<1xi32>
    %slice3A_65 = vector.extract_strided_slice %select_n3A_59 {offsets = [8], sizes = [1], strides = [1]} : vector<16xi32> to vector<1xi32>
    %squeeze3A_66 = vector.extract %slice3A_65[0] : i32 from vector<1xi32>
    %jit3A = arith.constant 4096 : i32
    %div3A = arith.divsi %squeeze3A_64, %jit3A : i32
    %sign3A = arith.constant 0 : i32
    %sign3A_67 = arith.cmpi sgt, %squeeze3A_64, %sign3A : i32
    %sign3A_68 = arith.extui %sign3A_67 : i1 to i32
    %sign3A_69 = arith.constant 0 : i32
    %sign3A_70 = arith.cmpi slt, %squeeze3A_64, %sign3A_69 : i32
    %sign3A_71 = arith.extui %sign3A_70 : i1 to i32
    %sign3A_72 = arith.subi %sign3A_68, %sign3A_71 : i32
    %sign3A_73 = arith.constant 0 : i32
    %sign3A_74 = arith.cmpi sgt, %jit3A, %sign3A_73 : i32
    %sign3A_75 = arith.extui %sign3A_74 : i1 to i32
    %sign3A_76 = arith.constant 0 : i32
    %sign3A_77 = arith.cmpi slt, %jit3A, %sign3A_76 : i32
    %sign3A_78 = arith.extui %sign3A_77 : i1 to i32
    %sign3A_79 = arith.subi %sign3A_75, %sign3A_78 : i32
    %ne3A = arith.cmpi ne, %sign3A_72, %sign3A_79 : i32
    %rem3A = arith.remsi %squeeze3A_64, %jit3A : i32
    %ne3A_80 = arith.constant 0 : i32
    %ne3A_81 = arith.cmpi ne, %rem3A, %ne3A_80 : i32
    %and3A_82 = arith.andi %ne3A, %ne3A_81 : i1
    %sub3A_83 = arith.constant 1 : i32
    %sub3A_84 = arith.subi %div3A, %sub3A_83 : i32
    %select_n3A_85 = arith.select %and3A_82, %sub3A_84, %div3A : i32
    %mul3A_86 = arith.constant 4096 : i32
    %mul3A_87 = arith.muli %select_n3A_85, %mul3A_86 : i32
    %min3A_88 = arith.constant 3198976 : i32
    %min3A_89 = arith.minsi %squeeze3A_66, %min3A_88 : i32
    %sub3A_90 = arith.subi %min3A_89, %mul3A_87 : i32
    %add3A_91 = arith.constant 4095 : i32
    %add3A_92 = arith.addi %sub3A_90, %add3A_91 : i32
    %jit3A_93 = arith.constant 4096 : i32
    %div3A_94 = arith.divsi %add3A_92, %jit3A_93 : i32
    %sign3A_95 = arith.constant 0 : i32
    %sign3A_96 = arith.cmpi sgt, %add3A_92, %sign3A_95 : i32
    %sign3A_97 = arith.extui %sign3A_96 : i1 to i32
    %sign3A_98 = arith.constant 0 : i32
    %sign3A_99 = arith.cmpi slt, %add3A_92, %sign3A_98 : i32
    %sign3A_100 = arith.extui %sign3A_99 : i1 to i32
    %sign3A_101 = arith.subi %sign3A_97, %sign3A_100 : i32
    %sign3A_102 = arith.constant 0 : i32
    %sign3A_103 = arith.cmpi sgt, %jit3A_93, %sign3A_102 : i32
    %sign3A_104 = arith.extui %sign3A_103 : i1 to i32
    %sign3A_105 = arith.constant 0 : i32
    %sign3A_106 = arith.cmpi slt, %jit3A_93, %sign3A_105 : i32
    %sign3A_107 = arith.extui %sign3A_106 : i1 to i32
    %sign3A_108 = arith.subi %sign3A_104, %sign3A_107 : i32
    %ne3A_109 = arith.cmpi ne, %sign3A_101, %sign3A_108 : i32
    %rem3A_110 = arith.remsi %add3A_92, %jit3A_93 : i32
    %ne3A_111 = arith.constant 0 : i32
    %ne3A_112 = arith.cmpi ne, %rem3A_110, %ne3A_111 : i32
    %and3A_113 = arith.andi %ne3A_109, %ne3A_112 : i1
    %sub3A_114 = arith.constant 1 : i32
    %sub3A_115 = arith.subi %div3A_94, %sub3A_114 : i32
    %select_n3A_116 = arith.select %and3A_113, %sub3A_115, %div3A_94 : i32
    %max3A = arith.constant 0 : i32
    %max3A_117 = arith.maxsi %select_n3A_116, %max3A : i32
    %max3A_118 = arith.constant 1 : i32
    %max3A_119 = arith.maxsi %max3A_117, %max3A_118 : i32
    %add3A_120 = arith.constant 1 : i32
    %add3A_121 = arith.addi %max3A_119, %add3A_120 : i32
    %shift_right_arithmetic3A = arith.constant 1 : i32
    %shift_right_arithmetic3A_122 = arith.shrsi %add3A_121, %shift_right_arithmetic3A : i32
    %add3A_123 = arith.constant 0 : i32
    %add3A_124 = arith.addi %mul3A_87, %add3A_123 : i32
    %min3A_125 = arith.constant 3194880 : i32
    %min3A_126 = arith.minsi %add3A_124, %min3A_125 : i32
    %multiple_of3A_127 = tpu.assume_multiple %min3A_126, 8 : i32
    %dma_start3A_128 = tpu.memref_slice %arg2[%multiple_of3A_127] : memref<3200000xi32, #tpu.memory_space<hbm>> -> memref<4096xi32, #tpu.memory_space<hbm>>
    %dma_start3A_129 = tpu.memref_slice %arg2[%multiple_of3A_127] : memref<3200000xi32, #tpu.memory_space<hbm>> -> memref<4096xi32, #tpu.memory_space<hbm>>
    tpu.enqueue_dma source(%dma_start3A_129 : memref<4096xi32, #tpu.memory_space<hbm>>) target(%arg8 : memref<4096xi32, #tpu.memory_space<vmem>>) target_semaphore(%arg16 : memref<!tpu.dma_semaphore, #tpu.memory_space<semaphore_mem>>)
    %dma_start3A_130 = tpu.memref_slice %arg3[%multiple_of3A_127] : memref<3200000xf32, #tpu.memory_space<hbm>> -> memref<4096xf32, #tpu.memory_space<hbm>>
    %dma_start3A_131 = tpu.memref_slice %arg3[%multiple_of3A_127] : memref<3200000xf32, #tpu.memory_space<hbm>> -> memref<4096xf32, #tpu.memory_space<hbm>>
    tpu.enqueue_dma source(%dma_start3A_131 : memref<4096xf32, #tpu.memory_space<hbm>>) target(%arg10 : memref<4096xf32, #tpu.memory_space<vmem>>) target_semaphore(%arg16 : memref<!tpu.dma_semaphore, #tpu.memory_space<semaphore_mem>>)
    %broadcast_in_dim3A_132 = arith.constant -1 : i32
    %broadcast_in_dim3A_133 = vector.broadcast %broadcast_in_dim3A_132 : i32 to vector<16xi32>
    %while3A = arith.constant 0 : i32
    %while3A_134 = arith.subi %shift_right_arithmetic3A_122, %while3A : i32
    %while3A_135 = arith.addi %while3A, %while3A_134 : i32
    %while3A_136 = arith.constant 1 : i32
    %while3A_137 = arith.divsi %while3A_134, %while3A_136 : i32
    %while3A_138 = arith.muli %while3A_137, %while3A_136 : i32
    %while3A_139 = arith.addi %while3A, %while3A_138 : i32
    %while3A_140 = arith.constant 1 : i32
    %while3A_141:3 = scf.for %while3A_213 = %while3A to %while3A_139 step %while3A_140 iter_args(%while3A_214 = %broadcast_in_dim3A_133, %while3A_215 = %broadcast_in_dim3A_3, %while3A_216 = %broadcast_in_dim3A_5) -> (vector<16xi32>, vector<16xf32>, vector<16xf32>)  : i32 {
      %mul3A_217 = arith.constant 2 : i32
      %mul3A_218 = arith.muli %mul3A_217, %while3A_213 : i32
      %add3A_219 = arith.constant 1 : i32
      %add3A_220 = arith.addi %mul3A_218, %add3A_219 : i32
      %mul3A_221 = arith.constant 4096 : i32
      %mul3A_222 = arith.muli %add3A_220, %mul3A_221 : i32
      %add3A_223 = arith.addi %mul3A_87, %mul3A_222 : i32
      %min3A_224 = arith.constant 3194880 : i32
      %min3A_225 = arith.minsi %add3A_223, %min3A_224 : i32
      %multiple_of3A_226 = tpu.assume_multiple %min3A_225, 8 : i32
      %dma_start3A_227 = tpu.memref_slice %arg2[%multiple_of3A_226] : memref<3200000xi32, #tpu.memory_space<hbm>> -> memref<4096xi32, #tpu.memory_space<hbm>>
      %dma_start3A_228 = tpu.memref_slice %arg2[%multiple_of3A_226] : memref<3200000xi32, #tpu.memory_space<hbm>> -> memref<4096xi32, #tpu.memory_space<hbm>>
      tpu.enqueue_dma source(%dma_start3A_228 : memref<4096xi32, #tpu.memory_space<hbm>>) target(%arg9 : memref<4096xi32, #tpu.memory_space<vmem>>) target_semaphore(%arg17 : memref<!tpu.dma_semaphore, #tpu.memory_space<semaphore_mem>>)
      %dma_start3A_229 = tpu.memref_slice %arg3[%multiple_of3A_226] : memref<3200000xf32, #tpu.memory_space<hbm>> -> memref<4096xf32, #tpu.memory_space<hbm>>
      %dma_start3A_230 = tpu.memref_slice %arg3[%multiple_of3A_226] : memref<3200000xf32, #tpu.memory_space<hbm>> -> memref<4096xf32, #tpu.memory_space<hbm>>
      tpu.enqueue_dma source(%dma_start3A_230 : memref<4096xf32, #tpu.memory_space<hbm>>) target(%arg11 : memref<4096xf32, #tpu.memory_space<vmem>>) target_semaphore(%arg17 : memref<!tpu.dma_semaphore, #tpu.memory_space<semaphore_mem>>)
      %dma_wait3A_231 = arith.constant 0 : i32
      %dma_wait3A_232 = tpu.memref_slice %arg2[%dma_wait3A_231] : memref<3200000xi32, #tpu.memory_space<hbm>> -> memref<4096xi32, #tpu.memory_space<hbm>>
      %dma_wait3A_233 = arith.constant 0 : i32
      %dma_wait3A_234 = tpu.memref_slice %arg2[%dma_wait3A_233] : memref<3200000xi32, #tpu.memory_space<hbm>> -> memref<4096xi32, #tpu.memory_space<hbm>>
      tpu.wait_dma2 semaphore(%arg16 : memref<!tpu.dma_semaphore, #tpu.memory_space<semaphore_mem>>) src(%dma_wait3A_234 : memref<4096xi32, #tpu.memory_space<hbm>>) dst(%arg8 : memref<4096xi32, #tpu.memory_space<vmem>>)
      %dma_wait3A_235 = arith.constant 0 : i32
      %dma_wait3A_236 = tpu.memref_slice %arg3[%dma_wait3A_235] : memref<3200000xf32, #tpu.memory_space<hbm>> -> memref<4096xf32, #tpu.memory_space<hbm>>
      %dma_wait3A_237 = arith.constant 0 : i32
      %dma_wait3A_238 = tpu.memref_slice %arg3[%dma_wait3A_237] : memref<3200000xf32, #tpu.memory_space<hbm>> -> memref<4096xf32, #tpu.memory_space<hbm>>
      tpu.wait_dma2 semaphore(%arg16 : memref<!tpu.dma_semaphore, #tpu.memory_space<semaphore_mem>>) src(%dma_wait3A_238 : memref<4096xf32, #tpu.memory_space<hbm>>) dst(%arg10 : memref<4096xf32, #tpu.memory_space<vmem>>)
      %lt3A_239 = arith.cmpi slt, %mul3A_218, %max3A_117 : i32
      %convert_element_type3A = arith.extui %lt3A_239 : i1 to i32
      %cond3A = arith.constant 0 : i32
      %cond3A_240 = arith.cmpi ne, %convert_element_type3A, %cond3A : i32
      %cond3A_241:3 = scf.if %cond3A_240 -> (vector<16xi32>, vector<16xf32>, vector<16xf32>) {
        %scan3A_263 = arith.constant 0 : i32
        %scan3A_264 = arith.constant 32 : i32
        %scan3A_265 = arith.addi %scan3A_263, %scan3A_264 : i32
        %scan3A_266 = arith.constant 1 : i32
        %scan3A_267:3 = scf.for %scan3A_269 = %scan3A_263 to %scan3A_265 step %scan3A_266 iter_args(%scan3A_270 = %while3A_214, %scan3A_271 = %while3A_215, %scan3A_272 = %while3A_216) -> (vector<16xi32>, vector<16xf32>, vector<16xf32>)  : i32 {
          %mul3A_273 = arith.constant 8 : i32
          %mul3A_274 = arith.muli %scan3A_269, %mul3A_273 : i32
          %add3A_275 = arith.constant 0 : i32
          %add3A_276 = arith.addi %mul3A_274, %add3A_275 : i32
          %mul3A_277 = arith.constant 16 : i32
          %mul3A_278 = arith.muli %add3A_276, %mul3A_277 : i32
          %multiple_of3A_279 = tpu.assume_multiple %mul3A_278, 16 : i32
          %get3A_280 = arith.index_cast %multiple_of3A_279 : i32 to index
          %get3A_281 = tpu.vector_load %arg8[%get3A_280] {strides = array<i32>} : memref<4096xi32, #tpu.memory_space<vmem>>, vector<16xi32>,
          %get3A_282 = arith.index_cast %multiple_of3A_279 : i32 to index
          %get3A_283 = tpu.vector_load %arg10[%get3A_282] {strides = array<i32>} : memref<4096xf32, #tpu.memory_space<vmem>>, vector<16xf32>,
          %eq3A = arith.cmpi eq, %get3A_281, %scan3A_270 : vector<16xi32>
          %sub3A_284 = vector.broadcast %mul3A_2 : i32 to vector<16xi32>
          %sub3A_285 = arith.subi %scan3A_270, %sub3A_284 : vector<16xi32>
          %ge3A_286 = arith.constant 0 : i32
          %ge3A_287 = vector.broadcast %ge3A_286 : i32 to vector<16xi32>
          %ge3A_288 = arith.cmpi sge, %sub3A_285, %ge3A_287 : vector<16xi32>
          %lt3A_289 = arith.constant 1568 : i32
          %lt3A_290 = vector.broadcast %lt3A_289 : i32 to vector<16xi32>
          %lt3A_291 = arith.cmpi slt, %sub3A_285, %lt3A_290 : vector<16xi32>
          %and3A_292 = arith.andi %ge3A_288, %lt3A_291 : vector<16xi1>
          %jit3A_293 = arith.constant 0 : i32
          %broadcast_in_dim3A_294 = vector.broadcast %jit3A_293 : i32 to vector<16xi32>
          %select_n3A_295 = arith.select %and3A_292, %sub3A_285, %broadcast_in_dim3A_294 : vector<16xi1>, vector<16xi32>
          %mul3A_296 = arith.constant 16 : i32
          %mul3A_297 = vector.broadcast %mul3A_296 : i32 to vector<16xi32>
          %mul3A_298 = arith.muli %select_n3A_295, %mul3A_297 : vector<16xi32>
          %add3A_299 = arith.addi %mul3A_298, %iota3A : vector<16xi32>
          %not3A_300 = arith.constant dense<true> : vector<16xi1>
          %not3A_301 = arith.xori %eq3A, %not3A_300 : vector<16xi1>
          %and3A_302 = arith.andi %not3A_301, %and3A_292 : vector<16xi1>
          tpu.vector_store_idx %arg6[%add3A_299], %scan3A_271 masked %and3A_302 : memref<25088xf32, #tpu.memory_space<vmem>>[vector<16xi32>], vector<16xf32>, vector<16xi1>
          tpu.vector_store_idx %arg7[%add3A_299], %scan3A_272 masked %and3A_302 : memref<25088xf32, #tpu.memory_space<vmem>>[vector<16xi32>], vector<16xf32>, vector<16xi1>
          %select_n3A_303 = arith.select %eq3A, %scan3A_271, %broadcast_in_dim3A_3 : vector<16xi1>, vector<16xf32>
          %max3A_304 = arith.maximumf %select_n3A_303, %get3A_283 : vector<16xf32>
          %select_n3A_305 = arith.select %eq3A, %scan3A_272, %broadcast_in_dim3A_5 : vector<16xi1>, vector<16xf32>
          %min3A_306 = arith.minimumf %select_n3A_305, %get3A_283 : vector<16xf32>
          %mul3A_307 = arith.constant 8 : i32
          %mul3A_308 = arith.muli %scan3A_269, %mul3A_307 : i32
          %add3A_309 = arith.constant 1 : i32
          %add3A_310 = arith.addi %mul3A_308, %add3A_309 : i32
          %mul3A_311 = arith.constant 16 : i32
          %mul3A_312 = arith.muli %add3A_310, %mul3A_311 : i32
          %multiple_of3A_313 = tpu.assume_multiple %mul3A_312, 16 : i32
          %get3A_314 = arith.index_cast %multiple_of3A_313 : i32 to index
          %get3A_315 = tpu.vector_load %arg8[%get3A_314] {strides = array<i32>} : memref<4096xi32, #tpu.memory_space<vmem>>, vector<16xi32>,
          %get3A_316 = arith.index_cast %multiple_of3A_313 : i32 to index
          %get3A_317 = tpu.vector_load %arg10[%get3A_316] {strides = array<i32>} : memref<4096xf32, #tpu.memory_space<vmem>>, vector<16xf32>,
          %eq3A_318 = arith.cmpi eq, %get3A_315, %get3A_281 : vector<16xi32>
          %sub3A_319 = vector.broadcast %mul3A_2 : i32 to vector<16xi32>
          %sub3A_320 = arith.subi %get3A_281, %sub3A_319 : vector<16xi32>
          %ge3A_321 = arith.constant 0 : i32
          %ge3A_322 = vector.broadcast %ge3A_321 : i32 to vector<16xi32>
          %ge3A_323 = arith.cmpi sge, %sub3A_320, %ge3A_322 : vector<16xi32>
          %lt3A_324 = arith.constant 1568 : i32
          %lt3A_325 = vector.broadcast %lt3A_324 : i32 to vector<16xi32>
          %lt3A_326 = arith.cmpi slt, %sub3A_320, %lt3A_325 : vector<16xi32>
          %and3A_327 = arith.andi %ge3A_323, %lt3A_326 : vector<16xi1>
          %jit3A_328 = arith.constant 0 : i32
          %broadcast_in_dim3A_329 = vector.broadcast %jit3A_328 : i32 to vector<16xi32>
          %select_n3A_330 = arith.select %and3A_327, %sub3A_320, %broadcast_in_dim3A_329 : vector<16xi1>, vector<16xi32>
          %mul3A_331 = arith.constant 16 : i32
          %mul3A_332 = vector.broadcast %mul3A_331 : i32 to vector<16xi32>
          %mul3A_333 = arith.muli %select_n3A_330, %mul3A_332 : vector<16xi32>
          %add3A_334 = arith.addi %mul3A_333, %iota3A : vector<16xi32>
          %not3A_335 = arith.constant dense<true> : vector<16xi1>
          %not3A_336 = arith.xori %eq3A_318, %not3A_335 : vector<16xi1>
          %and3A_337 = arith.andi %not3A_336, %and3A_327 : vector<16xi1>
          tpu.vector_store_idx %arg6[%add3A_334], %max3A_304 masked %and3A_337 : memref<25088xf32, #tpu.memory_space<vmem>>[vector<16xi32>], vector<16xf32>, vector<16xi1>
          tpu.vector_store_idx %arg7[%add3A_334], %min3A_306 masked %and3A_337 : memref<25088xf32, #tpu.memory_space<vmem>>[vector<16xi32>], vector<16xf32>, vector<16xi1>
          %select_n3A_338 = arith.select %eq3A_318, %max3A_304, %broadcast_in_dim3A_3 : vector<16xi1>, vector<16xf32>
          %max3A_339 = arith.maximumf %select_n3A_338, %get3A_317 : vector<16xf32>
          %select_n3A_340 = arith.select %eq3A_318, %min3A_306, %broadcast_in_dim3A_5 : vector<16xi1>, vector<16xf32>
          %min3A_341 = arith.minimumf %select_n3A_340, %get3A_317 : vector<16xf32>
          %mul3A_342 = arith.constant 8 : i32
          %mul3A_343 = arith.muli %scan3A_269, %mul3A_342 : i32
          %add3A_344 = arith.constant 2 : i32
          %add3A_345 = arith.addi %mul3A_343, %add3A_344 : i32
          %mul3A_346 = arith.constant 16 : i32
          %mul3A_347 = arith.muli %add3A_345, %mul3A_346 : i32
          %multiple_of3A_348 = tpu.assume_multiple %mul3A_347, 16 : i32
          %get3A_349 = arith.index_cast %multiple_of3A_348 : i32 to index
          %get3A_350 = tpu.vector_load %arg8[%get3A_349] {strides = array<i32>} : memref<4096xi32, #tpu.memory_space<vmem>>, vector<16xi32>,
          %get3A_351 = arith.index_cast %multiple_of3A_348 : i32 to index
          %get3A_352 = tpu.vector_load %arg10[%get3A_351] {strides = array<i32>} : memref<4096xf32, #tpu.memory_space<vmem>>, vector<16xf32>,
          %eq3A_353 = arith.cmpi eq, %get3A_350, %get3A_315 : vector<16xi32>
          %sub3A_354 = vector.broadcast %mul3A_2 : i32 to vector<16xi32>
          %sub3A_355 = arith.subi %get3A_315, %sub3A_354 : vector<16xi32>
          %ge3A_356 = arith.constant 0 : i32
          %ge3A_357 = vector.broadcast %ge3A_356 : i32 to vector<16xi32>
          %ge3A_358 = arith.cmpi sge, %sub3A_355, %ge3A_357 : vector<16xi32>
          %lt3A_359 = arith.constant 1568 : i32
          %lt3A_360 = vector.broadcast %lt3A_359 : i32 to vector<16xi32>
          %lt3A_361 = arith.cmpi slt, %sub3A_355, %lt3A_360 : vector<16xi32>
          %and3A_362 = arith.andi %ge3A_358, %lt3A_361 : vector<16xi1>
          %jit3A_363 = arith.constant 0 : i32
          %broadcast_in_dim3A_364 = vector.broadcast %jit3A_363 : i32 to vector<16xi32>
          %select_n3A_365 = arith.select %and3A_362, %sub3A_355, %broadcast_in_dim3A_364 : vector<16xi1>, vector<16xi32>
          %mul3A_366 = arith.constant 16 : i32
          %mul3A_367 = vector.broadcast %mul3A_366 : i32 to vector<16xi32>
          %mul3A_368 = arith.muli %select_n3A_365, %mul3A_367 : vector<16xi32>
          %add3A_369 = arith.addi %mul3A_368, %iota3A : vector<16xi32>
          %not3A_370 = arith.constant dense<true> : vector<16xi1>
          %not3A_371 = arith.xori %eq3A_353, %not3A_370 : vector<16xi1>
          %and3A_372 = arith.andi %not3A_371, %and3A_362 : vector<16xi1>
          tpu.vector_store_idx %arg6[%add3A_369], %max3A_339 masked %and3A_372 : memref<25088xf32, #tpu.memory_space<vmem>>[vector<16xi32>], vector<16xf32>, vector<16xi1>
          tpu.vector_store_idx %arg7[%add3A_369], %min3A_341 masked %and3A_372 : memref<25088xf32, #tpu.memory_space<vmem>>[vector<16xi32>], vector<16xf32>, vector<16xi1>
          %select_n3A_373 = arith.select %eq3A_353, %max3A_339, %broadcast_in_dim3A_3 : vector<16xi1>, vector<16xf32>
          %max3A_374 = arith.maximumf %select_n3A_373, %get3A_352 : vector<16xf32>
          %select_n3A_375 = arith.select %eq3A_353, %min3A_341, %broadcast_in_dim3A_5 : vector<16xi1>, vector<16xf32>
          %min3A_376 = arith.minimumf %select_n3A_375, %get3A_352 : vector<16xf32>
          %mul3A_377 = arith.constant 8 : i32
          %mul3A_378 = arith.muli %scan3A_269, %mul3A_377 : i32
          %add3A_379 = arith.constant 3 : i32
          %add3A_380 = arith.addi %mul3A_378, %add3A_379 : i32
          %mul3A_381 = arith.constant 16 : i32
          %mul3A_382 = arith.muli %add3A_380, %mul3A_381 : i32
          %multiple_of3A_383 = tpu.assume_multiple %mul3A_382, 16 : i32
          %get3A_384 = arith.index_cast %multiple_of3A_383 : i32 to index
          %get3A_385 = tpu.vector_load %arg8[%get3A_384] {strides = array<i32>} : memref<4096xi32, #tpu.memory_space<vmem>>, vector<16xi32>,
          %get3A_386 = arith.index_cast %multiple_of3A_383 : i32 to index
          %get3A_387 = tpu.vector_load %arg10[%get3A_386] {strides = array<i32>} : memref<4096xf32, #tpu.memory_space<vmem>>, vector<16xf32>,
          %eq3A_388 = arith.cmpi eq, %get3A_385, %get3A_350 : vector<16xi32>
          %sub3A_389 = vector.broadcast %mul3A_2 : i32 to vector<16xi32>
          %sub3A_390 = arith.subi %get3A_350, %sub3A_389 : vector<16xi32>
          %ge3A_391 = arith.constant 0 : i32
          %ge3A_392 = vector.broadcast %ge3A_391 : i32 to vector<16xi32>
          %ge3A_393 = arith.cmpi sge, %sub3A_390, %ge3A_392 : vector<16xi32>
          %lt3A_394 = arith.constant 1568 : i32
          %lt3A_395 = vector.broadcast %lt3A_394 : i32 to vector<16xi32>
          %lt3A_396 = arith.cmpi slt, %sub3A_390, %lt3A_395 : vector<16xi32>
          %and3A_397 = arith.andi %ge3A_393, %lt3A_396 : vector<16xi1>
          %jit3A_398 = arith.constant 0 : i32
          %broadcast_in_dim3A_399 = vector.broadcast %jit3A_398 : i32 to vector<16xi32>
          %select_n3A_400 = arith.select %and3A_397, %sub3A_390, %broadcast_in_dim3A_399 : vector<16xi1>, vector<16xi32>
          %mul3A_401 = arith.constant 16 : i32
          %mul3A_402 = vector.broadcast %mul3A_401 : i32 to vector<16xi32>
          %mul3A_403 = arith.muli %select_n3A_400, %mul3A_402 : vector<16xi32>
          %add3A_404 = arith.addi %mul3A_403, %iota3A : vector<16xi32>
          %not3A_405 = arith.constant dense<true> : vector<16xi1>
          %not3A_406 = arith.xori %eq3A_388, %not3A_405 : vector<16xi1>
          %and3A_407 = arith.andi %not3A_406, %and3A_397 : vector<16xi1>
          tpu.vector_store_idx %arg6[%add3A_404], %max3A_374 masked %and3A_407 : memref<25088xf32, #tpu.memory_space<vmem>>[vector<16xi32>], vector<16xf32>, vector<16xi1>
          tpu.vector_store_idx %arg7[%add3A_404], %min3A_376 masked %and3A_407 : memref<25088xf32, #tpu.memory_space<vmem>>[vector<16xi32>], vector<16xf32>, vector<16xi1>
          %select_n3A_408 = arith.select %eq3A_388, %max3A_374, %broadcast_in_dim3A_3 : vector<16xi1>, vector<16xf32>
          %max3A_409 = arith.maximumf %select_n3A_408, %get3A_387 : vector<16xf32>
          %select_n3A_410 = arith.select %eq3A_388, %min3A_376, %broadcast_in_dim3A_5 : vector<16xi1>, vector<16xf32>
          %min3A_411 = arith.minimumf %select_n3A_410, %get3A_387 : vector<16xf32>
          %mul3A_412 = arith.constant 8 : i32
          %mul3A_413 = arith.muli %scan3A_269, %mul3A_412 : i32
          %add3A_414 = arith.constant 4 : i32
          %add3A_415 = arith.addi %mul3A_413, %add3A_414 : i32
          %mul3A_416 = arith.constant 16 : i32
          %mul3A_417 = arith.muli %add3A_415, %mul3A_416 : i32
          %multiple_of3A_418 = tpu.assume_multiple %mul3A_417, 16 : i32
          %get3A_419 = arith.index_cast %multiple_of3A_418 : i32 to index
          %get3A_420 = tpu.vector_load %arg8[%get3A_419] {strides = array<i32>} : memref<4096xi32, #tpu.memory_space<vmem>>, vector<16xi32>,
          %get3A_421 = arith.index_cast %multiple_of3A_418 : i32 to index
          %get3A_422 = tpu.vector_load %arg10[%get3A_421] {strides = array<i32>} : memref<4096xf32, #tpu.memory_space<vmem>>, vector<16xf32>,
          %eq3A_423 = arith.cmpi eq, %get3A_420, %get3A_385 : vector<16xi32>
          %sub3A_424 = vector.broadcast %mul3A_2 : i32 to vector<16xi32>
          %sub3A_425 = arith.subi %get3A_385, %sub3A_424 : vector<16xi32>
          %ge3A_426 = arith.constant 0 : i32
          %ge3A_427 = vector.broadcast %ge3A_426 : i32 to vector<16xi32>
          %ge3A_428 = arith.cmpi sge, %sub3A_425, %ge3A_427 : vector<16xi32>
          %lt3A_429 = arith.constant 1568 : i32
          %lt3A_430 = vector.broadcast %lt3A_429 : i32 to vector<16xi32>
          %lt3A_431 = arith.cmpi slt, %sub3A_425, %lt3A_430 : vector<16xi32>
          %and3A_432 = arith.andi %ge3A_428, %lt3A_431 : vector<16xi1>
          %jit3A_433 = arith.constant 0 : i32
          %broadcast_in_dim3A_434 = vector.broadcast %jit3A_433 : i32 to vector<16xi32>
          %select_n3A_435 = arith.select %and3A_432, %sub3A_425, %broadcast_in_dim3A_434 : vector<16xi1>, vector<16xi32>
          %mul3A_436 = arith.constant 16 : i32
          %mul3A_437 = vector.broadcast %mul3A_436 : i32 to vector<16xi32>
          %mul3A_438 = arith.muli %select_n3A_435, %mul3A_437 : vector<16xi32>
          %add3A_439 = arith.addi %mul3A_438, %iota3A : vector<16xi32>
          %not3A_440 = arith.constant dense<true> : vector<16xi1>
          %not3A_441 = arith.xori %eq3A_423, %not3A_440 : vector<16xi1>
          %and3A_442 = arith.andi %not3A_441, %and3A_432 : vector<16xi1>
          tpu.vector_store_idx %arg6[%add3A_439], %max3A_409 masked %and3A_442 : memref<25088xf32, #tpu.memory_space<vmem>>[vector<16xi32>], vector<16xf32>, vector<16xi1>
          tpu.vector_store_idx %arg7[%add3A_439], %min3A_411 masked %and3A_442 : memref<25088xf32, #tpu.memory_space<vmem>>[vector<16xi32>], vector<16xf32>, vector<16xi1>
          %select_n3A_443 = arith.select %eq3A_423, %max3A_409, %broadcast_in_dim3A_3 : vector<16xi1>, vector<16xf32>
          %max3A_444 = arith.maximumf %select_n3A_443, %get3A_422 : vector<16xf32>
          %select_n3A_445 = arith.select %eq3A_423, %min3A_411, %broadcast_in_dim3A_5 : vector<16xi1>, vector<16xf32>
          %min3A_446 = arith.minimumf %select_n3A_445, %get3A_422 : vector<16xf32>
          %mul3A_447 = arith.constant 8 : i32
          %mul3A_448 = arith.muli %scan3A_269, %mul3A_447 : i32
          %add3A_449 = arith.constant 5 : i32
          %add3A_450 = arith.addi %mul3A_448, %add3A_449 : i32
          %mul3A_451 = arith.constant 16 : i32
          %mul3A_452 = arith.muli %add3A_450, %mul3A_451 : i32
          %multiple_of3A_453 = tpu.assume_multiple %mul3A_452, 16 : i32
          %get3A_454 = arith.index_cast %multiple_of3A_453 : i32 to index
          %get3A_455 = tpu.vector_load %arg8[%get3A_454] {strides = array<i32>} : memref<4096xi32, #tpu.memory_space<vmem>>, vector<16xi32>,
          %get3A_456 = arith.index_cast %multiple_of3A_453 : i32 to index
          %get3A_457 = tpu.vector_load %arg10[%get3A_456] {strides = array<i32>} : memref<4096xf32, #tpu.memory_space<vmem>>, vector<16xf32>,
          %eq3A_458 = arith.cmpi eq, %get3A_455, %get3A_420 : vector<16xi32>
          %sub3A_459 = vector.broadcast %mul3A_2 : i32 to vector<16xi32>
          %sub3A_460 = arith.subi %get3A_420, %sub3A_459 : vector<16xi32>
          %ge3A_461 = arith.constant 0 : i32
          %ge3A_462 = vector.broadcast %ge3A_461 : i32 to vector<16xi32>
          %ge3A_463 = arith.cmpi sge, %sub3A_460, %ge3A_462 : vector<16xi32>
          %lt3A_464 = arith.constant 1568 : i32
          %lt3A_465 = vector.broadcast %lt3A_464 : i32 to vector<16xi32>
          %lt3A_466 = arith.cmpi slt, %sub3A_460, %lt3A_465 : vector<16xi32>
          %and3A_467 = arith.andi %ge3A_463, %lt3A_466 : vector<16xi1>
          %jit3A_468 = arith.constant 0 : i32
          %broadcast_in_dim3A_469 = vector.broadcast %jit3A_468 : i32 to vector<16xi32>
          %select_n3A_470 = arith.select %and3A_467, %sub3A_460, %broadcast_in_dim3A_469 : vector<16xi1>, vector<16xi32>
          %mul3A_471 = arith.constant 16 : i32
          %mul3A_472 = vector.broadcast %mul3A_471 : i32 to vector<16xi32>
          %mul3A_473 = arith.muli %select_n3A_470, %mul3A_472 : vector<16xi32>
          %add3A_474 = arith.addi %mul3A_473, %iota3A : vector<16xi32>
          %not3A_475 = arith.constant dense<true> : vector<16xi1>
          %not3A_476 = arith.xori %eq3A_458, %not3A_475 : vector<16xi1>
          %and3A_477 = arith.andi %not3A_476, %and3A_467 : vector<16xi1>
          tpu.vector_store_idx %arg6[%add3A_474], %max3A_444 masked %and3A_477 : memref<25088xf32, #tpu.memory_space<vmem>>[vector<16xi32>], vector<16xf32>, vector<16xi1>
          tpu.vector_store_idx %arg7[%add3A_474], %min3A_446 masked %and3A_477 : memref<25088xf32, #tpu.memory_space<vmem>>[vector<16xi32>], vector<16xf32>, vector<16xi1>
          %select_n3A_478 = arith.select %eq3A_458, %max3A_444, %broadcast_in_dim3A_3 : vector<16xi1>, vector<16xf32>
          %max3A_479 = arith.maximumf %select_n3A_478, %get3A_457 : vector<16xf32>
          %select_n3A_480 = arith.select %eq3A_458, %min3A_446, %broadcast_in_dim3A_5 : vector<16xi1>, vector<16xf32>
          %min3A_481 = arith.minimumf %select_n3A_480, %get3A_457 : vector<16xf32>
          %mul3A_482 = arith.constant 8 : i32
          %mul3A_483 = arith.muli %scan3A_269, %mul3A_482 : i32
          %add3A_484 = arith.constant 6 : i32
          %add3A_485 = arith.addi %mul3A_483, %add3A_484 : i32
          %mul3A_486 = arith.constant 16 : i32
          %mul3A_487 = arith.muli %add3A_485, %mul3A_486 : i32
          %multiple_of3A_488 = tpu.assume_multiple %mul3A_487, 16 : i32
          %get3A_489 = arith.index_cast %multiple_of3A_488 : i32 to index
          %get3A_490 = tpu.vector_load %arg8[%get3A_489] {strides = array<i32>} : memref<4096xi32, #tpu.memory_space<vmem>>, vector<16xi32>,
          %get3A_491 = arith.index_cast %multiple_of3A_488 : i32 to index
          %get3A_492 = tpu.vector_load %arg10[%get3A_491] {strides = array<i32>} : memref<4096xf32, #tpu.memory_space<vmem>>, vector<16xf32>,
          %eq3A_493 = arith.cmpi eq, %get3A_490, %get3A_455 : vector<16xi32>
          %sub3A_494 = vector.broadcast %mul3A_2 : i32 to vector<16xi32>
          %sub3A_495 = arith.subi %get3A_455, %sub3A_494 : vector<16xi32>
          %ge3A_496 = arith.constant 0 : i32
          %ge3A_497 = vector.broadcast %ge3A_496 : i32 to vector<16xi32>
          %ge3A_498 = arith.cmpi sge, %sub3A_495, %ge3A_497 : vector<16xi32>
          %lt3A_499 = arith.constant 1568 : i32
          %lt3A_500 = vector.broadcast %lt3A_499 : i32 to vector<16xi32>
          %lt3A_501 = arith.cmpi slt, %sub3A_495, %lt3A_500 : vector<16xi32>
          %and3A_502 = arith.andi %ge3A_498, %lt3A_501 : vector<16xi1>
          %jit3A_503 = arith.constant 0 : i32
          %broadcast_in_dim3A_504 = vector.broadcast %jit3A_503 : i32 to vector<16xi32>
          %select_n3A_505 = arith.select %and3A_502, %sub3A_495, %broadcast_in_dim3A_504 : vector<16xi1>, vector<16xi32>
          %mul3A_506 = arith.constant 16 : i32
          %mul3A_507 = vector.broadcast %mul3A_506 : i32 to vector<16xi32>
          %mul3A_508 = arith.muli %select_n3A_505, %mul3A_507 : vector<16xi32>
          %add3A_509 = arith.addi %mul3A_508, %iota3A : vector<16xi32>
          %not3A_510 = arith.constant dense<true> : vector<16xi1>
          %not3A_511 = arith.xori %eq3A_493, %not3A_510 : vector<16xi1>
          %and3A_512 = arith.andi %not3A_511, %and3A_502 : vector<16xi1>
          tpu.vector_store_idx %arg6[%add3A_509], %max3A_479 masked %and3A_512 : memref<25088xf32, #tpu.memory_space<vmem>>[vector<16xi32>], vector<16xf32>, vector<16xi1>
          tpu.vector_store_idx %arg7[%add3A_509], %min3A_481 masked %and3A_512 : memref<25088xf32, #tpu.memory_space<vmem>>[vector<16xi32>], vector<16xf32>, vector<16xi1>
          %select_n3A_513 = arith.select %eq3A_493, %max3A_479, %broadcast_in_dim3A_3 : vector<16xi1>, vector<16xf32>
          %max3A_514 = arith.maximumf %select_n3A_513, %get3A_492 : vector<16xf32>
          %select_n3A_515 = arith.select %eq3A_493, %min3A_481, %broadcast_in_dim3A_5 : vector<16xi1>, vector<16xf32>
          %min3A_516 = arith.minimumf %select_n3A_515, %get3A_492 : vector<16xf32>
          %mul3A_517 = arith.constant 8 : i32
          %mul3A_518 = arith.muli %scan3A_269, %mul3A_517 : i32
          %add3A_519 = arith.constant 7 : i32
          %add3A_520 = arith.addi %mul3A_518, %add3A_519 : i32
          %mul3A_521 = arith.constant 16 : i32
          %mul3A_522 = arith.muli %add3A_520, %mul3A_521 : i32
          %multiple_of3A_523 = tpu.assume_multiple %mul3A_522, 16 : i32
          %get3A_524 = arith.index_cast %multiple_of3A_523 : i32 to index
          %get3A_525 = tpu.vector_load %arg8[%get3A_524] {strides = array<i32>} : memref<4096xi32, #tpu.memory_space<vmem>>, vector<16xi32>,
          %get3A_526 = arith.index_cast %multiple_of3A_523 : i32 to index
          %get3A_527 = tpu.vector_load %arg10[%get3A_526] {strides = array<i32>} : memref<4096xf32, #tpu.memory_space<vmem>>, vector<16xf32>,
          %eq3A_528 = arith.cmpi eq, %get3A_525, %get3A_490 : vector<16xi32>
          %sub3A_529 = vector.broadcast %mul3A_2 : i32 to vector<16xi32>
          %sub3A_530 = arith.subi %get3A_490, %sub3A_529 : vector<16xi32>
          %ge3A_531 = arith.constant 0 : i32
          %ge3A_532 = vector.broadcast %ge3A_531 : i32 to vector<16xi32>
          %ge3A_533 = arith.cmpi sge, %sub3A_530, %ge3A_532 : vector<16xi32>
          %lt3A_534 = arith.constant 1568 : i32
          %lt3A_535 = vector.broadcast %lt3A_534 : i32 to vector<16xi32>
          %lt3A_536 = arith.cmpi slt, %sub3A_530, %lt3A_535 : vector<16xi32>
          %and3A_537 = arith.andi %ge3A_533, %lt3A_536 : vector<16xi1>
          %jit3A_538 = arith.constant 0 : i32
          %broadcast_in_dim3A_539 = vector.broadcast %jit3A_538 : i32 to vector<16xi32>
          %select_n3A_540 = arith.select %and3A_537, %sub3A_530, %broadcast_in_dim3A_539 : vector<16xi1>, vector<16xi32>
          %mul3A_541 = arith.constant 16 : i32
          %mul3A_542 = vector.broadcast %mul3A_541 : i32 to vector<16xi32>
          %mul3A_543 = arith.muli %select_n3A_540, %mul3A_542 : vector<16xi32>
          %add3A_544 = arith.addi %mul3A_543, %iota3A : vector<16xi32>
          %not3A_545 = arith.constant dense<true> : vector<16xi1>
          %not3A_546 = arith.xori %eq3A_528, %not3A_545 : vector<16xi1>
          %and3A_547 = arith.andi %not3A_546, %and3A_537 : vector<16xi1>
          tpu.vector_store_idx %arg6[%add3A_544], %max3A_514 masked %and3A_547 : memref<25088xf32, #tpu.memory_space<vmem>>[vector<16xi32>], vector<16xf32>, vector<16xi1>
          tpu.vector_store_idx %arg7[%add3A_544], %min3A_516 masked %and3A_547 : memref<25088xf32, #tpu.memory_space<vmem>>[vector<16xi32>], vector<16xf32>, vector<16xi1>
          %select_n3A_548 = arith.select %eq3A_528, %max3A_514, %broadcast_in_dim3A_3 : vector<16xi1>, vector<16xf32>
          %max3A_549 = arith.maximumf %select_n3A_548, %get3A_527 : vector<16xf32>
          %select_n3A_550 = arith.select %eq3A_528, %min3A_516, %broadcast_in_dim3A_5 : vector<16xi1>, vector<16xf32>
          %min3A_551 = arith.minimumf %select_n3A_550, %get3A_527 : vector<16xf32>
          scf.yield %get3A_525, %max3A_549, %min3A_551 : vector<16xi32>, vector<16xf32>, vector<16xf32>
        }
        %scan3A_268 = arith.constant 32 : i32
        scf.yield %scan3A_267#0, %scan3A_267#1, %scan3A_267#2 : vector<16xi32>, vector<16xf32>, vector<16xf32>
      } else {
        scf.yield %while3A_214, %while3A_215, %while3A_216 : vector<16xi32>, vector<16xf32>, vector<16xf32>
      }
      %add3A_242 = arith.constant 1 : i32
      %add3A_243 = arith.addi %while3A_213, %add3A_242 : i32
      %lt3A_244 = arith.cmpi slt, %add3A_243, %shift_right_arithmetic3A_122 : i32
      %convert_element_type3A_245 = arith.extui %lt3A_244 : i1 to i32
      %cond3A_246 = arith.constant 0 : i32
      %cond3A_247 = arith.cmpi ne, %convert_element_type3A_245, %cond3A_246 : i32
      scf.if %cond3A_247 {
        %add3A_263 = arith.constant 2 : i32
        %add3A_264 = arith.addi %mul3A_218, %add3A_263 : i32
        %mul3A_265 = arith.constant 4096 : i32
        %mul3A_266 = arith.muli %add3A_264, %mul3A_265 : i32
        %add3A_267 = arith.addi %mul3A_87, %mul3A_266 : i32
        %min3A_268 = arith.constant 3194880 : i32
        %min3A_269 = arith.minsi %add3A_267, %min3A_268 : i32
        %multiple_of3A_270 = tpu.assume_multiple %min3A_269, 8 : i32
        %dma_start3A_271 = tpu.memref_slice %arg2[%multiple_of3A_270] : memref<3200000xi32, #tpu.memory_space<hbm>> -> memref<4096xi32, #tpu.memory_space<hbm>>
        %dma_start3A_272 = tpu.memref_slice %arg2[%multiple_of3A_270] : memref<3200000xi32, #tpu.memory_space<hbm>> -> memref<4096xi32, #tpu.memory_space<hbm>>
        tpu.enqueue_dma source(%dma_start3A_272 : memref<4096xi32, #tpu.memory_space<hbm>>) target(%arg8 : memref<4096xi32, #tpu.memory_space<vmem>>) target_semaphore(%arg16 : memref<!tpu.dma_semaphore, #tpu.memory_space<semaphore_mem>>)
        %dma_start3A_273 = tpu.memref_slice %arg3[%multiple_of3A_270] : memref<3200000xf32, #tpu.memory_space<hbm>> -> memref<4096xf32, #tpu.memory_space<hbm>>
        %dma_start3A_274 = tpu.memref_slice %arg3[%multiple_of3A_270] : memref<3200000xf32, #tpu.memory_space<hbm>> -> memref<4096xf32, #tpu.memory_space<hbm>>
        tpu.enqueue_dma source(%dma_start3A_274 : memref<4096xf32, #tpu.memory_space<hbm>>) target(%arg10 : memref<4096xf32, #tpu.memory_space<vmem>>) target_semaphore(%arg16 : memref<!tpu.dma_semaphore, #tpu.memory_space<semaphore_mem>>)
      } else {
      }
      %dma_wait3A_248 = arith.constant 0 : i32
      %dma_wait3A_249 = tpu.memref_slice %arg2[%dma_wait3A_248] : memref<3200000xi32, #tpu.memory_space<hbm>> -> memref<4096xi32, #tpu.memory_space<hbm>>
      %dma_wait3A_250 = arith.constant 0 : i32
      %dma_wait3A_251 = tpu.memref_slice %arg2[%dma_wait3A_250] : memref<3200000xi32, #tpu.memory_space<hbm>> -> memref<4096xi32, #tpu.memory_space<hbm>>
      tpu.wait_dma2 semaphore(%arg17 : memref<!tpu.dma_semaphore, #tpu.memory_space<semaphore_mem>>) src(%dma_wait3A_251 : memref<4096xi32, #tpu.memory_space<hbm>>) dst(%arg9 : memref<4096xi32, #tpu.memory_space<vmem>>)
      %dma_wait3A_252 = arith.constant 0 : i32
      %dma_wait3A_253 = tpu.memref_slice %arg3[%dma_wait3A_252] : memref<3200000xf32, #tpu.memory_space<hbm>> -> memref<4096xf32, #tpu.memory_space<hbm>>
      %dma_wait3A_254 = arith.constant 0 : i32
      %dma_wait3A_255 = tpu.memref_slice %arg3[%dma_wait3A_254] : memref<3200000xf32, #tpu.memory_space<hbm>> -> memref<4096xf32, #tpu.memory_space<hbm>>
      tpu.wait_dma2 semaphore(%arg17 : memref<!tpu.dma_semaphore, #tpu.memory_space<semaphore_mem>>) src(%dma_wait3A_255 : memref<4096xf32, #tpu.memory_space<hbm>>) dst(%arg11 : memref<4096xf32, #tpu.memory_space<vmem>>)
      %add3A_256 = arith.constant 1 : i32
      %add3A_257 = arith.addi %mul3A_218, %add3A_256 : i32
      %lt3A_258 = arith.cmpi slt, %add3A_257, %max3A_117 : i32
      %convert_element_type3A_259 = arith.extui %lt3A_258 : i1 to i32
      %cond3A_260 = arith.constant 0 : i32
      %cond3A_261 = arith.cmpi ne, %convert_element_type3A_259, %cond3A_260 : i32
      %cond3A_262:3 = scf.if %cond3A_261 -> (vector<16xi32>, vector<16xf32>, vector<16xf32>) {
        %scan3A_263 = arith.constant 0 : i32
        %scan3A_264 = arith.constant 32 : i32
        %scan3A_265 = arith.addi %scan3A_263, %scan3A_264 : i32
        %scan3A_266 = arith.constant 1 : i32
        %scan3A_267:3 = scf.for %scan3A_269 = %scan3A_263 to %scan3A_265 step %scan3A_266 iter_args(%scan3A_270 = %cond3A_241#0, %scan3A_271 = %cond3A_241#1, %scan3A_272 = %cond3A_241#2) -> (vector<16xi32>, vector<16xf32>, vector<16xf32>)  : i32 {
          %mul3A_273 = arith.constant 8 : i32
          %mul3A_274 = arith.muli %scan3A_269, %mul3A_273 : i32
          %add3A_275 = arith.constant 0 : i32
          %add3A_276 = arith.addi %mul3A_274, %add3A_275 : i32
          %mul3A_277 = arith.constant 16 : i32
          %mul3A_278 = arith.muli %add3A_276, %mul3A_277 : i32
          %multiple_of3A_279 = tpu.assume_multiple %mul3A_278, 16 : i32
          %get3A_280 = arith.index_cast %multiple_of3A_279 : i32 to index
          %get3A_281 = tpu.vector_load %arg9[%get3A_280] {strides = array<i32>} : memref<4096xi32, #tpu.memory_space<vmem>>, vector<16xi32>,
          %get3A_282 = arith.index_cast %multiple_of3A_279 : i32 to index
          %get3A_283 = tpu.vector_load %arg11[%get3A_282] {strides = array<i32>} : memref<4096xf32, #tpu.memory_space<vmem>>, vector<16xf32>,
          %eq3A = arith.cmpi eq, %get3A_281, %scan3A_270 : vector<16xi32>
          %sub3A_284 = vector.broadcast %mul3A_2 : i32 to vector<16xi32>
          %sub3A_285 = arith.subi %scan3A_270, %sub3A_284 : vector<16xi32>
          %ge3A_286 = arith.constant 0 : i32
          %ge3A_287 = vector.broadcast %ge3A_286 : i32 to vector<16xi32>
          %ge3A_288 = arith.cmpi sge, %sub3A_285, %ge3A_287 : vector<16xi32>
          %lt3A_289 = arith.constant 1568 : i32
          %lt3A_290 = vector.broadcast %lt3A_289 : i32 to vector<16xi32>
          %lt3A_291 = arith.cmpi slt, %sub3A_285, %lt3A_290 : vector<16xi32>
          %and3A_292 = arith.andi %ge3A_288, %lt3A_291 : vector<16xi1>
          %jit3A_293 = arith.constant 0 : i32
          %broadcast_in_dim3A_294 = vector.broadcast %jit3A_293 : i32 to vector<16xi32>
          %select_n3A_295 = arith.select %and3A_292, %sub3A_285, %broadcast_in_dim3A_294 : vector<16xi1>, vector<16xi32>
          %mul3A_296 = arith.constant 16 : i32
          %mul3A_297 = vector.broadcast %mul3A_296 : i32 to vector<16xi32>
          %mul3A_298 = arith.muli %select_n3A_295, %mul3A_297 : vector<16xi32>
          %add3A_299 = arith.addi %mul3A_298, %iota3A : vector<16xi32>
          %not3A_300 = arith.constant dense<true> : vector<16xi1>
          %not3A_301 = arith.xori %eq3A, %not3A_300 : vector<16xi1>
          %and3A_302 = arith.andi %not3A_301, %and3A_292 : vector<16xi1>
          tpu.vector_store_idx %arg6[%add3A_299], %scan3A_271 masked %and3A_302 : memref<25088xf32, #tpu.memory_space<vmem>>[vector<16xi32>], vector<16xf32>, vector<16xi1>
          tpu.vector_store_idx %arg7[%add3A_299], %scan3A_272 masked %and3A_302 : memref<25088xf32, #tpu.memory_space<vmem>>[vector<16xi32>], vector<16xf32>, vector<16xi1>
          %select_n3A_303 = arith.select %eq3A, %scan3A_271, %broadcast_in_dim3A_3 : vector<16xi1>, vector<16xf32>
          %max3A_304 = arith.maximumf %select_n3A_303, %get3A_283 : vector<16xf32>
          %select_n3A_305 = arith.select %eq3A, %scan3A_272, %broadcast_in_dim3A_5 : vector<16xi1>, vector<16xf32>
          %min3A_306 = arith.minimumf %select_n3A_305, %get3A_283 : vector<16xf32>
          %mul3A_307 = arith.constant 8 : i32
          %mul3A_308 = arith.muli %scan3A_269, %mul3A_307 : i32
          %add3A_309 = arith.constant 1 : i32
          %add3A_310 = arith.addi %mul3A_308, %add3A_309 : i32
          %mul3A_311 = arith.constant 16 : i32
          %mul3A_312 = arith.muli %add3A_310, %mul3A_311 : i32
          %multiple_of3A_313 = tpu.assume_multiple %mul3A_312, 16 : i32
          %get3A_314 = arith.index_cast %multiple_of3A_313 : i32 to index
          %get3A_315 = tpu.vector_load %arg9[%get3A_314] {strides = array<i32>} : memref<4096xi32, #tpu.memory_space<vmem>>, vector<16xi32>,
          %get3A_316 = arith.index_cast %multiple_of3A_313 : i32 to index
          %get3A_317 = tpu.vector_load %arg11[%get3A_316] {strides = array<i32>} : memref<4096xf32, #tpu.memory_space<vmem>>, vector<16xf32>,
          %eq3A_318 = arith.cmpi eq, %get3A_315, %get3A_281 : vector<16xi32>
          %sub3A_319 = vector.broadcast %mul3A_2 : i32 to vector<16xi32>
          %sub3A_320 = arith.subi %get3A_281, %sub3A_319 : vector<16xi32>
          %ge3A_321 = arith.constant 0 : i32
          %ge3A_322 = vector.broadcast %ge3A_321 : i32 to vector<16xi32>
          %ge3A_323 = arith.cmpi sge, %sub3A_320, %ge3A_322 : vector<16xi32>
          %lt3A_324 = arith.constant 1568 : i32
          %lt3A_325 = vector.broadcast %lt3A_324 : i32 to vector<16xi32>
          %lt3A_326 = arith.cmpi slt, %sub3A_320, %lt3A_325 : vector<16xi32>
          %and3A_327 = arith.andi %ge3A_323, %lt3A_326 : vector<16xi1>
          %jit3A_328 = arith.constant 0 : i32
          %broadcast_in_dim3A_329 = vector.broadcast %jit3A_328 : i32 to vector<16xi32>
          %select_n3A_330 = arith.select %and3A_327, %sub3A_320, %broadcast_in_dim3A_329 : vector<16xi1>, vector<16xi32>
          %mul3A_331 = arith.constant 16 : i32
          %mul3A_332 = vector.broadcast %mul3A_331 : i32 to vector<16xi32>
          %mul3A_333 = arith.muli %select_n3A_330, %mul3A_332 : vector<16xi32>
          %add3A_334 = arith.addi %mul3A_333, %iota3A : vector<16xi32>
          %not3A_335 = arith.constant dense<true> : vector<16xi1>
          %not3A_336 = arith.xori %eq3A_318, %not3A_335 : vector<16xi1>
          %and3A_337 = arith.andi %not3A_336, %and3A_327 : vector<16xi1>
          tpu.vector_store_idx %arg6[%add3A_334], %max3A_304 masked %and3A_337 : memref<25088xf32, #tpu.memory_space<vmem>>[vector<16xi32>], vector<16xf32>, vector<16xi1>
          tpu.vector_store_idx %arg7[%add3A_334], %min3A_306 masked %and3A_337 : memref<25088xf32, #tpu.memory_space<vmem>>[vector<16xi32>], vector<16xf32>, vector<16xi1>
          %select_n3A_338 = arith.select %eq3A_318, %max3A_304, %broadcast_in_dim3A_3 : vector<16xi1>, vector<16xf32>
          %max3A_339 = arith.maximumf %select_n3A_338, %get3A_317 : vector<16xf32>
          %select_n3A_340 = arith.select %eq3A_318, %min3A_306, %broadcast_in_dim3A_5 : vector<16xi1>, vector<16xf32>
          %min3A_341 = arith.minimumf %select_n3A_340, %get3A_317 : vector<16xf32>
          %mul3A_342 = arith.constant 8 : i32
          %mul3A_343 = arith.muli %scan3A_269, %mul3A_342 : i32
          %add3A_344 = arith.constant 2 : i32
          %add3A_345 = arith.addi %mul3A_343, %add3A_344 : i32
          %mul3A_346 = arith.constant 16 : i32
          %mul3A_347 = arith.muli %add3A_345, %mul3A_346 : i32
          %multiple_of3A_348 = tpu.assume_multiple %mul3A_347, 16 : i32
          %get3A_349 = arith.index_cast %multiple_of3A_348 : i32 to index
          %get3A_350 = tpu.vector_load %arg9[%get3A_349] {strides = array<i32>} : memref<4096xi32, #tpu.memory_space<vmem>>, vector<16xi32>,
          %get3A_351 = arith.index_cast %multiple_of3A_348 : i32 to index
          %get3A_352 = tpu.vector_load %arg11[%get3A_351] {strides = array<i32>} : memref<4096xf32, #tpu.memory_space<vmem>>, vector<16xf32>,
          %eq3A_353 = arith.cmpi eq, %get3A_350, %get3A_315 : vector<16xi32>
          %sub3A_354 = vector.broadcast %mul3A_2 : i32 to vector<16xi32>
          %sub3A_355 = arith.subi %get3A_315, %sub3A_354 : vector<16xi32>
          %ge3A_356 = arith.constant 0 : i32
          %ge3A_357 = vector.broadcast %ge3A_356 : i32 to vector<16xi32>
          %ge3A_358 = arith.cmpi sge, %sub3A_355, %ge3A_357 : vector<16xi32>
          %lt3A_359 = arith.constant 1568 : i32
          %lt3A_360 = vector.broadcast %lt3A_359 : i32 to vector<16xi32>
          %lt3A_361 = arith.cmpi slt, %sub3A_355, %lt3A_360 : vector<16xi32>
          %and3A_362 = arith.andi %ge3A_358, %lt3A_361 : vector<16xi1>
          %jit3A_363 = arith.constant 0 : i32
          %broadcast_in_dim3A_364 = vector.broadcast %jit3A_363 : i32 to vector<16xi32>
          %select_n3A_365 = arith.select %and3A_362, %sub3A_355, %broadcast_in_dim3A_364 : vector<16xi1>, vector<16xi32>
          %mul3A_366 = arith.constant 16 : i32
          %mul3A_367 = vector.broadcast %mul3A_366 : i32 to vector<16xi32>
          %mul3A_368 = arith.muli %select_n3A_365, %mul3A_367 : vector<16xi32>
          %add3A_369 = arith.addi %mul3A_368, %iota3A : vector<16xi32>
          %not3A_370 = arith.constant dense<true> : vector<16xi1>
          %not3A_371 = arith.xori %eq3A_353, %not3A_370 : vector<16xi1>
          %and3A_372 = arith.andi %not3A_371, %and3A_362 : vector<16xi1>
          tpu.vector_store_idx %arg6[%add3A_369], %max3A_339 masked %and3A_372 : memref<25088xf32, #tpu.memory_space<vmem>>[vector<16xi32>], vector<16xf32>, vector<16xi1>
          tpu.vector_store_idx %arg7[%add3A_369], %min3A_341 masked %and3A_372 : memref<25088xf32, #tpu.memory_space<vmem>>[vector<16xi32>], vector<16xf32>, vector<16xi1>
          %select_n3A_373 = arith.select %eq3A_353, %max3A_339, %broadcast_in_dim3A_3 : vector<16xi1>, vector<16xf32>
          %max3A_374 = arith.maximumf %select_n3A_373, %get3A_352 : vector<16xf32>
          %select_n3A_375 = arith.select %eq3A_353, %min3A_341, %broadcast_in_dim3A_5 : vector<16xi1>, vector<16xf32>
          %min3A_376 = arith.minimumf %select_n3A_375, %get3A_352 : vector<16xf32>
          %mul3A_377 = arith.constant 8 : i32
          %mul3A_378 = arith.muli %scan3A_269, %mul3A_377 : i32
          %add3A_379 = arith.constant 3 : i32
          %add3A_380 = arith.addi %mul3A_378, %add3A_379 : i32
          %mul3A_381 = arith.constant 16 : i32
          %mul3A_382 = arith.muli %add3A_380, %mul3A_381 : i32
          %multiple_of3A_383 = tpu.assume_multiple %mul3A_382, 16 : i32
          %get3A_384 = arith.index_cast %multiple_of3A_383 : i32 to index
          %get3A_385 = tpu.vector_load %arg9[%get3A_384] {strides = array<i32>} : memref<4096xi32, #tpu.memory_space<vmem>>, vector<16xi32>,
          %get3A_386 = arith.index_cast %multiple_of3A_383 : i32 to index
          %get3A_387 = tpu.vector_load %arg11[%get3A_386] {strides = array<i32>} : memref<4096xf32, #tpu.memory_space<vmem>>, vector<16xf32>,
          %eq3A_388 = arith.cmpi eq, %get3A_385, %get3A_350 : vector<16xi32>
          %sub3A_389 = vector.broadcast %mul3A_2 : i32 to vector<16xi32>
          %sub3A_390 = arith.subi %get3A_350, %sub3A_389 : vector<16xi32>
          %ge3A_391 = arith.constant 0 : i32
          %ge3A_392 = vector.broadcast %ge3A_391 : i32 to vector<16xi32>
          %ge3A_393 = arith.cmpi sge, %sub3A_390, %ge3A_392 : vector<16xi32>
          %lt3A_394 = arith.constant 1568 : i32
          %lt3A_395 = vector.broadcast %lt3A_394 : i32 to vector<16xi32>
          %lt3A_396 = arith.cmpi slt, %sub3A_390, %lt3A_395 : vector<16xi32>
          %and3A_397 = arith.andi %ge3A_393, %lt3A_396 : vector<16xi1>
          %jit3A_398 = arith.constant 0 : i32
          %broadcast_in_dim3A_399 = vector.broadcast %jit3A_398 : i32 to vector<16xi32>
          %select_n3A_400 = arith.select %and3A_397, %sub3A_390, %broadcast_in_dim3A_399 : vector<16xi1>, vector<16xi32>
          %mul3A_401 = arith.constant 16 : i32
          %mul3A_402 = vector.broadcast %mul3A_401 : i32 to vector<16xi32>
          %mul3A_403 = arith.muli %select_n3A_400, %mul3A_402 : vector<16xi32>
          %add3A_404 = arith.addi %mul3A_403, %iota3A : vector<16xi32>
          %not3A_405 = arith.constant dense<true> : vector<16xi1>
          %not3A_406 = arith.xori %eq3A_388, %not3A_405 : vector<16xi1>
          %and3A_407 = arith.andi %not3A_406, %and3A_397 : vector<16xi1>
          tpu.vector_store_idx %arg6[%add3A_404], %max3A_374 masked %and3A_407 : memref<25088xf32, #tpu.memory_space<vmem>>[vector<16xi32>], vector<16xf32>, vector<16xi1>
          tpu.vector_store_idx %arg7[%add3A_404], %min3A_376 masked %and3A_407 : memref<25088xf32, #tpu.memory_space<vmem>>[vector<16xi32>], vector<16xf32>, vector<16xi1>
          %select_n3A_408 = arith.select %eq3A_388, %max3A_374, %broadcast_in_dim3A_3 : vector<16xi1>, vector<16xf32>
          %max3A_409 = arith.maximumf %select_n3A_408, %get3A_387 : vector<16xf32>
          %select_n3A_410 = arith.select %eq3A_388, %min3A_376, %broadcast_in_dim3A_5 : vector<16xi1>, vector<16xf32>
          %min3A_411 = arith.minimumf %select_n3A_410, %get3A_387 : vector<16xf32>
          %mul3A_412 = arith.constant 8 : i32
          %mul3A_413 = arith.muli %scan3A_269, %mul3A_412 : i32
          %add3A_414 = arith.constant 4 : i32
          %add3A_415 = arith.addi %mul3A_413, %add3A_414 : i32
          %mul3A_416 = arith.constant 16 : i32
          %mul3A_417 = arith.muli %add3A_415, %mul3A_416 : i32
          %multiple_of3A_418 = tpu.assume_multiple %mul3A_417, 16 : i32
          %get3A_419 = arith.index_cast %multiple_of3A_418 : i32 to index
          %get3A_420 = tpu.vector_load %arg9[%get3A_419] {strides = array<i32>} : memref<4096xi32, #tpu.memory_space<vmem>>, vector<16xi32>,
          %get3A_421 = arith.index_cast %multiple_of3A_418 : i32 to index
          %get3A_422 = tpu.vector_load %arg11[%get3A_421] {strides = array<i32>} : memref<4096xf32, #tpu.memory_space<vmem>>, vector<16xf32>,
          %eq3A_423 = arith.cmpi eq, %get3A_420, %get3A_385 : vector<16xi32>
          %sub3A_424 = vector.broadcast %mul3A_2 : i32 to vector<16xi32>
          %sub3A_425 = arith.subi %get3A_385, %sub3A_424 : vector<16xi32>
          %ge3A_426 = arith.constant 0 : i32
          %ge3A_427 = vector.broadcast %ge3A_426 : i32 to vector<16xi32>
          %ge3A_428 = arith.cmpi sge, %sub3A_425, %ge3A_427 : vector<16xi32>
          %lt3A_429 = arith.constant 1568 : i32
          %lt3A_430 = vector.broadcast %lt3A_429 : i32 to vector<16xi32>
          %lt3A_431 = arith.cmpi slt, %sub3A_425, %lt3A_430 : vector<16xi32>
          %and3A_432 = arith.andi %ge3A_428, %lt3A_431 : vector<16xi1>
          %jit3A_433 = arith.constant 0 : i32
          %broadcast_in_dim3A_434 = vector.broadcast %jit3A_433 : i32 to vector<16xi32>
          %select_n3A_435 = arith.select %and3A_432, %sub3A_425, %broadcast_in_dim3A_434 : vector<16xi1>, vector<16xi32>
          %mul3A_436 = arith.constant 16 : i32
          %mul3A_437 = vector.broadcast %mul3A_436 : i32 to vector<16xi32>
          %mul3A_438 = arith.muli %select_n3A_435, %mul3A_437 : vector<16xi32>
          %add3A_439 = arith.addi %mul3A_438, %iota3A : vector<16xi32>
          %not3A_440 = arith.constant dense<true> : vector<16xi1>
          %not3A_441 = arith.xori %eq3A_423, %not3A_440 : vector<16xi1>
          %and3A_442 = arith.andi %not3A_441, %and3A_432 : vector<16xi1>
          tpu.vector_store_idx %arg6[%add3A_439], %max3A_409 masked %and3A_442 : memref<25088xf32, #tpu.memory_space<vmem>>[vector<16xi32>], vector<16xf32>, vector<16xi1>
          tpu.vector_store_idx %arg7[%add3A_439], %min3A_411 masked %and3A_442 : memref<25088xf32, #tpu.memory_space<vmem>>[vector<16xi32>], vector<16xf32>, vector<16xi1>
          %select_n3A_443 = arith.select %eq3A_423, %max3A_409, %broadcast_in_dim3A_3 : vector<16xi1>, vector<16xf32>
          %max3A_444 = arith.maximumf %select_n3A_443, %get3A_422 : vector<16xf32>
          %select_n3A_445 = arith.select %eq3A_423, %min3A_411, %broadcast_in_dim3A_5 : vector<16xi1>, vector<16xf32>
          %min3A_446 = arith.minimumf %select_n3A_445, %get3A_422 : vector<16xf32>
          %mul3A_447 = arith.constant 8 : i32
          %mul3A_448 = arith.muli %scan3A_269, %mul3A_447 : i32
          %add3A_449 = arith.constant 5 : i32
          %add3A_450 = arith.addi %mul3A_448, %add3A_449 : i32
          %mul3A_451 = arith.constant 16 : i32
          %mul3A_452 = arith.muli %add3A_450, %mul3A_451 : i32
          %multiple_of3A_453 = tpu.assume_multiple %mul3A_452, 16 : i32
          %get3A_454 = arith.index_cast %multiple_of3A_453 : i32 to index
          %get3A_455 = tpu.vector_load %arg9[%get3A_454] {strides = array<i32>} : memref<4096xi32, #tpu.memory_space<vmem>>, vector<16xi32>,
          %get3A_456 = arith.index_cast %multiple_of3A_453 : i32 to index
          %get3A_457 = tpu.vector_load %arg11[%get3A_456] {strides = array<i32>} : memref<4096xf32, #tpu.memory_space<vmem>>, vector<16xf32>,
          %eq3A_458 = arith.cmpi eq, %get3A_455, %get3A_420 : vector<16xi32>
          %sub3A_459 = vector.broadcast %mul3A_2 : i32 to vector<16xi32>
          %sub3A_460 = arith.subi %get3A_420, %sub3A_459 : vector<16xi32>
          %ge3A_461 = arith.constant 0 : i32
          %ge3A_462 = vector.broadcast %ge3A_461 : i32 to vector<16xi32>
          %ge3A_463 = arith.cmpi sge, %sub3A_460, %ge3A_462 : vector<16xi32>
          %lt3A_464 = arith.constant 1568 : i32
          %lt3A_465 = vector.broadcast %lt3A_464 : i32 to vector<16xi32>
          %lt3A_466 = arith.cmpi slt, %sub3A_460, %lt3A_465 : vector<16xi32>
          %and3A_467 = arith.andi %ge3A_463, %lt3A_466 : vector<16xi1>
          %jit3A_468 = arith.constant 0 : i32
          %broadcast_in_dim3A_469 = vector.broadcast %jit3A_468 : i32 to vector<16xi32>
          %select_n3A_470 = arith.select %and3A_467, %sub3A_460, %broadcast_in_dim3A_469 : vector<16xi1>, vector<16xi32>
          %mul3A_471 = arith.constant 16 : i32
          %mul3A_472 = vector.broadcast %mul3A_471 : i32 to vector<16xi32>
          %mul3A_473 = arith.muli %select_n3A_470, %mul3A_472 : vector<16xi32>
          %add3A_474 = arith.addi %mul3A_473, %iota3A : vector<16xi32>
          %not3A_475 = arith.constant dense<true> : vector<16xi1>
          %not3A_476 = arith.xori %eq3A_458, %not3A_475 : vector<16xi1>
          %and3A_477 = arith.andi %not3A_476, %and3A_467 : vector<16xi1>
          tpu.vector_store_idx %arg6[%add3A_474], %max3A_444 masked %and3A_477 : memref<25088xf32, #tpu.memory_space<vmem>>[vector<16xi32>], vector<16xf32>, vector<16xi1>
          tpu.vector_store_idx %arg7[%add3A_474], %min3A_446 masked %and3A_477 : memref<25088xf32, #tpu.memory_space<vmem>>[vector<16xi32>], vector<16xf32>, vector<16xi1>
          %select_n3A_478 = arith.select %eq3A_458, %max3A_444, %broadcast_in_dim3A_3 : vector<16xi1>, vector<16xf32>
          %max3A_479 = arith.maximumf %select_n3A_478, %get3A_457 : vector<16xf32>
          %select_n3A_480 = arith.select %eq3A_458, %min3A_446, %broadcast_in_dim3A_5 : vector<16xi1>, vector<16xf32>
          %min3A_481 = arith.minimumf %select_n3A_480, %get3A_457 : vector<16xf32>
          %mul3A_482 = arith.constant 8 : i32
          %mul3A_483 = arith.muli %scan3A_269, %mul3A_482 : i32
          %add3A_484 = arith.constant 6 : i32
          %add3A_485 = arith.addi %mul3A_483, %add3A_484 : i32
          %mul3A_486 = arith.constant 16 : i32
          %mul3A_487 = arith.muli %add3A_485, %mul3A_486 : i32
          %multiple_of3A_488 = tpu.assume_multiple %mul3A_487, 16 : i32
          %get3A_489 = arith.index_cast %multiple_of3A_488 : i32 to index
          %get3A_490 = tpu.vector_load %arg9[%get3A_489] {strides = array<i32>} : memref<4096xi32, #tpu.memory_space<vmem>>, vector<16xi32>,
          %get3A_491 = arith.index_cast %multiple_of3A_488 : i32 to index
          %get3A_492 = tpu.vector_load %arg11[%get3A_491] {strides = array<i32>} : memref<4096xf32, #tpu.memory_space<vmem>>, vector<16xf32>,
          %eq3A_493 = arith.cmpi eq, %get3A_490, %get3A_455 : vector<16xi32>
          %sub3A_494 = vector.broadcast %mul3A_2 : i32 to vector<16xi32>
          %sub3A_495 = arith.subi %get3A_455, %sub3A_494 : vector<16xi32>
          %ge3A_496 = arith.constant 0 : i32
          %ge3A_497 = vector.broadcast %ge3A_496 : i32 to vector<16xi32>
          %ge3A_498 = arith.cmpi sge, %sub3A_495, %ge3A_497 : vector<16xi32>
          %lt3A_499 = arith.constant 1568 : i32
          %lt3A_500 = vector.broadcast %lt3A_499 : i32 to vector<16xi32>
          %lt3A_501 = arith.cmpi slt, %sub3A_495, %lt3A_500 : vector<16xi32>
          %and3A_502 = arith.andi %ge3A_498, %lt3A_501 : vector<16xi1>
          %jit3A_503 = arith.constant 0 : i32
          %broadcast_in_dim3A_504 = vector.broadcast %jit3A_503 : i32 to vector<16xi32>
          %select_n3A_505 = arith.select %and3A_502, %sub3A_495, %broadcast_in_dim3A_504 : vector<16xi1>, vector<16xi32>
          %mul3A_506 = arith.constant 16 : i32
          %mul3A_507 = vector.broadcast %mul3A_506 : i32 to vector<16xi32>
          %mul3A_508 = arith.muli %select_n3A_505, %mul3A_507 : vector<16xi32>
          %add3A_509 = arith.addi %mul3A_508, %iota3A : vector<16xi32>
          %not3A_510 = arith.constant dense<true> : vector<16xi1>
          %not3A_511 = arith.xori %eq3A_493, %not3A_510 : vector<16xi1>
          %and3A_512 = arith.andi %not3A_511, %and3A_502 : vector<16xi1>
          tpu.vector_store_idx %arg6[%add3A_509], %max3A_479 masked %and3A_512 : memref<25088xf32, #tpu.memory_space<vmem>>[vector<16xi32>], vector<16xf32>, vector<16xi1>
          tpu.vector_store_idx %arg7[%add3A_509], %min3A_481 masked %and3A_512 : memref<25088xf32, #tpu.memory_space<vmem>>[vector<16xi32>], vector<16xf32>, vector<16xi1>
          %select_n3A_513 = arith.select %eq3A_493, %max3A_479, %broadcast_in_dim3A_3 : vector<16xi1>, vector<16xf32>
          %max3A_514 = arith.maximumf %select_n3A_513, %get3A_492 : vector<16xf32>
          %select_n3A_515 = arith.select %eq3A_493, %min3A_481, %broadcast_in_dim3A_5 : vector<16xi1>, vector<16xf32>
          %min3A_516 = arith.minimumf %select_n3A_515, %get3A_492 : vector<16xf32>
          %mul3A_517 = arith.constant 8 : i32
          %mul3A_518 = arith.muli %scan3A_269, %mul3A_517 : i32
          %add3A_519 = arith.constant 7 : i32
          %add3A_520 = arith.addi %mul3A_518, %add3A_519 : i32
          %mul3A_521 = arith.constant 16 : i32
          %mul3A_522 = arith.muli %add3A_520, %mul3A_521 : i32
          %multiple_of3A_523 = tpu.assume_multiple %mul3A_522, 16 : i32
          %get3A_524 = arith.index_cast %multiple_of3A_523 : i32 to index
          %get3A_525 = tpu.vector_load %arg9[%get3A_524] {strides = array<i32>} : memref<4096xi32, #tpu.memory_space<vmem>>, vector<16xi32>,
          %get3A_526 = arith.index_cast %multiple_of3A_523 : i32 to index
          %get3A_527 = tpu.vector_load %arg11[%get3A_526] {strides = array<i32>} : memref<4096xf32, #tpu.memory_space<vmem>>, vector<16xf32>,
          %eq3A_528 = arith.cmpi eq, %get3A_525, %get3A_490 : vector<16xi32>
          %sub3A_529 = vector.broadcast %mul3A_2 : i32 to vector<16xi32>
          %sub3A_530 = arith.subi %get3A_490, %sub3A_529 : vector<16xi32>
          %ge3A_531 = arith.constant 0 : i32
          %ge3A_532 = vector.broadcast %ge3A_531 : i32 to vector<16xi32>
          %ge3A_533 = arith.cmpi sge, %sub3A_530, %ge3A_532 : vector<16xi32>
          %lt3A_534 = arith.constant 1568 : i32
          %lt3A_535 = vector.broadcast %lt3A_534 : i32 to vector<16xi32>
          %lt3A_536 = arith.cmpi slt, %sub3A_530, %lt3A_535 : vector<16xi32>
          %and3A_537 = arith.andi %ge3A_533, %lt3A_536 : vector<16xi1>
          %jit3A_538 = arith.constant 0 : i32
          %broadcast_in_dim3A_539 = vector.broadcast %jit3A_538 : i32 to vector<16xi32>
          %select_n3A_540 = arith.select %and3A_537, %sub3A_530, %broadcast_in_dim3A_539 : vector<16xi1>, vector<16xi32>
          %mul3A_541 = arith.constant 16 : i32
          %mul3A_542 = vector.broadcast %mul3A_541 : i32 to vector<16xi32>
          %mul3A_543 = arith.muli %select_n3A_540, %mul3A_542 : vector<16xi32>
          %add3A_544 = arith.addi %mul3A_543, %iota3A : vector<16xi32>
          %not3A_545 = arith.constant dense<true> : vector<16xi1>
          %not3A_546 = arith.xori %eq3A_528, %not3A_545 : vector<16xi1>
          %and3A_547 = arith.andi %not3A_546, %and3A_537 : vector<16xi1>
          tpu.vector_store_idx %arg6[%add3A_544], %max3A_514 masked %and3A_547 : memref<25088xf32, #tpu.memory_space<vmem>>[vector<16xi32>], vector<16xf32>, vector<16xi1>
          tpu.vector_store_idx %arg7[%add3A_544], %min3A_516 masked %and3A_547 : memref<25088xf32, #tpu.memory_space<vmem>>[vector<16xi32>], vector<16xf32>, vector<16xi1>
          %select_n3A_548 = arith.select %eq3A_528, %max3A_514, %broadcast_in_dim3A_3 : vector<16xi1>, vector<16xf32>
          %max3A_549 = arith.maximumf %select_n3A_548, %get3A_527 : vector<16xf32>
          %select_n3A_550 = arith.select %eq3A_528, %min3A_516, %broadcast_in_dim3A_5 : vector<16xi1>, vector<16xf32>
          %min3A_551 = arith.minimumf %select_n3A_550, %get3A_527 : vector<16xf32>
          scf.yield %get3A_525, %max3A_549, %min3A_551 : vector<16xi32>, vector<16xf32>, vector<16xf32>
        }
        %scan3A_268 = arith.constant 32 : i32
        scf.yield %scan3A_267#0, %scan3A_267#1, %scan3A_267#2 : vector<16xi32>, vector<16xf32>, vector<16xf32>
      } else {
        scf.yield %cond3A_241#0, %cond3A_241#1, %cond3A_241#2 : vector<16xi32>, vector<16xf32>, vector<16xf32>
      }
      scf.yield %cond3A_262#0, %cond3A_262#1, %cond3A_262#2 : vector<16xi32>, vector<16xf32>, vector<16xf32>
    }
    %while3A_142 = arith.constant 1 : i32
    %while3A_143:3 = scf.for %while3A_213 = %while3A_139 to %while3A_135 step %while3A_142 iter_args(%while3A_214 = %while3A_141#0, %while3A_215 = %while3A_141#1, %while3A_216 = %while3A_141#2) -> (vector<16xi32>, vector<16xf32>, vector<16xf32>)  : i32 {
      %mul3A_217 = arith.constant 2 : i32
      %mul3A_218 = arith.muli %mul3A_217, %while3A_213 : i32
      %add3A_219 = arith.constant 1 : i32
      %add3A_220 = arith.addi %mul3A_218, %add3A_219 : i32
      %mul3A_221 = arith.constant 4096 : i32
      %mul3A_222 = arith.muli %add3A_220, %mul3A_221 : i32
      %add3A_223 = arith.addi %mul3A_87, %mul3A_222 : i32
      %min3A_224 = arith.constant 3194880 : i32
      %min3A_225 = arith.minsi %add3A_223, %min3A_224 : i32
      %multiple_of3A_226 = tpu.assume_multiple %min3A_225, 8 : i32
      %dma_start3A_227 = tpu.memref_slice %arg2[%multiple_of3A_226] : memref<3200000xi32, #tpu.memory_space<hbm>> -> memref<4096xi32, #tpu.memory_space<hbm>>
      %dma_start3A_228 = tpu.memref_slice %arg2[%multiple_of3A_226] : memref<3200000xi32, #tpu.memory_space<hbm>> -> memref<4096xi32, #tpu.memory_space<hbm>>
      tpu.enqueue_dma source(%dma_start3A_228 : memref<4096xi32, #tpu.memory_space<hbm>>) target(%arg9 : memref<4096xi32, #tpu.memory_space<vmem>>) target_semaphore(%arg17 : memref<!tpu.dma_semaphore, #tpu.memory_space<semaphore_mem>>)
      %dma_start3A_229 = tpu.memref_slice %arg3[%multiple_of3A_226] : memref<3200000xf32, #tpu.memory_space<hbm>> -> memref<4096xf32, #tpu.memory_space<hbm>>
      %dma_start3A_230 = tpu.memref_slice %arg3[%multiple_of3A_226] : memref<3200000xf32, #tpu.memory_space<hbm>> -> memref<4096xf32, #tpu.memory_space<hbm>>
      tpu.enqueue_dma source(%dma_start3A_230 : memref<4096xf32, #tpu.memory_space<hbm>>) target(%arg11 : memref<4096xf32, #tpu.memory_space<vmem>>) target_semaphore(%arg17 : memref<!tpu.dma_semaphore, #tpu.memory_space<semaphore_mem>>)
      %dma_wait3A_231 = arith.constant 0 : i32
      %dma_wait3A_232 = tpu.memref_slice %arg2[%dma_wait3A_231] : memref<3200000xi32, #tpu.memory_space<hbm>> -> memref<4096xi32, #tpu.memory_space<hbm>>
      %dma_wait3A_233 = arith.constant 0 : i32
      %dma_wait3A_234 = tpu.memref_slice %arg2[%dma_wait3A_233] : memref<3200000xi32, #tpu.memory_space<hbm>> -> memref<4096xi32, #tpu.memory_space<hbm>>
      tpu.wait_dma2 semaphore(%arg16 : memref<!tpu.dma_semaphore, #tpu.memory_space<semaphore_mem>>) src(%dma_wait3A_234 : memref<4096xi32, #tpu.memory_space<hbm>>) dst(%arg8 : memref<4096xi32, #tpu.memory_space<vmem>>)
      %dma_wait3A_235 = arith.constant 0 : i32
      %dma_wait3A_236 = tpu.memref_slice %arg3[%dma_wait3A_235] : memref<3200000xf32, #tpu.memory_space<hbm>> -> memref<4096xf32, #tpu.memory_space<hbm>>
      %dma_wait3A_237 = arith.constant 0 : i32
      %dma_wait3A_238 = tpu.memref_slice %arg3[%dma_wait3A_237] : memref<3200000xf32, #tpu.memory_space<hbm>> -> memref<4096xf32, #tpu.memory_space<hbm>>
      tpu.wait_dma2 semaphore(%arg16 : memref<!tpu.dma_semaphore, #tpu.memory_space<semaphore_mem>>) src(%dma_wait3A_238 : memref<4096xf32, #tpu.memory_space<hbm>>) dst(%arg10 : memref<4096xf32, #tpu.memory_space<vmem>>)
      %lt3A_239 = arith.cmpi slt, %mul3A_218, %max3A_117 : i32
      %convert_element_type3A = arith.extui %lt3A_239 : i1 to i32
      %cond3A = arith.constant 0 : i32
      %cond3A_240 = arith.cmpi ne, %convert_element_type3A, %cond3A : i32
      %cond3A_241:3 = scf.if %cond3A_240 -> (vector<16xi32>, vector<16xf32>, vector<16xf32>) {
        %scan3A_263 = arith.constant 0 : i32
        %scan3A_264 = arith.constant 32 : i32
        %scan3A_265 = arith.addi %scan3A_263, %scan3A_264 : i32
        %scan3A_266 = arith.constant 1 : i32
        %scan3A_267:3 = scf.for %scan3A_269 = %scan3A_263 to %scan3A_265 step %scan3A_266 iter_args(%scan3A_270 = %while3A_214, %scan3A_271 = %while3A_215, %scan3A_272 = %while3A_216) -> (vector<16xi32>, vector<16xf32>, vector<16xf32>)  : i32 {
          %mul3A_273 = arith.constant 8 : i32
          %mul3A_274 = arith.muli %scan3A_269, %mul3A_273 : i32
          %add3A_275 = arith.constant 0 : i32
          %add3A_276 = arith.addi %mul3A_274, %add3A_275 : i32
          %mul3A_277 = arith.constant 16 : i32
          %mul3A_278 = arith.muli %add3A_276, %mul3A_277 : i32
          %multiple_of3A_279 = tpu.assume_multiple %mul3A_278, 16 : i32
          %get3A_280 = arith.index_cast %multiple_of3A_279 : i32 to index
          %get3A_281 = tpu.vector_load %arg8[%get3A_280] {strides = array<i32>} : memref<4096xi32, #tpu.memory_space<vmem>>, vector<16xi32>,
          %get3A_282 = arith.index_cast %multiple_of3A_279 : i32 to index
          %get3A_283 = tpu.vector_load %arg10[%get3A_282] {strides = array<i32>} : memref<4096xf32, #tpu.memory_space<vmem>>, vector<16xf32>,
          %eq3A = arith.cmpi eq, %get3A_281, %scan3A_270 : vector<16xi32>
          %sub3A_284 = vector.broadcast %mul3A_2 : i32 to vector<16xi32>
          %sub3A_285 = arith.subi %scan3A_270, %sub3A_284 : vector<16xi32>
          %ge3A_286 = arith.constant 0 : i32
          %ge3A_287 = vector.broadcast %ge3A_286 : i32 to vector<16xi32>
          %ge3A_288 = arith.cmpi sge, %sub3A_285, %ge3A_287 : vector<16xi32>
          %lt3A_289 = arith.constant 1568 : i32
          %lt3A_290 = vector.broadcast %lt3A_289 : i32 to vector<16xi32>
          %lt3A_291 = arith.cmpi slt, %sub3A_285, %lt3A_290 : vector<16xi32>
          %and3A_292 = arith.andi %ge3A_288, %lt3A_291 : vector<16xi1>
          %jit3A_293 = arith.constant 0 : i32
          %broadcast_in_dim3A_294 = vector.broadcast %jit3A_293 : i32 to vector<16xi32>
          %select_n3A_295 = arith.select %and3A_292, %sub3A_285, %broadcast_in_dim3A_294 : vector<16xi1>, vector<16xi32>
          %mul3A_296 = arith.constant 16 : i32
          %mul3A_297 = vector.broadcast %mul3A_296 : i32 to vector<16xi32>
          %mul3A_298 = arith.muli %select_n3A_295, %mul3A_297 : vector<16xi32>
          %add3A_299 = arith.addi %mul3A_298, %iota3A : vector<16xi32>
          %not3A_300 = arith.constant dense<true> : vector<16xi1>
          %not3A_301 = arith.xori %eq3A, %not3A_300 : vector<16xi1>
          %and3A_302 = arith.andi %not3A_301, %and3A_292 : vector<16xi1>
          tpu.vector_store_idx %arg6[%add3A_299], %scan3A_271 masked %and3A_302 : memref<25088xf32, #tpu.memory_space<vmem>>[vector<16xi32>], vector<16xf32>, vector<16xi1>
          tpu.vector_store_idx %arg7[%add3A_299], %scan3A_272 masked %and3A_302 : memref<25088xf32, #tpu.memory_space<vmem>>[vector<16xi32>], vector<16xf32>, vector<16xi1>
          %select_n3A_303 = arith.select %eq3A, %scan3A_271, %broadcast_in_dim3A_3 : vector<16xi1>, vector<16xf32>
          %max3A_304 = arith.maximumf %select_n3A_303, %get3A_283 : vector<16xf32>
          %select_n3A_305 = arith.select %eq3A, %scan3A_272, %broadcast_in_dim3A_5 : vector<16xi1>, vector<16xf32>
          %min3A_306 = arith.minimumf %select_n3A_305, %get3A_283 : vector<16xf32>
          %mul3A_307 = arith.constant 8 : i32
          %mul3A_308 = arith.muli %scan3A_269, %mul3A_307 : i32
          %add3A_309 = arith.constant 1 : i32
          %add3A_310 = arith.addi %mul3A_308, %add3A_309 : i32
          %mul3A_311 = arith.constant 16 : i32
          %mul3A_312 = arith.muli %add3A_310, %mul3A_311 : i32
          %multiple_of3A_313 = tpu.assume_multiple %mul3A_312, 16 : i32
          %get3A_314 = arith.index_cast %multiple_of3A_313 : i32 to index
          %get3A_315 = tpu.vector_load %arg8[%get3A_314] {strides = array<i32>} : memref<4096xi32, #tpu.memory_space<vmem>>, vector<16xi32>,
          %get3A_316 = arith.index_cast %multiple_of3A_313 : i32 to index
          %get3A_317 = tpu.vector_load %arg10[%get3A_316] {strides = array<i32>} : memref<4096xf32, #tpu.memory_space<vmem>>, vector<16xf32>,
          %eq3A_318 = arith.cmpi eq, %get3A_315, %get3A_281 : vector<16xi32>
          %sub3A_319 = vector.broadcast %mul3A_2 : i32 to vector<16xi32>
          %sub3A_320 = arith.subi %get3A_281, %sub3A_319 : vector<16xi32>
          %ge3A_321 = arith.constant 0 : i32
          %ge3A_322 = vector.broadcast %ge3A_321 : i32 to vector<16xi32>
          %ge3A_323 = arith.cmpi sge, %sub3A_320, %ge3A_322 : vector<16xi32>
          %lt3A_324 = arith.constant 1568 : i32
          %lt3A_325 = vector.broadcast %lt3A_324 : i32 to vector<16xi32>
          %lt3A_326 = arith.cmpi slt, %sub3A_320, %lt3A_325 : vector<16xi32>
          %and3A_327 = arith.andi %ge3A_323, %lt3A_326 : vector<16xi1>
          %jit3A_328 = arith.constant 0 : i32
          %broadcast_in_dim3A_329 = vector.broadcast %jit3A_328 : i32 to vector<16xi32>
          %select_n3A_330 = arith.select %and3A_327, %sub3A_320, %broadcast_in_dim3A_329 : vector<16xi1>, vector<16xi32>
          %mul3A_331 = arith.constant 16 : i32
          %mul3A_332 = vector.broadcast %mul3A_331 : i32 to vector<16xi32>
          %mul3A_333 = arith.muli %select_n3A_330, %mul3A_332 : vector<16xi32>
          %add3A_334 = arith.addi %mul3A_333, %iota3A : vector<16xi32>
          %not3A_335 = arith.constant dense<true> : vector<16xi1>
          %not3A_336 = arith.xori %eq3A_318, %not3A_335 : vector<16xi1>
          %and3A_337 = arith.andi %not3A_336, %and3A_327 : vector<16xi1>
          tpu.vector_store_idx %arg6[%add3A_334], %max3A_304 masked %and3A_337 : memref<25088xf32, #tpu.memory_space<vmem>>[vector<16xi32>], vector<16xf32>, vector<16xi1>
          tpu.vector_store_idx %arg7[%add3A_334], %min3A_306 masked %and3A_337 : memref<25088xf32, #tpu.memory_space<vmem>>[vector<16xi32>], vector<16xf32>, vector<16xi1>
          %select_n3A_338 = arith.select %eq3A_318, %max3A_304, %broadcast_in_dim3A_3 : vector<16xi1>, vector<16xf32>
          %max3A_339 = arith.maximumf %select_n3A_338, %get3A_317 : vector<16xf32>
          %select_n3A_340 = arith.select %eq3A_318, %min3A_306, %broadcast_in_dim3A_5 : vector<16xi1>, vector<16xf32>
          %min3A_341 = arith.minimumf %select_n3A_340, %get3A_317 : vector<16xf32>
          %mul3A_342 = arith.constant 8 : i32
          %mul3A_343 = arith.muli %scan3A_269, %mul3A_342 : i32
          %add3A_344 = arith.constant 2 : i32
          %add3A_345 = arith.addi %mul3A_343, %add3A_344 : i32
          %mul3A_346 = arith.constant 16 : i32
          %mul3A_347 = arith.muli %add3A_345, %mul3A_346 : i32
          %multiple_of3A_348 = tpu.assume_multiple %mul3A_347, 16 : i32
          %get3A_349 = arith.index_cast %multiple_of3A_348 : i32 to index
          %get3A_350 = tpu.vector_load %arg8[%get3A_349] {strides = array<i32>} : memref<4096xi32, #tpu.memory_space<vmem>>, vector<16xi32>,
          %get3A_351 = arith.index_cast %multiple_of3A_348 : i32 to index
          %get3A_352 = tpu.vector_load %arg10[%get3A_351] {strides = array<i32>} : memref<4096xf32, #tpu.memory_space<vmem>>, vector<16xf32>,
          %eq3A_353 = arith.cmpi eq, %get3A_350, %get3A_315 : vector<16xi32>
          %sub3A_354 = vector.broadcast %mul3A_2 : i32 to vector<16xi32>
          %sub3A_355 = arith.subi %get3A_315, %sub3A_354 : vector<16xi32>
          %ge3A_356 = arith.constant 0 : i32
          %ge3A_357 = vector.broadcast %ge3A_356 : i32 to vector<16xi32>
          %ge3A_358 = arith.cmpi sge, %sub3A_355, %ge3A_357 : vector<16xi32>
          %lt3A_359 = arith.constant 1568 : i32
          %lt3A_360 = vector.broadcast %lt3A_359 : i32 to vector<16xi32>
          %lt3A_361 = arith.cmpi slt, %sub3A_355, %lt3A_360 : vector<16xi32>
          %and3A_362 = arith.andi %ge3A_358, %lt3A_361 : vector<16xi1>
          %jit3A_363 = arith.constant 0 : i32
          %broadcast_in_dim3A_364 = vector.broadcast %jit3A_363 : i32 to vector<16xi32>
          %select_n3A_365 = arith.select %and3A_362, %sub3A_355, %broadcast_in_dim3A_364 : vector<16xi1>, vector<16xi32>
          %mul3A_366 = arith.constant 16 : i32
          %mul3A_367 = vector.broadcast %mul3A_366 : i32 to vector<16xi32>
          %mul3A_368 = arith.muli %select_n3A_365, %mul3A_367 : vector<16xi32>
          %add3A_369 = arith.addi %mul3A_368, %iota3A : vector<16xi32>
          %not3A_370 = arith.constant dense<true> : vector<16xi1>
          %not3A_371 = arith.xori %eq3A_353, %not3A_370 : vector<16xi1>
          %and3A_372 = arith.andi %not3A_371, %and3A_362 : vector<16xi1>
          tpu.vector_store_idx %arg6[%add3A_369], %max3A_339 masked %and3A_372 : memref<25088xf32, #tpu.memory_space<vmem>>[vector<16xi32>], vector<16xf32>, vector<16xi1>
          tpu.vector_store_idx %arg7[%add3A_369], %min3A_341 masked %and3A_372 : memref<25088xf32, #tpu.memory_space<vmem>>[vector<16xi32>], vector<16xf32>, vector<16xi1>
          %select_n3A_373 = arith.select %eq3A_353, %max3A_339, %broadcast_in_dim3A_3 : vector<16xi1>, vector<16xf32>
          %max3A_374 = arith.maximumf %select_n3A_373, %get3A_352 : vector<16xf32>
          %select_n3A_375 = arith.select %eq3A_353, %min3A_341, %broadcast_in_dim3A_5 : vector<16xi1>, vector<16xf32>
          %min3A_376 = arith.minimumf %select_n3A_375, %get3A_352 : vector<16xf32>
          %mul3A_377 = arith.constant 8 : i32
          %mul3A_378 = arith.muli %scan3A_269, %mul3A_377 : i32
          %add3A_379 = arith.constant 3 : i32
          %add3A_380 = arith.addi %mul3A_378, %add3A_379 : i32
          %mul3A_381 = arith.constant 16 : i32
          %mul3A_382 = arith.muli %add3A_380, %mul3A_381 : i32
          %multiple_of3A_383 = tpu.assume_multiple %mul3A_382, 16 : i32
          %get3A_384 = arith.index_cast %multiple_of3A_383 : i32 to index
          %get3A_385 = tpu.vector_load %arg8[%get3A_384] {strides = array<i32>} : memref<4096xi32, #tpu.memory_space<vmem>>, vector<16xi32>,
          %get3A_386 = arith.index_cast %multiple_of3A_383 : i32 to index
          %get3A_387 = tpu.vector_load %arg10[%get3A_386] {strides = array<i32>} : memref<4096xf32, #tpu.memory_space<vmem>>, vector<16xf32>,
          %eq3A_388 = arith.cmpi eq, %get3A_385, %get3A_350 : vector<16xi32>
          %sub3A_389 = vector.broadcast %mul3A_2 : i32 to vector<16xi32>
          %sub3A_390 = arith.subi %get3A_350, %sub3A_389 : vector<16xi32>
          %ge3A_391 = arith.constant 0 : i32
          %ge3A_392 = vector.broadcast %ge3A_391 : i32 to vector<16xi32>
          %ge3A_393 = arith.cmpi sge, %sub3A_390, %ge3A_392 : vector<16xi32>
          %lt3A_394 = arith.constant 1568 : i32
          %lt3A_395 = vector.broadcast %lt3A_394 : i32 to vector<16xi32>
          %lt3A_396 = arith.cmpi slt, %sub3A_390, %lt3A_395 : vector<16xi32>
          %and3A_397 = arith.andi %ge3A_393, %lt3A_396 : vector<16xi1>
          %jit3A_398 = arith.constant 0 : i32
          %broadcast_in_dim3A_399 = vector.broadcast %jit3A_398 : i32 to vector<16xi32>
          %select_n3A_400 = arith.select %and3A_397, %sub3A_390, %broadcast_in_dim3A_399 : vector<16xi1>, vector<16xi32>
          %mul3A_401 = arith.constant 16 : i32
          %mul3A_402 = vector.broadcast %mul3A_401 : i32 to vector<16xi32>
          %mul3A_403 = arith.muli %select_n3A_400, %mul3A_402 : vector<16xi32>
          %add3A_404 = arith.addi %mul3A_403, %iota3A : vector<16xi32>
          %not3A_405 = arith.constant dense<true> : vector<16xi1>
          %not3A_406 = arith.xori %eq3A_388, %not3A_405 : vector<16xi1>
          %and3A_407 = arith.andi %not3A_406, %and3A_397 : vector<16xi1>
          tpu.vector_store_idx %arg6[%add3A_404], %max3A_374 masked %and3A_407 : memref<25088xf32, #tpu.memory_space<vmem>>[vector<16xi32>], vector<16xf32>, vector<16xi1>
          tpu.vector_store_idx %arg7[%add3A_404], %min3A_376 masked %and3A_407 : memref<25088xf32, #tpu.memory_space<vmem>>[vector<16xi32>], vector<16xf32>, vector<16xi1>
          %select_n3A_408 = arith.select %eq3A_388, %max3A_374, %broadcast_in_dim3A_3 : vector<16xi1>, vector<16xf32>
          %max3A_409 = arith.maximumf %select_n3A_408, %get3A_387 : vector<16xf32>
          %select_n3A_410 = arith.select %eq3A_388, %min3A_376, %broadcast_in_dim3A_5 : vector<16xi1>, vector<16xf32>
          %min3A_411 = arith.minimumf %select_n3A_410, %get3A_387 : vector<16xf32>
          %mul3A_412 = arith.constant 8 : i32
          %mul3A_413 = arith.muli %scan3A_269, %mul3A_412 : i32
          %add3A_414 = arith.constant 4 : i32
          %add3A_415 = arith.addi %mul3A_413, %add3A_414 : i32
          %mul3A_416 = arith.constant 16 : i32
          %mul3A_417 = arith.muli %add3A_415, %mul3A_416 : i32
          %multiple_of3A_418 = tpu.assume_multiple %mul3A_417, 16 : i32
          %get3A_419 = arith.index_cast %multiple_of3A_418 : i32 to index
          %get3A_420 = tpu.vector_load %arg8[%get3A_419] {strides = array<i32>} : memref<4096xi32, #tpu.memory_space<vmem>>, vector<16xi32>,
          %get3A_421 = arith.index_cast %multiple_of3A_418 : i32 to index
          %get3A_422 = tpu.vector_load %arg10[%get3A_421] {strides = array<i32>} : memref<4096xf32, #tpu.memory_space<vmem>>, vector<16xf32>,
          %eq3A_423 = arith.cmpi eq, %get3A_420, %get3A_385 : vector<16xi32>
          %sub3A_424 = vector.broadcast %mul3A_2 : i32 to vector<16xi32>
          %sub3A_425 = arith.subi %get3A_385, %sub3A_424 : vector<16xi32>
          %ge3A_426 = arith.constant 0 : i32
          %ge3A_427 = vector.broadcast %ge3A_426 : i32 to vector<16xi32>
          %ge3A_428 = arith.cmpi sge, %sub3A_425, %ge3A_427 : vector<16xi32>
          %lt3A_429 = arith.constant 1568 : i32
          %lt3A_430 = vector.broadcast %lt3A_429 : i32 to vector<16xi32>
          %lt3A_431 = arith.cmpi slt, %sub3A_425, %lt3A_430 : vector<16xi32>
          %and3A_432 = arith.andi %ge3A_428, %lt3A_431 : vector<16xi1>
          %jit3A_433 = arith.constant 0 : i32
          %broadcast_in_dim3A_434 = vector.broadcast %jit3A_433 : i32 to vector<16xi32>
          %select_n3A_435 = arith.select %and3A_432, %sub3A_425, %broadcast_in_dim3A_434 : vector<16xi1>, vector<16xi32>
          %mul3A_436 = arith.constant 16 : i32
          %mul3A_437 = vector.broadcast %mul3A_436 : i32 to vector<16xi32>
          %mul3A_438 = arith.muli %select_n3A_435, %mul3A_437 : vector<16xi32>
          %add3A_439 = arith.addi %mul3A_438, %iota3A : vector<16xi32>
          %not3A_440 = arith.constant dense<true> : vector<16xi1>
          %not3A_441 = arith.xori %eq3A_423, %not3A_440 : vector<16xi1>
          %and3A_442 = arith.andi %not3A_441, %and3A_432 : vector<16xi1>
          tpu.vector_store_idx %arg6[%add3A_439], %max3A_409 masked %and3A_442 : memref<25088xf32, #tpu.memory_space<vmem>>[vector<16xi32>], vector<16xf32>, vector<16xi1>
          tpu.vector_store_idx %arg7[%add3A_439], %min3A_411 masked %and3A_442 : memref<25088xf32, #tpu.memory_space<vmem>>[vector<16xi32>], vector<16xf32>, vector<16xi1>
          %select_n3A_443 = arith.select %eq3A_423, %max3A_409, %broadcast_in_dim3A_3 : vector<16xi1>, vector<16xf32>
          %max3A_444 = arith.maximumf %select_n3A_443, %get3A_422 : vector<16xf32>
          %select_n3A_445 = arith.select %eq3A_423, %min3A_411, %broadcast_in_dim3A_5 : vector<16xi1>, vector<16xf32>
          %min3A_446 = arith.minimumf %select_n3A_445, %get3A_422 : vector<16xf32>
          %mul3A_447 = arith.constant 8 : i32
          %mul3A_448 = arith.muli %scan3A_269, %mul3A_447 : i32
          %add3A_449 = arith.constant 5 : i32
          %add3A_450 = arith.addi %mul3A_448, %add3A_449 : i32
          %mul3A_451 = arith.constant 16 : i32
          %mul3A_452 = arith.muli %add3A_450, %mul3A_451 : i32
          %multiple_of3A_453 = tpu.assume_multiple %mul3A_452, 16 : i32
          %get3A_454 = arith.index_cast %multiple_of3A_453 : i32 to index
          %get3A_455 = tpu.vector_load %arg8[%get3A_454] {strides = array<i32>} : memref<4096xi32, #tpu.memory_space<vmem>>, vector<16xi32>,
          %get3A_456 = arith.index_cast %multiple_of3A_453 : i32 to index
          %get3A_457 = tpu.vector_load %arg10[%get3A_456] {strides = array<i32>} : memref<4096xf32, #tpu.memory_space<vmem>>, vector<16xf32>,
          %eq3A_458 = arith.cmpi eq, %get3A_455, %get3A_420 : vector<16xi32>
          %sub3A_459 = vector.broadcast %mul3A_2 : i32 to vector<16xi32>
          %sub3A_460 = arith.subi %get3A_420, %sub3A_459 : vector<16xi32>
          %ge3A_461 = arith.constant 0 : i32
          %ge3A_462 = vector.broadcast %ge3A_461 : i32 to vector<16xi32>
          %ge3A_463 = arith.cmpi sge, %sub3A_460, %ge3A_462 : vector<16xi32>
          %lt3A_464 = arith.constant 1568 : i32
          %lt3A_465 = vector.broadcast %lt3A_464 : i32 to vector<16xi32>
          %lt3A_466 = arith.cmpi slt, %sub3A_460, %lt3A_465 : vector<16xi32>
          %and3A_467 = arith.andi %ge3A_463, %lt3A_466 : vector<16xi1>
          %jit3A_468 = arith.constant 0 : i32
          %broadcast_in_dim3A_469 = vector.broadcast %jit3A_468 : i32 to vector<16xi32>
          %select_n3A_470 = arith.select %and3A_467, %sub3A_460, %broadcast_in_dim3A_469 : vector<16xi1>, vector<16xi32>
          %mul3A_471 = arith.constant 16 : i32
          %mul3A_472 = vector.broadcast %mul3A_471 : i32 to vector<16xi32>
          %mul3A_473 = arith.muli %select_n3A_470, %mul3A_472 : vector<16xi32>
          %add3A_474 = arith.addi %mul3A_473, %iota3A : vector<16xi32>
          %not3A_475 = arith.constant dense<true> : vector<16xi1>
          %not3A_476 = arith.xori %eq3A_458, %not3A_475 : vector<16xi1>
          %and3A_477 = arith.andi %not3A_476, %and3A_467 : vector<16xi1>
          tpu.vector_store_idx %arg6[%add3A_474], %max3A_444 masked %and3A_477 : memref<25088xf32, #tpu.memory_space<vmem>>[vector<16xi32>], vector<16xf32>, vector<16xi1>
          tpu.vector_store_idx %arg7[%add3A_474], %min3A_446 masked %and3A_477 : memref<25088xf32, #tpu.memory_space<vmem>>[vector<16xi32>], vector<16xf32>, vector<16xi1>
          %select_n3A_478 = arith.select %eq3A_458, %max3A_444, %broadcast_in_dim3A_3 : vector<16xi1>, vector<16xf32>
          %max3A_479 = arith.maximumf %select_n3A_478, %get3A_457 : vector<16xf32>
          %select_n3A_480 = arith.select %eq3A_458, %min3A_446, %broadcast_in_dim3A_5 : vector<16xi1>, vector<16xf32>
          %min3A_481 = arith.minimumf %select_n3A_480, %get3A_457 : vector<16xf32>
          %mul3A_482 = arith.constant 8 : i32
          %mul3A_483 = arith.muli %scan3A_269, %mul3A_482 : i32
          %add3A_484 = arith.constant 6 : i32
          %add3A_485 = arith.addi %mul3A_483, %add3A_484 : i32
          %mul3A_486 = arith.constant 16 : i32
          %mul3A_487 = arith.muli %add3A_485, %mul3A_486 : i32
          %multiple_of3A_488 = tpu.assume_multiple %mul3A_487, 16 : i32
          %get3A_489 = arith.index_cast %multiple_of3A_488 : i32 to index
          %get3A_490 = tpu.vector_load %arg8[%get3A_489] {strides = array<i32>} : memref<4096xi32, #tpu.memory_space<vmem>>, vector<16xi32>,
          %get3A_491 = arith.index_cast %multiple_of3A_488 : i32 to index
          %get3A_492 = tpu.vector_load %arg10[%get3A_491] {strides = array<i32>} : memref<4096xf32, #tpu.memory_space<vmem>>, vector<16xf32>,
          %eq3A_493 = arith.cmpi eq, %get3A_490, %get3A_455 : vector<16xi32>
          %sub3A_494 = vector.broadcast %mul3A_2 : i32 to vector<16xi32>
          %sub3A_495 = arith.subi %get3A_455, %sub3A_494 : vector<16xi32>
          %ge3A_496 = arith.constant 0 : i32
          %ge3A_497 = vector.broadcast %ge3A_496 : i32 to vector<16xi32>
          %ge3A_498 = arith.cmpi sge, %sub3A_495, %ge3A_497 : vector<16xi32>
          %lt3A_499 = arith.constant 1568 : i32
          %lt3A_500 = vector.broadcast %lt3A_499 : i32 to vector<16xi32>
          %lt3A_501 = arith.cmpi slt, %sub3A_495, %lt3A_500 : vector<16xi32>
          %and3A_502 = arith.andi %ge3A_498, %lt3A_501 : vector<16xi1>
          %jit3A_503 = arith.constant 0 : i32
          %broadcast_in_dim3A_504 = vector.broadcast %jit3A_503 : i32 to vector<16xi32>
          %select_n3A_505 = arith.select %and3A_502, %sub3A_495, %broadcast_in_dim3A_504 : vector<16xi1>, vector<16xi32>
          %mul3A_506 = arith.constant 16 : i32
          %mul3A_507 = vector.broadcast %mul3A_506 : i32 to vector<16xi32>
          %mul3A_508 = arith.muli %select_n3A_505, %mul3A_507 : vector<16xi32>
          %add3A_509 = arith.addi %mul3A_508, %iota3A : vector<16xi32>
          %not3A_510 = arith.constant dense<true> : vector<16xi1>
          %not3A_511 = arith.xori %eq3A_493, %not3A_510 : vector<16xi1>
          %and3A_512 = arith.andi %not3A_511, %and3A_502 : vector<16xi1>
          tpu.vector_store_idx %arg6[%add3A_509], %max3A_479 masked %and3A_512 : memref<25088xf32, #tpu.memory_space<vmem>>[vector<16xi32>], vector<16xf32>, vector<16xi1>
          tpu.vector_store_idx %arg7[%add3A_509], %min3A_481 masked %and3A_512 : memref<25088xf32, #tpu.memory_space<vmem>>[vector<16xi32>], vector<16xf32>, vector<16xi1>
          %select_n3A_513 = arith.select %eq3A_493, %max3A_479, %broadcast_in_dim3A_3 : vector<16xi1>, vector<16xf32>
          %max3A_514 = arith.maximumf %select_n3A_513, %get3A_492 : vector<16xf32>
          %select_n3A_515 = arith.select %eq3A_493, %min3A_481, %broadcast_in_dim3A_5 : vector<16xi1>, vector<16xf32>
          %min3A_516 = arith.minimumf %select_n3A_515, %get3A_492 : vector<16xf32>
          %mul3A_517 = arith.constant 8 : i32
          %mul3A_518 = arith.muli %scan3A_269, %mul3A_517 : i32
          %add3A_519 = arith.constant 7 : i32
          %add3A_520 = arith.addi %mul3A_518, %add3A_519 : i32
          %mul3A_521 = arith.constant 16 : i32
          %mul3A_522 = arith.muli %add3A_520, %mul3A_521 : i32
          %multiple_of3A_523 = tpu.assume_multiple %mul3A_522, 16 : i32
          %get3A_524 = arith.index_cast %multiple_of3A_523 : i32 to index
          %get3A_525 = tpu.vector_load %arg8[%get3A_524] {strides = array<i32>} : memref<4096xi32, #tpu.memory_space<vmem>>, vector<16xi32>,
          %get3A_526 = arith.index_cast %multiple_of3A_523 : i32 to index
          %get3A_527 = tpu.vector_load %arg10[%get3A_526] {strides = array<i32>} : memref<4096xf32, #tpu.memory_space<vmem>>, vector<16xf32>,
          %eq3A_528 = arith.cmpi eq, %get3A_525, %get3A_490 : vector<16xi32>
          %sub3A_529 = vector.broadcast %mul3A_2 : i32 to vector<16xi32>
          %sub3A_530 = arith.subi %get3A_490, %sub3A_529 : vector<16xi32>
          %ge3A_531 = arith.constant 0 : i32
          %ge3A_532 = vector.broadcast %ge3A_531 : i32 to vector<16xi32>
          %ge3A_533 = arith.cmpi sge, %sub3A_530, %ge3A_532 : vector<16xi32>
          %lt3A_534 = arith.constant 1568 : i32
          %lt3A_535 = vector.broadcast %lt3A_534 : i32 to vector<16xi32>
          %lt3A_536 = arith.cmpi slt, %sub3A_530, %lt3A_535 : vector<16xi32>
          %and3A_537 = arith.andi %ge3A_533, %lt3A_536 : vector<16xi1>
          %jit3A_538 = arith.constant 0 : i32
          %broadcast_in_dim3A_539 = vector.broadcast %jit3A_538 : i32 to vector<16xi32>
          %select_n3A_540 = arith.select %and3A_537, %sub3A_530, %broadcast_in_dim3A_539 : vector<16xi1>, vector<16xi32>
          %mul3A_541 = arith.constant 16 : i32
          %mul3A_542 = vector.broadcast %mul3A_541 : i32 to vector<16xi32>
          %mul3A_543 = arith.muli %select_n3A_540, %mul3A_542 : vector<16xi32>
          %add3A_544 = arith.addi %mul3A_543, %iota3A : vector<16xi32>
          %not3A_545 = arith.constant dense<true> : vector<16xi1>
          %not3A_546 = arith.xori %eq3A_528, %not3A_545 : vector<16xi1>
          %and3A_547 = arith.andi %not3A_546, %and3A_537 : vector<16xi1>
          tpu.vector_store_idx %arg6[%add3A_544], %max3A_514 masked %and3A_547 : memref<25088xf32, #tpu.memory_space<vmem>>[vector<16xi32>], vector<16xf32>, vector<16xi1>
          tpu.vector_store_idx %arg7[%add3A_544], %min3A_516 masked %and3A_547 : memref<25088xf32, #tpu.memory_space<vmem>>[vector<16xi32>], vector<16xf32>, vector<16xi1>
          %select_n3A_548 = arith.select %eq3A_528, %max3A_514, %broadcast_in_dim3A_3 : vector<16xi1>, vector<16xf32>
          %max3A_549 = arith.maximumf %select_n3A_548, %get3A_527 : vector<16xf32>
          %select_n3A_550 = arith.select %eq3A_528, %min3A_516, %broadcast_in_dim3A_5 : vector<16xi1>, vector<16xf32>
          %min3A_551 = arith.minimumf %select_n3A_550, %get3A_527 : vector<16xf32>
          scf.yield %get3A_525, %max3A_549, %min3A_551 : vector<16xi32>, vector<16xf32>, vector<16xf32>
        }
        %scan3A_268 = arith.constant 32 : i32
        scf.yield %scan3A_267#0, %scan3A_267#1, %scan3A_267#2 : vector<16xi32>, vector<16xf32>, vector<16xf32>
      } else {
        scf.yield %while3A_214, %while3A_215, %while3A_216 : vector<16xi32>, vector<16xf32>, vector<16xf32>
      }
      %add3A_242 = arith.constant 1 : i32
      %add3A_243 = arith.addi %while3A_213, %add3A_242 : i32
      %lt3A_244 = arith.cmpi slt, %add3A_243, %shift_right_arithmetic3A_122 : i32
      %convert_element_type3A_245 = arith.extui %lt3A_244 : i1 to i32
      %cond3A_246 = arith.constant 0 : i32
      %cond3A_247 = arith.cmpi ne, %convert_element_type3A_245, %cond3A_246 : i32
      scf.if %cond3A_247 {
        %add3A_263 = arith.constant 2 : i32
        %add3A_264 = arith.addi %mul3A_218, %add3A_263 : i32
        %mul3A_265 = arith.constant 4096 : i32
        %mul3A_266 = arith.muli %add3A_264, %mul3A_265 : i32
        %add3A_267 = arith.addi %mul3A_87, %mul3A_266 : i32
        %min3A_268 = arith.constant 3194880 : i32
        %min3A_269 = arith.minsi %add3A_267, %min3A_268 : i32
        %multiple_of3A_270 = tpu.assume_multiple %min3A_269, 8 : i32
        %dma_start3A_271 = tpu.memref_slice %arg2[%multiple_of3A_270] : memref<3200000xi32, #tpu.memory_space<hbm>> -> memref<4096xi32, #tpu.memory_space<hbm>>
        %dma_start3A_272 = tpu.memref_slice %arg2[%multiple_of3A_270] : memref<3200000xi32, #tpu.memory_space<hbm>> -> memref<4096xi32, #tpu.memory_space<hbm>>
        tpu.enqueue_dma source(%dma_start3A_272 : memref<4096xi32, #tpu.memory_space<hbm>>) target(%arg8 : memref<4096xi32, #tpu.memory_space<vmem>>) target_semaphore(%arg16 : memref<!tpu.dma_semaphore, #tpu.memory_space<semaphore_mem>>)
        %dma_start3A_273 = tpu.memref_slice %arg3[%multiple_of3A_270] : memref<3200000xf32, #tpu.memory_space<hbm>> -> memref<4096xf32, #tpu.memory_space<hbm>>
        %dma_start3A_274 = tpu.memref_slice %arg3[%multiple_of3A_270] : memref<3200000xf32, #tpu.memory_space<hbm>> -> memref<4096xf32, #tpu.memory_space<hbm>>
        tpu.enqueue_dma source(%dma_start3A_274 : memref<4096xf32, #tpu.memory_space<hbm>>) target(%arg10 : memref<4096xf32, #tpu.memory_space<vmem>>) target_semaphore(%arg16 : memref<!tpu.dma_semaphore, #tpu.memory_space<semaphore_mem>>)
      } else {
      }
      %dma_wait3A_248 = arith.constant 0 : i32
      %dma_wait3A_249 = tpu.memref_slice %arg2[%dma_wait3A_248] : memref<3200000xi32, #tpu.memory_space<hbm>> -> memref<4096xi32, #tpu.memory_space<hbm>>
      %dma_wait3A_250 = arith.constant 0 : i32
      %dma_wait3A_251 = tpu.memref_slice %arg2[%dma_wait3A_250] : memref<3200000xi32, #tpu.memory_space<hbm>> -> memref<4096xi32, #tpu.memory_space<hbm>>
      tpu.wait_dma2 semaphore(%arg17 : memref<!tpu.dma_semaphore, #tpu.memory_space<semaphore_mem>>) src(%dma_wait3A_251 : memref<4096xi32, #tpu.memory_space<hbm>>) dst(%arg9 : memref<4096xi32, #tpu.memory_space<vmem>>)
      %dma_wait3A_252 = arith.constant 0 : i32
      %dma_wait3A_253 = tpu.memref_slice %arg3[%dma_wait3A_252] : memref<3200000xf32, #tpu.memory_space<hbm>> -> memref<4096xf32, #tpu.memory_space<hbm>>
      %dma_wait3A_254 = arith.constant 0 : i32
      %dma_wait3A_255 = tpu.memref_slice %arg3[%dma_wait3A_254] : memref<3200000xf32, #tpu.memory_space<hbm>> -> memref<4096xf32, #tpu.memory_space<hbm>>
      tpu.wait_dma2 semaphore(%arg17 : memref<!tpu.dma_semaphore, #tpu.memory_space<semaphore_mem>>) src(%dma_wait3A_255 : memref<4096xf32, #tpu.memory_space<hbm>>) dst(%arg11 : memref<4096xf32, #tpu.memory_space<vmem>>)
      %add3A_256 = arith.constant 1 : i32
      %add3A_257 = arith.addi %mul3A_218, %add3A_256 : i32
      %lt3A_258 = arith.cmpi slt, %add3A_257, %max3A_117 : i32
      %convert_element_type3A_259 = arith.extui %lt3A_258 : i1 to i32
      %cond3A_260 = arith.constant 0 : i32
      %cond3A_261 = arith.cmpi ne, %convert_element_type3A_259, %cond3A_260 : i32
      %cond3A_262:3 = scf.if %cond3A_261 -> (vector<16xi32>, vector<16xf32>, vector<16xf32>) {
        %scan3A_263 = arith.constant 0 : i32
        %scan3A_264 = arith.constant 32 : i32
        %scan3A_265 = arith.addi %scan3A_263, %scan3A_264 : i32
        %scan3A_266 = arith.constant 1 : i32
        %scan3A_267:3 = scf.for %scan3A_269 = %scan3A_263 to %scan3A_265 step %scan3A_266 iter_args(%scan3A_270 = %cond3A_241#0, %scan3A_271 = %cond3A_241#1, %scan3A_272 = %cond3A_241#2) -> (vector<16xi32>, vector<16xf32>, vector<16xf32>)  : i32 {
          %mul3A_273 = arith.constant 8 : i32
          %mul3A_274 = arith.muli %scan3A_269, %mul3A_273 : i32
          %add3A_275 = arith.constant 0 : i32
          %add3A_276 = arith.addi %mul3A_274, %add3A_275 : i32
          %mul3A_277 = arith.constant 16 : i32
          %mul3A_278 = arith.muli %add3A_276, %mul3A_277 : i32
          %multiple_of3A_279 = tpu.assume_multiple %mul3A_278, 16 : i32
          %get3A_280 = arith.index_cast %multiple_of3A_279 : i32 to index
          %get3A_281 = tpu.vector_load %arg9[%get3A_280] {strides = array<i32>} : memref<4096xi32, #tpu.memory_space<vmem>>, vector<16xi32>,
          %get3A_282 = arith.index_cast %multiple_of3A_279 : i32 to index
          %get3A_283 = tpu.vector_load %arg11[%get3A_282] {strides = array<i32>} : memref<4096xf32, #tpu.memory_space<vmem>>, vector<16xf32>,
          %eq3A = arith.cmpi eq, %get3A_281, %scan3A_270 : vector<16xi32>
          %sub3A_284 = vector.broadcast %mul3A_2 : i32 to vector<16xi32>
          %sub3A_285 = arith.subi %scan3A_270, %sub3A_284 : vector<16xi32>
          %ge3A_286 = arith.constant 0 : i32
          %ge3A_287 = vector.broadcast %ge3A_286 : i32 to vector<16xi32>
          %ge3A_288 = arith.cmpi sge, %sub3A_285, %ge3A_287 : vector<16xi32>
          %lt3A_289 = arith.constant 1568 : i32
          %lt3A_290 = vector.broadcast %lt3A_289 : i32 to vector<16xi32>
          %lt3A_291 = arith.cmpi slt, %sub3A_285, %lt3A_290 : vector<16xi32>
          %and3A_292 = arith.andi %ge3A_288, %lt3A_291 : vector<16xi1>
          %jit3A_293 = arith.constant 0 : i32
          %broadcast_in_dim3A_294 = vector.broadcast %jit3A_293 : i32 to vector<16xi32>
          %select_n3A_295 = arith.select %and3A_292, %sub3A_285, %broadcast_in_dim3A_294 : vector<16xi1>, vector<16xi32>
          %mul3A_296 = arith.constant 16 : i32
          %mul3A_297 = vector.broadcast %mul3A_296 : i32 to vector<16xi32>
          %mul3A_298 = arith.muli %select_n3A_295, %mul3A_297 : vector<16xi32>
          %add3A_299 = arith.addi %mul3A_298, %iota3A : vector<16xi32>
          %not3A_300 = arith.constant dense<true> : vector<16xi1>
          %not3A_301 = arith.xori %eq3A, %not3A_300 : vector<16xi1>
          %and3A_302 = arith.andi %not3A_301, %and3A_292 : vector<16xi1>
          tpu.vector_store_idx %arg6[%add3A_299], %scan3A_271 masked %and3A_302 : memref<25088xf32, #tpu.memory_space<vmem>>[vector<16xi32>], vector<16xf32>, vector<16xi1>
          tpu.vector_store_idx %arg7[%add3A_299], %scan3A_272 masked %and3A_302 : memref<25088xf32, #tpu.memory_space<vmem>>[vector<16xi32>], vector<16xf32>, vector<16xi1>
          %select_n3A_303 = arith.select %eq3A, %scan3A_271, %broadcast_in_dim3A_3 : vector<16xi1>, vector<16xf32>
          %max3A_304 = arith.maximumf %select_n3A_303, %get3A_283 : vector<16xf32>
          %select_n3A_305 = arith.select %eq3A, %scan3A_272, %broadcast_in_dim3A_5 : vector<16xi1>, vector<16xf32>
          %min3A_306 = arith.minimumf %select_n3A_305, %get3A_283 : vector<16xf32>
          %mul3A_307 = arith.constant 8 : i32
          %mul3A_308 = arith.muli %scan3A_269, %mul3A_307 : i32
          %add3A_309 = arith.constant 1 : i32
          %add3A_310 = arith.addi %mul3A_308, %add3A_309 : i32
          %mul3A_311 = arith.constant 16 : i32
          %mul3A_312 = arith.muli %add3A_310, %mul3A_311 : i32
          %multiple_of3A_313 = tpu.assume_multiple %mul3A_312, 16 : i32
          %get3A_314 = arith.index_cast %multiple_of3A_313 : i32 to index
          %get3A_315 = tpu.vector_load %arg9[%get3A_314] {strides = array<i32>} : memref<4096xi32, #tpu.memory_space<vmem>>, vector<16xi32>,
          %get3A_316 = arith.index_cast %multiple_of3A_313 : i32 to index
          %get3A_317 = tpu.vector_load %arg11[%get3A_316] {strides = array<i32>} : memref<4096xf32, #tpu.memory_space<vmem>>, vector<16xf32>,
          %eq3A_318 = arith.cmpi eq, %get3A_315, %get3A_281 : vector<16xi32>
          %sub3A_319 = vector.broadcast %mul3A_2 : i32 to vector<16xi32>
          %sub3A_320 = arith.subi %get3A_281, %sub3A_319 : vector<16xi32>
          %ge3A_321 = arith.constant 0 : i32
          %ge3A_322 = vector.broadcast %ge3A_321 : i32 to vector<16xi32>
          %ge3A_323 = arith.cmpi sge, %sub3A_320, %ge3A_322 : vector<16xi32>
          %lt3A_324 = arith.constant 1568 : i32
          %lt3A_325 = vector.broadcast %lt3A_324 : i32 to vector<16xi32>
          %lt3A_326 = arith.cmpi slt, %sub3A_320, %lt3A_325 : vector<16xi32>
          %and3A_327 = arith.andi %ge3A_323, %lt3A_326 : vector<16xi1>
          %jit3A_328 = arith.constant 0 : i32
          %broadcast_in_dim3A_329 = vector.broadcast %jit3A_328 : i32 to vector<16xi32>
          %select_n3A_330 = arith.select %and3A_327, %sub3A_320, %broadcast_in_dim3A_329 : vector<16xi1>, vector<16xi32>
          %mul3A_331 = arith.constant 16 : i32
          %mul3A_332 = vector.broadcast %mul3A_331 : i32 to vector<16xi32>
          %mul3A_333 = arith.muli %select_n3A_330, %mul3A_332 : vector<16xi32>
          %add3A_334 = arith.addi %mul3A_333, %iota3A : vector<16xi32>
          %not3A_335 = arith.constant dense<true> : vector<16xi1>
          %not3A_336 = arith.xori %eq3A_318, %not3A_335 : vector<16xi1>
          %and3A_337 = arith.andi %not3A_336, %and3A_327 : vector<16xi1>
          tpu.vector_store_idx %arg6[%add3A_334], %max3A_304 masked %and3A_337 : memref<25088xf32, #tpu.memory_space<vmem>>[vector<16xi32>], vector<16xf32>, vector<16xi1>
          tpu.vector_store_idx %arg7[%add3A_334], %min3A_306 masked %and3A_337 : memref<25088xf32, #tpu.memory_space<vmem>>[vector<16xi32>], vector<16xf32>, vector<16xi1>
          %select_n3A_338 = arith.select %eq3A_318, %max3A_304, %broadcast_in_dim3A_3 : vector<16xi1>, vector<16xf32>
          %max3A_339 = arith.maximumf %select_n3A_338, %get3A_317 : vector<16xf32>
          %select_n3A_340 = arith.select %eq3A_318, %min3A_306, %broadcast_in_dim3A_5 : vector<16xi1>, vector<16xf32>
          %min3A_341 = arith.minimumf %select_n3A_340, %get3A_317 : vector<16xf32>
          %mul3A_342 = arith.constant 8 : i32
          %mul3A_343 = arith.muli %scan3A_269, %mul3A_342 : i32
          %add3A_344 = arith.constant 2 : i32
          %add3A_345 = arith.addi %mul3A_343, %add3A_344 : i32
          %mul3A_346 = arith.constant 16 : i32
          %mul3A_347 = arith.muli %add3A_345, %mul3A_346 : i32
          %multiple_of3A_348 = tpu.assume_multiple %mul3A_347, 16 : i32
          %get3A_349 = arith.index_cast %multiple_of3A_348 : i32 to index
          %get3A_350 = tpu.vector_load %arg9[%get3A_349] {strides = array<i32>} : memref<4096xi32, #tpu.memory_space<vmem>>, vector<16xi32>,
          %get3A_351 = arith.index_cast %multiple_of3A_348 : i32 to index
          %get3A_352 = tpu.vector_load %arg11[%get3A_351] {strides = array<i32>} : memref<4096xf32, #tpu.memory_space<vmem>>, vector<16xf32>,
          %eq3A_353 = arith.cmpi eq, %get3A_350, %get3A_315 : vector<16xi32>
          %sub3A_354 = vector.broadcast %mul3A_2 : i32 to vector<16xi32>
          %sub3A_355 = arith.subi %get3A_315, %sub3A_354 : vector<16xi32>
          %ge3A_356 = arith.constant 0 : i32
          %ge3A_357 = vector.broadcast %ge3A_356 : i32 to vector<16xi32>
          %ge3A_358 = arith.cmpi sge, %sub3A_355, %ge3A_357 : vector<16xi32>
          %lt3A_359 = arith.constant 1568 : i32
          %lt3A_360 = vector.broadcast %lt3A_359 : i32 to vector<16xi32>
          %lt3A_361 = arith.cmpi slt, %sub3A_355, %lt3A_360 : vector<16xi32>
          %and3A_362 = arith.andi %ge3A_358, %lt3A_361 : vector<16xi1>
          %jit3A_363 = arith.constant 0 : i32
          %broadcast_in_dim3A_364 = vector.broadcast %jit3A_363 : i32 to vector<16xi32>
          %select_n3A_365 = arith.select %and3A_362, %sub3A_355, %broadcast_in_dim3A_364 : vector<16xi1>, vector<16xi32>
          %mul3A_366 = arith.constant 16 : i32
          %mul3A_367 = vector.broadcast %mul3A_366 : i32 to vector<16xi32>
          %mul3A_368 = arith.muli %select_n3A_365, %mul3A_367 : vector<16xi32>
          %add3A_369 = arith.addi %mul3A_368, %iota3A : vector<16xi32>
          %not3A_370 = arith.constant dense<true> : vector<16xi1>
          %not3A_371 = arith.xori %eq3A_353, %not3A_370 : vector<16xi1>
          %and3A_372 = arith.andi %not3A_371, %and3A_362 : vector<16xi1>
          tpu.vector_store_idx %arg6[%add3A_369], %max3A_339 masked %and3A_372 : memref<25088xf32, #tpu.memory_space<vmem>>[vector<16xi32>], vector<16xf32>, vector<16xi1>
          tpu.vector_store_idx %arg7[%add3A_369], %min3A_341 masked %and3A_372 : memref<25088xf32, #tpu.memory_space<vmem>>[vector<16xi32>], vector<16xf32>, vector<16xi1>
          %select_n3A_373 = arith.select %eq3A_353, %max3A_339, %broadcast_in_dim3A_3 : vector<16xi1>, vector<16xf32>
          %max3A_374 = arith.maximumf %select_n3A_373, %get3A_352 : vector<16xf32>
          %select_n3A_375 = arith.select %eq3A_353, %min3A_341, %broadcast_in_dim3A_5 : vector<16xi1>, vector<16xf32>
          %min3A_376 = arith.minimumf %select_n3A_375, %get3A_352 : vector<16xf32>
          %mul3A_377 = arith.constant 8 : i32
          %mul3A_378 = arith.muli %scan3A_269, %mul3A_377 : i32
          %add3A_379 = arith.constant 3 : i32
          %add3A_380 = arith.addi %mul3A_378, %add3A_379 : i32
          %mul3A_381 = arith.constant 16 : i32
          %mul3A_382 = arith.muli %add3A_380, %mul3A_381 : i32
          %multiple_of3A_383 = tpu.assume_multiple %mul3A_382, 16 : i32
          %get3A_384 = arith.index_cast %multiple_of3A_383 : i32 to index
          %get3A_385 = tpu.vector_load %arg9[%get3A_384] {strides = array<i32>} : memref<4096xi32, #tpu.memory_space<vmem>>, vector<16xi32>,
          %get3A_386 = arith.index_cast %multiple_of3A_383 : i32 to index
          %get3A_387 = tpu.vector_load %arg11[%get3A_386] {strides = array<i32>} : memref<4096xf32, #tpu.memory_space<vmem>>, vector<16xf32>,
          %eq3A_388 = arith.cmpi eq, %get3A_385, %get3A_350 : vector<16xi32>
          %sub3A_389 = vector.broadcast %mul3A_2 : i32 to vector<16xi32>
          %sub3A_390 = arith.subi %get3A_350, %sub3A_389 : vector<16xi32>
          %ge3A_391 = arith.constant 0 : i32
          %ge3A_392 = vector.broadcast %ge3A_391 : i32 to vector<16xi32>
          %ge3A_393 = arith.cmpi sge, %sub3A_390, %ge3A_392 : vector<16xi32>
          %lt3A_394 = arith.constant 1568 : i32
          %lt3A_395 = vector.broadcast %lt3A_394 : i32 to vector<16xi32>
          %lt3A_396 = arith.cmpi slt, %sub3A_390, %lt3A_395 : vector<16xi32>
          %and3A_397 = arith.andi %ge3A_393, %lt3A_396 : vector<16xi1>
          %jit3A_398 = arith.constant 0 : i32
          %broadcast_in_dim3A_399 = vector.broadcast %jit3A_398 : i32 to vector<16xi32>
          %select_n3A_400 = arith.select %and3A_397, %sub3A_390, %broadcast_in_dim3A_399 : vector<16xi1>, vector<16xi32>
          %mul3A_401 = arith.constant 16 : i32
          %mul3A_402 = vector.broadcast %mul3A_401 : i32 to vector<16xi32>
          %mul3A_403 = arith.muli %select_n3A_400, %mul3A_402 : vector<16xi32>
          %add3A_404 = arith.addi %mul3A_403, %iota3A : vector<16xi32>
          %not3A_405 = arith.constant dense<true> : vector<16xi1>
          %not3A_406 = arith.xori %eq3A_388, %not3A_405 : vector<16xi1>
          %and3A_407 = arith.andi %not3A_406, %and3A_397 : vector<16xi1>
          tpu.vector_store_idx %arg6[%add3A_404], %max3A_374 masked %and3A_407 : memref<25088xf32, #tpu.memory_space<vmem>>[vector<16xi32>], vector<16xf32>, vector<16xi1>
          tpu.vector_store_idx %arg7[%add3A_404], %min3A_376 masked %and3A_407 : memref<25088xf32, #tpu.memory_space<vmem>>[vector<16xi32>], vector<16xf32>, vector<16xi1>
          %select_n3A_408 = arith.select %eq3A_388, %max3A_374, %broadcast_in_dim3A_3 : vector<16xi1>, vector<16xf32>
          %max3A_409 = arith.maximumf %select_n3A_408, %get3A_387 : vector<16xf32>
          %select_n3A_410 = arith.select %eq3A_388, %min3A_376, %broadcast_in_dim3A_5 : vector<16xi1>, vector<16xf32>
          %min3A_411 = arith.minimumf %select_n3A_410, %get3A_387 : vector<16xf32>
          %mul3A_412 = arith.constant 8 : i32
          %mul3A_413 = arith.muli %scan3A_269, %mul3A_412 : i32
          %add3A_414 = arith.constant 4 : i32
          %add3A_415 = arith.addi %mul3A_413, %add3A_414 : i32
          %mul3A_416 = arith.constant 16 : i32
          %mul3A_417 = arith.muli %add3A_415, %mul3A_416 : i32
          %multiple_of3A_418 = tpu.assume_multiple %mul3A_417, 16 : i32
          %get3A_419 = arith.index_cast %multiple_of3A_418 : i32 to index
          %get3A_420 = tpu.vector_load %arg9[%get3A_419] {strides = array<i32>} : memref<4096xi32, #tpu.memory_space<vmem>>, vector<16xi32>,
          %get3A_421 = arith.index_cast %multiple_of3A_418 : i32 to index
          %get3A_422 = tpu.vector_load %arg11[%get3A_421] {strides = array<i32>} : memref<4096xf32, #tpu.memory_space<vmem>>, vector<16xf32>,
          %eq3A_423 = arith.cmpi eq, %get3A_420, %get3A_385 : vector<16xi32>
          %sub3A_424 = vector.broadcast %mul3A_2 : i32 to vector<16xi32>
          %sub3A_425 = arith.subi %get3A_385, %sub3A_424 : vector<16xi32>
          %ge3A_426 = arith.constant 0 : i32
          %ge3A_427 = vector.broadcast %ge3A_426 : i32 to vector<16xi32>
          %ge3A_428 = arith.cmpi sge, %sub3A_425, %ge3A_427 : vector<16xi32>
          %lt3A_429 = arith.constant 1568 : i32
          %lt3A_430 = vector.broadcast %lt3A_429 : i32 to vector<16xi32>
          %lt3A_431 = arith.cmpi slt, %sub3A_425, %lt3A_430 : vector<16xi32>
          %and3A_432 = arith.andi %ge3A_428, %lt3A_431 : vector<16xi1>
          %jit3A_433 = arith.constant 0 : i32
          %broadcast_in_dim3A_434 = vector.broadcast %jit3A_433 : i32 to vector<16xi32>
          %select_n3A_435 = arith.select %and3A_432, %sub3A_425, %broadcast_in_dim3A_434 : vector<16xi1>, vector<16xi32>
          %mul3A_436 = arith.constant 16 : i32
          %mul3A_437 = vector.broadcast %mul3A_436 : i32 to vector<16xi32>
          %mul3A_438 = arith.muli %select_n3A_435, %mul3A_437 : vector<16xi32>
          %add3A_439 = arith.addi %mul3A_438, %iota3A : vector<16xi32>
          %not3A_440 = arith.constant dense<true> : vector<16xi1>
          %not3A_441 = arith.xori %eq3A_423, %not3A_440 : vector<16xi1>
          %and3A_442 = arith.andi %not3A_441, %and3A_432 : vector<16xi1>
          tpu.vector_store_idx %arg6[%add3A_439], %max3A_409 masked %and3A_442 : memref<25088xf32, #tpu.memory_space<vmem>>[vector<16xi32>], vector<16xf32>, vector<16xi1>
          tpu.vector_store_idx %arg7[%add3A_439], %min3A_411 masked %and3A_442 : memref<25088xf32, #tpu.memory_space<vmem>>[vector<16xi32>], vector<16xf32>, vector<16xi1>
          %select_n3A_443 = arith.select %eq3A_423, %max3A_409, %broadcast_in_dim3A_3 : vector<16xi1>, vector<16xf32>
          %max3A_444 = arith.maximumf %select_n3A_443, %get3A_422 : vector<16xf32>
          %select_n3A_445 = arith.select %eq3A_423, %min3A_411, %broadcast_in_dim3A_5 : vector<16xi1>, vector<16xf32>
          %min3A_446 = arith.minimumf %select_n3A_445, %get3A_422 : vector<16xf32>
          %mul3A_447 = arith.constant 8 : i32
          %mul3A_448 = arith.muli %scan3A_269, %mul3A_447 : i32
          %add3A_449 = arith.constant 5 : i32
          %add3A_450 = arith.addi %mul3A_448, %add3A_449 : i32
          %mul3A_451 = arith.constant 16 : i32
          %mul3A_452 = arith.muli %add3A_450, %mul3A_451 : i32
          %multiple_of3A_453 = tpu.assume_multiple %mul3A_452, 16 : i32
          %get3A_454 = arith.index_cast %multiple_of3A_453 : i32 to index
          %get3A_455 = tpu.vector_load %arg9[%get3A_454] {strides = array<i32>} : memref<4096xi32, #tpu.memory_space<vmem>>, vector<16xi32>,
          %get3A_456 = arith.index_cast %multiple_of3A_453 : i32 to index
          %get3A_457 = tpu.vector_load %arg11[%get3A_456] {strides = array<i32>} : memref<4096xf32, #tpu.memory_space<vmem>>, vector<16xf32>,
          %eq3A_458 = arith.cmpi eq, %get3A_455, %get3A_420 : vector<16xi32>
          %sub3A_459 = vector.broadcast %mul3A_2 : i32 to vector<16xi32>
          %sub3A_460 = arith.subi %get3A_420, %sub3A_459 : vector<16xi32>
          %ge3A_461 = arith.constant 0 : i32
          %ge3A_462 = vector.broadcast %ge3A_461 : i32 to vector<16xi32>
          %ge3A_463 = arith.cmpi sge, %sub3A_460, %ge3A_462 : vector<16xi32>
          %lt3A_464 = arith.constant 1568 : i32
          %lt3A_465 = vector.broadcast %lt3A_464 : i32 to vector<16xi32>
          %lt3A_466 = arith.cmpi slt, %sub3A_460, %lt3A_465 : vector<16xi32>
          %and3A_467 = arith.andi %ge3A_463, %lt3A_466 : vector<16xi1>
          %jit3A_468 = arith.constant 0 : i32
          %broadcast_in_dim3A_469 = vector.broadcast %jit3A_468 : i32 to vector<16xi32>
          %select_n3A_470 = arith.select %and3A_467, %sub3A_460, %broadcast_in_dim3A_469 : vector<16xi1>, vector<16xi32>
          %mul3A_471 = arith.constant 16 : i32
          %mul3A_472 = vector.broadcast %mul3A_471 : i32 to vector<16xi32>
          %mul3A_473 = arith.muli %select_n3A_470, %mul3A_472 : vector<16xi32>
          %add3A_474 = arith.addi %mul3A_473, %iota3A : vector<16xi32>
          %not3A_475 = arith.constant dense<true> : vector<16xi1>
          %not3A_476 = arith.xori %eq3A_458, %not3A_475 : vector<16xi1>
          %and3A_477 = arith.andi %not3A_476, %and3A_467 : vector<16xi1>
          tpu.vector_store_idx %arg6[%add3A_474], %max3A_444 masked %and3A_477 : memref<25088xf32, #tpu.memory_space<vmem>>[vector<16xi32>], vector<16xf32>, vector<16xi1>
          tpu.vector_store_idx %arg7[%add3A_474], %min3A_446 masked %and3A_477 : memref<25088xf32, #tpu.memory_space<vmem>>[vector<16xi32>], vector<16xf32>, vector<16xi1>
          %select_n3A_478 = arith.select %eq3A_458, %max3A_444, %broadcast_in_dim3A_3 : vector<16xi1>, vector<16xf32>
          %max3A_479 = arith.maximumf %select_n3A_478, %get3A_457 : vector<16xf32>
          %select_n3A_480 = arith.select %eq3A_458, %min3A_446, %broadcast_in_dim3A_5 : vector<16xi1>, vector<16xf32>
          %min3A_481 = arith.minimumf %select_n3A_480, %get3A_457 : vector<16xf32>
          %mul3A_482 = arith.constant 8 : i32
          %mul3A_483 = arith.muli %scan3A_269, %mul3A_482 : i32
          %add3A_484 = arith.constant 6 : i32
          %add3A_485 = arith.addi %mul3A_483, %add3A_484 : i32
          %mul3A_486 = arith.constant 16 : i32
          %mul3A_487 = arith.muli %add3A_485, %mul3A_486 : i32
          %multiple_of3A_488 = tpu.assume_multiple %mul3A_487, 16 : i32
          %get3A_489 = arith.index_cast %multiple_of3A_488 : i32 to index
          %get3A_490 = tpu.vector_load %arg9[%get3A_489] {strides = array<i32>} : memref<4096xi32, #tpu.memory_space<vmem>>, vector<16xi32>,
          %get3A_491 = arith.index_cast %multiple_of3A_488 : i32 to index
          %get3A_492 = tpu.vector_load %arg11[%get3A_491] {strides = array<i32>} : memref<4096xf32, #tpu.memory_space<vmem>>, vector<16xf32>,
          %eq3A_493 = arith.cmpi eq, %get3A_490, %get3A_455 : vector<16xi32>
          %sub3A_494 = vector.broadcast %mul3A_2 : i32 to vector<16xi32>
          %sub3A_495 = arith.subi %get3A_455, %sub3A_494 : vector<16xi32>
          %ge3A_496 = arith.constant 0 : i32
          %ge3A_497 = vector.broadcast %ge3A_496 : i32 to vector<16xi32>
          %ge3A_498 = arith.cmpi sge, %sub3A_495, %ge3A_497 : vector<16xi32>
          %lt3A_499 = arith.constant 1568 : i32
          %lt3A_500 = vector.broadcast %lt3A_499 : i32 to vector<16xi32>
          %lt3A_501 = arith.cmpi slt, %sub3A_495, %lt3A_500 : vector<16xi32>
          %and3A_502 = arith.andi %ge3A_498, %lt3A_501 : vector<16xi1>
          %jit3A_503 = arith.constant 0 : i32
          %broadcast_in_dim3A_504 = vector.broadcast %jit3A_503 : i32 to vector<16xi32>
          %select_n3A_505 = arith.select %and3A_502, %sub3A_495, %broadcast_in_dim3A_504 : vector<16xi1>, vector<16xi32>
          %mul3A_506 = arith.constant 16 : i32
          %mul3A_507 = vector.broadcast %mul3A_506 : i32 to vector<16xi32>
          %mul3A_508 = arith.muli %select_n3A_505, %mul3A_507 : vector<16xi32>
          %add3A_509 = arith.addi %mul3A_508, %iota3A : vector<16xi32>
          %not3A_510 = arith.constant dense<true> : vector<16xi1>
          %not3A_511 = arith.xori %eq3A_493, %not3A_510 : vector<16xi1>
          %and3A_512 = arith.andi %not3A_511, %and3A_502 : vector<16xi1>
          tpu.vector_store_idx %arg6[%add3A_509], %max3A_479 masked %and3A_512 : memref<25088xf32, #tpu.memory_space<vmem>>[vector<16xi32>], vector<16xf32>, vector<16xi1>
          tpu.vector_store_idx %arg7[%add3A_509], %min3A_481 masked %and3A_512 : memref<25088xf32, #tpu.memory_space<vmem>>[vector<16xi32>], vector<16xf32>, vector<16xi1>
          %select_n3A_513 = arith.select %eq3A_493, %max3A_479, %broadcast_in_dim3A_3 : vector<16xi1>, vector<16xf32>
          %max3A_514 = arith.maximumf %select_n3A_513, %get3A_492 : vector<16xf32>
          %select_n3A_515 = arith.select %eq3A_493, %min3A_481, %broadcast_in_dim3A_5 : vector<16xi1>, vector<16xf32>
          %min3A_516 = arith.minimumf %select_n3A_515, %get3A_492 : vector<16xf32>
          %mul3A_517 = arith.constant 8 : i32
          %mul3A_518 = arith.muli %scan3A_269, %mul3A_517 : i32
          %add3A_519 = arith.constant 7 : i32
          %add3A_520 = arith.addi %mul3A_518, %add3A_519 : i32
          %mul3A_521 = arith.constant 16 : i32
          %mul3A_522 = arith.muli %add3A_520, %mul3A_521 : i32
          %multiple_of3A_523 = tpu.assume_multiple %mul3A_522, 16 : i32
          %get3A_524 = arith.index_cast %multiple_of3A_523 : i32 to index
          %get3A_525 = tpu.vector_load %arg9[%get3A_524] {strides = array<i32>} : memref<4096xi32, #tpu.memory_space<vmem>>, vector<16xi32>,
          %get3A_526 = arith.index_cast %multiple_of3A_523 : i32 to index
          %get3A_527 = tpu.vector_load %arg11[%get3A_526] {strides = array<i32>} : memref<4096xf32, #tpu.memory_space<vmem>>, vector<16xf32>,
          %eq3A_528 = arith.cmpi eq, %get3A_525, %get3A_490 : vector<16xi32>
          %sub3A_529 = vector.broadcast %mul3A_2 : i32 to vector<16xi32>
          %sub3A_530 = arith.subi %get3A_490, %sub3A_529 : vector<16xi32>
          %ge3A_531 = arith.constant 0 : i32
          %ge3A_532 = vector.broadcast %ge3A_531 : i32 to vector<16xi32>
          %ge3A_533 = arith.cmpi sge, %sub3A_530, %ge3A_532 : vector<16xi32>
          %lt3A_534 = arith.constant 1568 : i32
          %lt3A_535 = vector.broadcast %lt3A_534 : i32 to vector<16xi32>
          %lt3A_536 = arith.cmpi slt, %sub3A_530, %lt3A_535 : vector<16xi32>
          %and3A_537 = arith.andi %ge3A_533, %lt3A_536 : vector<16xi1>
          %jit3A_538 = arith.constant 0 : i32
          %broadcast_in_dim3A_539 = vector.broadcast %jit3A_538 : i32 to vector<16xi32>
          %select_n3A_540 = arith.select %and3A_537, %sub3A_530, %broadcast_in_dim3A_539 : vector<16xi1>, vector<16xi32>
          %mul3A_541 = arith.constant 16 : i32
          %mul3A_542 = vector.broadcast %mul3A_541 : i32 to vector<16xi32>
          %mul3A_543 = arith.muli %select_n3A_540, %mul3A_542 : vector<16xi32>
          %add3A_544 = arith.addi %mul3A_543, %iota3A : vector<16xi32>
          %not3A_545 = arith.constant dense<true> : vector<16xi1>
          %not3A_546 = arith.xori %eq3A_528, %not3A_545 : vector<16xi1>
          %and3A_547 = arith.andi %not3A_546, %and3A_537 : vector<16xi1>
          tpu.vector_store_idx %arg6[%add3A_544], %max3A_514 masked %and3A_547 : memref<25088xf32, #tpu.memory_space<vmem>>[vector<16xi32>], vector<16xf32>, vector<16xi1>
          tpu.vector_store_idx %arg7[%add3A_544], %min3A_516 masked %and3A_547 : memref<25088xf32, #tpu.memory_space<vmem>>[vector<16xi32>], vector<16xf32>, vector<16xi1>
          %select_n3A_548 = arith.select %eq3A_528, %max3A_514, %broadcast_in_dim3A_3 : vector<16xi1>, vector<16xf32>
          %max3A_549 = arith.maximumf %select_n3A_548, %get3A_527 : vector<16xf32>
          %select_n3A_550 = arith.select %eq3A_528, %min3A_516, %broadcast_in_dim3A_5 : vector<16xi1>, vector<16xf32>
          %min3A_551 = arith.minimumf %select_n3A_550, %get3A_527 : vector<16xf32>
          scf.yield %get3A_525, %max3A_549, %min3A_551 : vector<16xi32>, vector<16xf32>, vector<16xf32>
        }
        %scan3A_268 = arith.constant 32 : i32
        scf.yield %scan3A_267#0, %scan3A_267#1, %scan3A_267#2 : vector<16xi32>, vector<16xf32>, vector<16xf32>
      } else {
        scf.yield %cond3A_241#0, %cond3A_241#1, %cond3A_241#2 : vector<16xi32>, vector<16xf32>, vector<16xf32>
      }
      scf.yield %cond3A_262#0, %cond3A_262#1, %cond3A_262#2 : vector<16xi32>, vector<16xf32>, vector<16xf32>
    }
    %broadcast_in_dim3A_144 = arith.constant false
    %broadcast_in_dim3A_145 = vector.broadcast %broadcast_in_dim3A_144 : i1 to vector<16xi1>
    %sub3A_146 = vector.broadcast %mul3A_2 : i32 to vector<16xi32>
    %sub3A_147 = arith.subi %while3A_143#0, %sub3A_146 : vector<16xi32>
    %ge3A = arith.constant 0 : i32
    %ge3A_148 = vector.broadcast %ge3A : i32 to vector<16xi32>
    %ge3A_149 = arith.cmpi sge, %sub3A_147, %ge3A_148 : vector<16xi32>
    %lt3A_150 = arith.constant 1568 : i32
    %lt3A_151 = vector.broadcast %lt3A_150 : i32 to vector<16xi32>
    %lt3A_152 = arith.cmpi slt, %sub3A_147, %lt3A_151 : vector<16xi32>
    %and3A_153 = arith.andi %ge3A_149, %lt3A_152 : vector<16xi1>
    %jit3A_154 = arith.constant 0 : i32
    %broadcast_in_dim3A_155 = vector.broadcast %jit3A_154 : i32 to vector<16xi32>
    %select_n3A_156 = arith.select %and3A_153, %sub3A_147, %broadcast_in_dim3A_155 : vector<16xi1>, vector<16xi32>
    %mul3A_157 = arith.constant 16 : i32
    %mul3A_158 = vector.broadcast %mul3A_157 : i32 to vector<16xi32>
    %mul3A_159 = arith.muli %select_n3A_156, %mul3A_158 : vector<16xi32>
    %add3A_160 = arith.addi %mul3A_159, %iota3A : vector<16xi32>
    %not3A_161 = arith.constant dense<true> : vector<16xi1>
    %not3A_162 = arith.xori %broadcast_in_dim3A_145, %not3A_161 : vector<16xi1>
    %and3A_163 = arith.andi %not3A_162, %and3A_153 : vector<16xi1>
    tpu.vector_store_idx %arg6[%add3A_160], %while3A_143#1 masked %and3A_163 : memref<25088xf32, #tpu.memory_space<vmem>>[vector<16xi32>], vector<16xf32>, vector<16xi1>
    tpu.vector_store_idx %arg7[%add3A_160], %while3A_143#2 masked %and3A_163 : memref<25088xf32, #tpu.memory_space<vmem>>[vector<16xi32>], vector<16xf32>, vector<16xi1>
    %dma_start3A_164 = arith.constant 0 : i32
    %dma_start3A_165 = tpu.memref_slice %arg8[%dma_start3A_164] : memref<4096xi32, #tpu.memory_space<vmem>> -> memref<1024xi32, #tpu.memory_space<vmem>>
    %dma_start3A_166 = arith.constant 3198976 : i32
    %dma_start3A_167 = tpu.memref_slice %arg2[%dma_start3A_166] : memref<3200000xi32, #tpu.memory_space<hbm>> -> memref<1024xi32, #tpu.memory_space<hbm>>
    %dma_start3A_168 = arith.constant 0 : i32
    %dma_start3A_169 = tpu.memref_slice %arg8[%dma_start3A_168] : memref<4096xi32, #tpu.memory_space<vmem>> -> memref<1024xi32, #tpu.memory_space<vmem>>
    %dma_start3A_170 = arith.constant 3198976 : i32
    %dma_start3A_171 = tpu.memref_slice %arg2[%dma_start3A_170] : memref<3200000xi32, #tpu.memory_space<hbm>> -> memref<1024xi32, #tpu.memory_space<hbm>>
    tpu.enqueue_dma source(%dma_start3A_171 : memref<1024xi32, #tpu.memory_space<hbm>>) target(%dma_start3A_169 : memref<1024xi32, #tpu.memory_space<vmem>>) target_semaphore(%arg16 : memref<!tpu.dma_semaphore, #tpu.memory_space<semaphore_mem>>)
    %dma_start3A_172 = arith.constant 0 : i32
    %dma_start3A_173 = tpu.memref_slice %arg10[%dma_start3A_172] : memref<4096xf32, #tpu.memory_space<vmem>> -> memref<1024xf32, #tpu.memory_space<vmem>>
    %dma_start3A_174 = arith.constant 3198976 : i32
    %dma_start3A_175 = tpu.memref_slice %arg3[%dma_start3A_174] : memref<3200000xf32, #tpu.memory_space<hbm>> -> memref<1024xf32, #tpu.memory_space<hbm>>
    %dma_start3A_176 = arith.constant 0 : i32
    %dma_start3A_177 = tpu.memref_slice %arg10[%dma_start3A_176] : memref<4096xf32, #tpu.memory_space<vmem>> -> memref<1024xf32, #tpu.memory_space<vmem>>
    %dma_start3A_178 = arith.constant 3198976 : i32
    %dma_start3A_179 = tpu.memref_slice %arg3[%dma_start3A_178] : memref<3200000xf32, #tpu.memory_space<hbm>> -> memref<1024xf32, #tpu.memory_space<hbm>>
    tpu.enqueue_dma source(%dma_start3A_179 : memref<1024xf32, #tpu.memory_space<hbm>>) target(%dma_start3A_177 : memref<1024xf32, #tpu.memory_space<vmem>>) target_semaphore(%arg16 : memref<!tpu.dma_semaphore, #tpu.memory_space<semaphore_mem>>)
    %dma_wait3A_180 = arith.constant 0 : i32
    %dma_wait3A_181 = tpu.memref_slice %arg8[%dma_wait3A_180] : memref<4096xi32, #tpu.memory_space<vmem>> -> memref<1024xi32, #tpu.memory_space<vmem>>
    %dma_wait3A_182 = arith.constant 0 : i32
    %dma_wait3A_183 = tpu.memref_slice %arg2[%dma_wait3A_182] : memref<3200000xi32, #tpu.memory_space<hbm>> -> memref<1024xi32, #tpu.memory_space<hbm>>
    %dma_wait3A_184 = arith.constant 0 : i32
    %dma_wait3A_185 = tpu.memref_slice %arg8[%dma_wait3A_184] : memref<4096xi32, #tpu.memory_space<vmem>> -> memref<1024xi32, #tpu.memory_space<vmem>>
    %dma_wait3A_186 = arith.constant 0 : i32
    %dma_wait3A_187 = tpu.memref_slice %arg2[%dma_wait3A_186] : memref<3200000xi32, #tpu.memory_space<hbm>> -> memref<1024xi32, #tpu.memory_space<hbm>>
    tpu.wait_dma2 semaphore(%arg16 : memref<!tpu.dma_semaphore, #tpu.memory_space<semaphore_mem>>) src(%dma_wait3A_187 : memref<1024xi32, #tpu.memory_space<hbm>>) dst(%dma_wait3A_185 : memref<1024xi32, #tpu.memory_space<vmem>>)
    %dma_wait3A_188 = arith.constant 0 : i32
    %dma_wait3A_189 = tpu.memref_slice %arg10[%dma_wait3A_188] : memref<4096xf32, #tpu.memory_space<vmem>> -> memref<1024xf32, #tpu.memory_space<vmem>>
    %dma_wait3A_190 = arith.constant 0 : i32
    %dma_wait3A_191 = tpu.memref_slice %arg3[%dma_wait3A_190] : memref<3200000xf32, #tpu.memory_space<hbm>> -> memref<1024xf32, #tpu.memory_space<hbm>>
    %dma_wait3A_192 = arith.constant 0 : i32
    %dma_wait3A_193 = tpu.memref_slice %arg10[%dma_wait3A_192] : memref<4096xf32, #tpu.memory_space<vmem>> -> memref<1024xf32, #tpu.memory_space<vmem>>
    %dma_wait3A_194 = arith.constant 0 : i32
    %dma_wait3A_195 = tpu.memref_slice %arg3[%dma_wait3A_194] : memref<3200000xf32, #tpu.memory_space<hbm>> -> memref<1024xf32, #tpu.memory_space<hbm>>
    tpu.wait_dma2 semaphore(%arg16 : memref<!tpu.dma_semaphore, #tpu.memory_space<semaphore_mem>>) src(%dma_wait3A_195 : memref<1024xf32, #tpu.memory_space<hbm>>) dst(%dma_wait3A_193 : memref<1024xf32, #tpu.memory_space<vmem>>)
    %scan3A_196 = arith.constant 0 : i32
    %scan3A_197 = arith.constant 0 : i32
    %scan3A_198 = arith.constant 8 : i32
    %scan3A_199 = arith.addi %scan3A_197, %scan3A_198 : i32
    %scan3A_200 = arith.constant 1 : i32
    scf.for %scan3A_213 = %scan3A_197 to %scan3A_199 step %scan3A_200  : i32 {
      %mul3A_214 = arith.constant 8 : i32
      %mul3A_215 = arith.muli %scan3A_213, %mul3A_214 : i32
      %add3A_216 = arith.constant 0 : i32
      %add3A_217 = arith.addi %mul3A_215, %add3A_216 : i32
      %mul3A_218 = arith.constant 16 : i32
      %mul3A_219 = arith.muli %add3A_217, %mul3A_218 : i32
      %multiple_of3A_220 = tpu.assume_multiple %mul3A_219, 16 : i32
      %get3A_221 = arith.index_cast %multiple_of3A_220 : i32 to index
      %get3A_222 = tpu.vector_load %arg8[%get3A_221] {strides = array<i32>} : memref<4096xi32, #tpu.memory_space<vmem>>, vector<16xi32>,
      %get3A_223 = arith.index_cast %multiple_of3A_220 : i32 to index
      %get3A_224 = tpu.vector_load %arg10[%get3A_223] {strides = array<i32>} : memref<4096xf32, #tpu.memory_space<vmem>>, vector<16xf32>,
      %sub3A_225 = vector.broadcast %mul3A_2 : i32 to vector<16xi32>
      %sub3A_226 = arith.subi %get3A_222, %sub3A_225 : vector<16xi32>
      %ge3A_227 = arith.constant 0 : i32
      %ge3A_228 = vector.broadcast %ge3A_227 : i32 to vector<16xi32>
      %ge3A_229 = arith.cmpi sge, %sub3A_226, %ge3A_228 : vector<16xi32>
      %lt3A_230 = arith.constant 1568 : i32
      %lt3A_231 = vector.broadcast %lt3A_230 : i32 to vector<16xi32>
      %lt3A_232 = arith.cmpi slt, %sub3A_226, %lt3A_231 : vector<16xi32>
      %and3A_233 = arith.andi %ge3A_229, %lt3A_232 : vector<16xi1>
      %jit3A_234 = arith.constant 0 : i32
      %broadcast_in_dim3A_235 = vector.broadcast %jit3A_234 : i32 to vector<16xi32>
      %select_n3A_236 = arith.select %and3A_233, %sub3A_226, %broadcast_in_dim3A_235 : vector<16xi1>, vector<16xi32>
      %add3A_237 = vector.broadcast %add3A_217 : i32 to vector<16xi32>
      %add3A_238 = arith.addi %iota3A, %add3A_237 : vector<16xi32>
      %and3A_239 = arith.constant 15 : i32
      %and3A_240 = vector.broadcast %and3A_239 : i32 to vector<16xi32>
      %and3A_241 = arith.andi %add3A_238, %and3A_240 : vector<16xi32>
      %mul3A_242 = arith.constant 16 : i32
      %mul3A_243 = vector.broadcast %mul3A_242 : i32 to vector<16xi32>
      %mul3A_244 = arith.muli %select_n3A_236, %mul3A_243 : vector<16xi32>
      %add3A_245 = arith.addi %mul3A_244, %and3A_241 : vector<16xi32>
      %gather3A = tpu.vector_load_idx %arg6[%add3A_245] : memref<25088xf32, #tpu.memory_space<vmem>>[vector<16xi32>], vector<16xf32>,
      %gather3A_246 = tpu.vector_load_idx %arg7[%add3A_245] : memref<25088xf32, #tpu.memory_space<vmem>>[vector<16xi32>], vector<16xf32>,
      %max3A_247 = arith.maximumf %gather3A, %get3A_224 : vector<16xf32>
      tpu.vector_store_idx %arg6[%add3A_245], %max3A_247 masked %and3A_233 : memref<25088xf32, #tpu.memory_space<vmem>>[vector<16xi32>], vector<16xf32>, vector<16xi1>
      %min3A_248 = arith.minimumf %gather3A_246, %get3A_224 : vector<16xf32>
      tpu.vector_store_idx %arg7[%add3A_245], %min3A_248 masked %and3A_233 : memref<25088xf32, #tpu.memory_space<vmem>>[vector<16xi32>], vector<16xf32>, vector<16xi1>
      %mul3A_249 = arith.constant 8 : i32
      %mul3A_250 = arith.muli %scan3A_213, %mul3A_249 : i32
      %add3A_251 = arith.constant 1 : i32
      %add3A_252 = arith.addi %mul3A_250, %add3A_251 : i32
      %mul3A_253 = arith.constant 16 : i32
      %mul3A_254 = arith.muli %add3A_252, %mul3A_253 : i32
      %multiple_of3A_255 = tpu.assume_multiple %mul3A_254, 16 : i32
      %get3A_256 = arith.index_cast %multiple_of3A_255 : i32 to index
      %get3A_257 = tpu.vector_load %arg8[%get3A_256] {strides = array<i32>} : memref<4096xi32, #tpu.memory_space<vmem>>, vector<16xi32>,
      %get3A_258 = arith.index_cast %multiple_of3A_255 : i32 to index
      %get3A_259 = tpu.vector_load %arg10[%get3A_258] {strides = array<i32>} : memref<4096xf32, #tpu.memory_space<vmem>>, vector<16xf32>,
      %sub3A_260 = vector.broadcast %mul3A_2 : i32 to vector<16xi32>
      %sub3A_261 = arith.subi %get3A_257, %sub3A_260 : vector<16xi32>
      %ge3A_262 = arith.constant 0 : i32
      %ge3A_263 = vector.broadcast %ge3A_262 : i32 to vector<16xi32>
      %ge3A_264 = arith.cmpi sge, %sub3A_261, %ge3A_263 : vector<16xi32>
      %lt3A_265 = arith.constant 1568 : i32
      %lt3A_266 = vector.broadcast %lt3A_265 : i32 to vector<16xi32>
      %lt3A_267 = arith.cmpi slt, %sub3A_261, %lt3A_266 : vector<16xi32>
      %and3A_268 = arith.andi %ge3A_264, %lt3A_267 : vector<16xi1>
      %jit3A_269 = arith.constant 0 : i32
      %broadcast_in_dim3A_270 = vector.broadcast %jit3A_269 : i32 to vector<16xi32>
      %select_n3A_271 = arith.select %and3A_268, %sub3A_261, %broadcast_in_dim3A_270 : vector<16xi1>, vector<16xi32>
      %add3A_272 = vector.broadcast %add3A_252 : i32 to vector<16xi32>
      %add3A_273 = arith.addi %iota3A, %add3A_272 : vector<16xi32>
      %and3A_274 = arith.constant 15 : i32
      %and3A_275 = vector.broadcast %and3A_274 : i32 to vector<16xi32>
      %and3A_276 = arith.andi %add3A_273, %and3A_275 : vector<16xi32>
      %mul3A_277 = arith.constant 16 : i32
      %mul3A_278 = vector.broadcast %mul3A_277 : i32 to vector<16xi32>
      %mul3A_279 = arith.muli %select_n3A_271, %mul3A_278 : vector<16xi32>
      %add3A_280 = arith.addi %mul3A_279, %and3A_276 : vector<16xi32>
      %gather3A_281 = tpu.vector_load_idx %arg6[%add3A_280] : memref<25088xf32, #tpu.memory_space<vmem>>[vector<16xi32>], vector<16xf32>,
      %gather3A_282 = tpu.vector_load_idx %arg7[%add3A_280] : memref<25088xf32, #tpu.memory_space<vmem>>[vector<16xi32>], vector<16xf32>,
      %max3A_283 = arith.maximumf %gather3A_281, %get3A_259 : vector<16xf32>
      tpu.vector_store_idx %arg6[%add3A_280], %max3A_283 masked %and3A_268 : memref<25088xf32, #tpu.memory_space<vmem>>[vector<16xi32>], vector<16xf32>, vector<16xi1>
      %min3A_284 = arith.minimumf %gather3A_282, %get3A_259 : vector<16xf32>
      tpu.vector_store_idx %arg7[%add3A_280], %min3A_284 masked %and3A_268 : memref<25088xf32, #tpu.memory_space<vmem>>[vector<16xi32>], vector<16xf32>, vector<16xi1>
      %mul3A_285 = arith.constant 8 : i32
      %mul3A_286 = arith.muli %scan3A_213, %mul3A_285 : i32
      %add3A_287 = arith.constant 2 : i32
      %add3A_288 = arith.addi %mul3A_286, %add3A_287 : i32
      %mul3A_289 = arith.constant 16 : i32
      %mul3A_290 = arith.muli %add3A_288, %mul3A_289 : i32
      %multiple_of3A_291 = tpu.assume_multiple %mul3A_290, 16 : i32
      %get3A_292 = arith.index_cast %multiple_of3A_291 : i32 to index
      %get3A_293 = tpu.vector_load %arg8[%get3A_292] {strides = array<i32>} : memref<4096xi32, #tpu.memory_space<vmem>>, vector<16xi32>,
      %get3A_294 = arith.index_cast %multiple_of3A_291 : i32 to index
      %get3A_295 = tpu.vector_load %arg10[%get3A_294] {strides = array<i32>} : memref<4096xf32, #tpu.memory_space<vmem>>, vector<16xf32>,
      %sub3A_296 = vector.broadcast %mul3A_2 : i32 to vector<16xi32>
      %sub3A_297 = arith.subi %get3A_293, %sub3A_296 : vector<16xi32>
      %ge3A_298 = arith.constant 0 : i32
      %ge3A_299 = vector.broadcast %ge3A_298 : i32 to vector<16xi32>
      %ge3A_300 = arith.cmpi sge, %sub3A_297, %ge3A_299 : vector<16xi32>
      %lt3A_301 = arith.constant 1568 : i32
      %lt3A_302 = vector.broadcast %lt3A_301 : i32 to vector<16xi32>
      %lt3A_303 = arith.cmpi slt, %sub3A_297, %lt3A_302 : vector<16xi32>
      %and3A_304 = arith.andi %ge3A_300, %lt3A_303 : vector<16xi1>
      %jit3A_305 = arith.constant 0 : i32
      %broadcast_in_dim3A_306 = vector.broadcast %jit3A_305 : i32 to vector<16xi32>
      %select_n3A_307 = arith.select %and3A_304, %sub3A_297, %broadcast_in_dim3A_306 : vector<16xi1>, vector<16xi32>
      %add3A_308 = vector.broadcast %add3A_288 : i32 to vector<16xi32>
      %add3A_309 = arith.addi %iota3A, %add3A_308 : vector<16xi32>
      %and3A_310 = arith.constant 15 : i32
      %and3A_311 = vector.broadcast %and3A_310 : i32 to vector<16xi32>
      %and3A_312 = arith.andi %add3A_309, %and3A_311 : vector<16xi32>
      %mul3A_313 = arith.constant 16 : i32
      %mul3A_314 = vector.broadcast %mul3A_313 : i32 to vector<16xi32>
      %mul3A_315 = arith.muli %select_n3A_307, %mul3A_314 : vector<16xi32>
      %add3A_316 = arith.addi %mul3A_315, %and3A_312 : vector<16xi32>
      %gather3A_317 = tpu.vector_load_idx %arg6[%add3A_316] : memref<25088xf32, #tpu.memory_space<vmem>>[vector<16xi32>], vector<16xf32>,
      %gather3A_318 = tpu.vector_load_idx %arg7[%add3A_316] : memref<25088xf32, #tpu.memory_space<vmem>>[vector<16xi32>], vector<16xf32>,
      %max3A_319 = arith.maximumf %gather3A_317, %get3A_295 : vector<16xf32>
      tpu.vector_store_idx %arg6[%add3A_316], %max3A_319 masked %and3A_304 : memref<25088xf32, #tpu.memory_space<vmem>>[vector<16xi32>], vector<16xf32>, vector<16xi1>
      %min3A_320 = arith.minimumf %gather3A_318, %get3A_295 : vector<16xf32>
      tpu.vector_store_idx %arg7[%add3A_316], %min3A_320 masked %and3A_304 : memref<25088xf32, #tpu.memory_space<vmem>>[vector<16xi32>], vector<16xf32>, vector<16xi1>
      %mul3A_321 = arith.constant 8 : i32
      %mul3A_322 = arith.muli %scan3A_213, %mul3A_321 : i32
      %add3A_323 = arith.constant 3 : i32
      %add3A_324 = arith.addi %mul3A_322, %add3A_323 : i32
      %mul3A_325 = arith.constant 16 : i32
      %mul3A_326 = arith.muli %add3A_324, %mul3A_325 : i32
      %multiple_of3A_327 = tpu.assume_multiple %mul3A_326, 16 : i32
      %get3A_328 = arith.index_cast %multiple_of3A_327 : i32 to index
      %get3A_329 = tpu.vector_load %arg8[%get3A_328] {strides = array<i32>} : memref<4096xi32, #tpu.memory_space<vmem>>, vector<16xi32>,
      %get3A_330 = arith.index_cast %multiple_of3A_327 : i32 to index
      %get3A_331 = tpu.vector_load %arg10[%get3A_330] {strides = array<i32>} : memref<4096xf32, #tpu.memory_space<vmem>>, vector<16xf32>,
      %sub3A_332 = vector.broadcast %mul3A_2 : i32 to vector<16xi32>
      %sub3A_333 = arith.subi %get3A_329, %sub3A_332 : vector<16xi32>
      %ge3A_334 = arith.constant 0 : i32
      %ge3A_335 = vector.broadcast %ge3A_334 : i32 to vector<16xi32>
      %ge3A_336 = arith.cmpi sge, %sub3A_333, %ge3A_335 : vector<16xi32>
      %lt3A_337 = arith.constant 1568 : i32
      %lt3A_338 = vector.broadcast %lt3A_337 : i32 to vector<16xi32>
      %lt3A_339 = arith.cmpi slt, %sub3A_333, %lt3A_338 : vector<16xi32>
      %and3A_340 = arith.andi %ge3A_336, %lt3A_339 : vector<16xi1>
      %jit3A_341 = arith.constant 0 : i32
      %broadcast_in_dim3A_342 = vector.broadcast %jit3A_341 : i32 to vector<16xi32>
      %select_n3A_343 = arith.select %and3A_340, %sub3A_333, %broadcast_in_dim3A_342 : vector<16xi1>, vector<16xi32>
      %add3A_344 = vector.broadcast %add3A_324 : i32 to vector<16xi32>
      %add3A_345 = arith.addi %iota3A, %add3A_344 : vector<16xi32>
      %and3A_346 = arith.constant 15 : i32
      %and3A_347 = vector.broadcast %and3A_346 : i32 to vector<16xi32>
      %and3A_348 = arith.andi %add3A_345, %and3A_347 : vector<16xi32>
      %mul3A_349 = arith.constant 16 : i32
      %mul3A_350 = vector.broadcast %mul3A_349 : i32 to vector<16xi32>
      %mul3A_351 = arith.muli %select_n3A_343, %mul3A_350 : vector<16xi32>
      %add3A_352 = arith.addi %mul3A_351, %and3A_348 : vector<16xi32>
      %gather3A_353 = tpu.vector_load_idx %arg6[%add3A_352] : memref<25088xf32, #tpu.memory_space<vmem>>[vector<16xi32>], vector<16xf32>,
      %gather3A_354 = tpu.vector_load_idx %arg7[%add3A_352] : memref<25088xf32, #tpu.memory_space<vmem>>[vector<16xi32>], vector<16xf32>,
      %max3A_355 = arith.maximumf %gather3A_353, %get3A_331 : vector<16xf32>
      tpu.vector_store_idx %arg6[%add3A_352], %max3A_355 masked %and3A_340 : memref<25088xf32, #tpu.memory_space<vmem>>[vector<16xi32>], vector<16xf32>, vector<16xi1>
      %min3A_356 = arith.minimumf %gather3A_354, %get3A_331 : vector<16xf32>
      tpu.vector_store_idx %arg7[%add3A_352], %min3A_356 masked %and3A_340 : memref<25088xf32, #tpu.memory_space<vmem>>[vector<16xi32>], vector<16xf32>, vector<16xi1>
      %mul3A_357 = arith.constant 8 : i32
      %mul3A_358 = arith.muli %scan3A_213, %mul3A_357 : i32
      %add3A_359 = arith.constant 4 : i32
      %add3A_360 = arith.addi %mul3A_358, %add3A_359 : i32
      %mul3A_361 = arith.constant 16 : i32
      %mul3A_362 = arith.muli %add3A_360, %mul3A_361 : i32
      %multiple_of3A_363 = tpu.assume_multiple %mul3A_362, 16 : i32
      %get3A_364 = arith.index_cast %multiple_of3A_363 : i32 to index
      %get3A_365 = tpu.vector_load %arg8[%get3A_364] {strides = array<i32>} : memref<4096xi32, #tpu.memory_space<vmem>>, vector<16xi32>,
      %get3A_366 = arith.index_cast %multiple_of3A_363 : i32 to index
      %get3A_367 = tpu.vector_load %arg10[%get3A_366] {strides = array<i32>} : memref<4096xf32, #tpu.memory_space<vmem>>, vector<16xf32>,
      %sub3A_368 = vector.broadcast %mul3A_2 : i32 to vector<16xi32>
      %sub3A_369 = arith.subi %get3A_365, %sub3A_368 : vector<16xi32>
      %ge3A_370 = arith.constant 0 : i32
      %ge3A_371 = vector.broadcast %ge3A_370 : i32 to vector<16xi32>
      %ge3A_372 = arith.cmpi sge, %sub3A_369, %ge3A_371 : vector<16xi32>
      %lt3A_373 = arith.constant 1568 : i32
      %lt3A_374 = vector.broadcast %lt3A_373 : i32 to vector<16xi32>
      %lt3A_375 = arith.cmpi slt, %sub3A_369, %lt3A_374 : vector<16xi32>
      %and3A_376 = arith.andi %ge3A_372, %lt3A_375 : vector<16xi1>
      %jit3A_377 = arith.constant 0 : i32
      %broadcast_in_dim3A_378 = vector.broadcast %jit3A_377 : i32 to vector<16xi32>
      %select_n3A_379 = arith.select %and3A_376, %sub3A_369, %broadcast_in_dim3A_378 : vector<16xi1>, vector<16xi32>
      %add3A_380 = vector.broadcast %add3A_360 : i32 to vector<16xi32>
      %add3A_381 = arith.addi %iota3A, %add3A_380 : vector<16xi32>
      %and3A_382 = arith.constant 15 : i32
      %and3A_383 = vector.broadcast %and3A_382 : i32 to vector<16xi32>
      %and3A_384 = arith.andi %add3A_381, %and3A_383 : vector<16xi32>
      %mul3A_385 = arith.constant 16 : i32
      %mul3A_386 = vector.broadcast %mul3A_385 : i32 to vector<16xi32>
      %mul3A_387 = arith.muli %select_n3A_379, %mul3A_386 : vector<16xi32>
      %add3A_388 = arith.addi %mul3A_387, %and3A_384 : vector<16xi32>
      %gather3A_389 = tpu.vector_load_idx %arg6[%add3A_388] : memref<25088xf32, #tpu.memory_space<vmem>>[vector<16xi32>], vector<16xf32>,
      %gather3A_390 = tpu.vector_load_idx %arg7[%add3A_388] : memref<25088xf32, #tpu.memory_space<vmem>>[vector<16xi32>], vector<16xf32>,
      %max3A_391 = arith.maximumf %gather3A_389, %get3A_367 : vector<16xf32>
      tpu.vector_store_idx %arg6[%add3A_388], %max3A_391 masked %and3A_376 : memref<25088xf32, #tpu.memory_space<vmem>>[vector<16xi32>], vector<16xf32>, vector<16xi1>
      %min3A_392 = arith.minimumf %gather3A_390, %get3A_367 : vector<16xf32>
      tpu.vector_store_idx %arg7[%add3A_388], %min3A_392 masked %and3A_376 : memref<25088xf32, #tpu.memory_space<vmem>>[vector<16xi32>], vector<16xf32>, vector<16xi1>
      %mul3A_393 = arith.constant 8 : i32
      %mul3A_394 = arith.muli %scan3A_213, %mul3A_393 : i32
      %add3A_395 = arith.constant 5 : i32
      %add3A_396 = arith.addi %mul3A_394, %add3A_395 : i32
      %mul3A_397 = arith.constant 16 : i32
      %mul3A_398 = arith.muli %add3A_396, %mul3A_397 : i32
      %multiple_of3A_399 = tpu.assume_multiple %mul3A_398, 16 : i32
      %get3A_400 = arith.index_cast %multiple_of3A_399 : i32 to index
      %get3A_401 = tpu.vector_load %arg8[%get3A_400] {strides = array<i32>} : memref<4096xi32, #tpu.memory_space<vmem>>, vector<16xi32>,
      %get3A_402 = arith.index_cast %multiple_of3A_399 : i32 to index
      %get3A_403 = tpu.vector_load %arg10[%get3A_402] {strides = array<i32>} : memref<4096xf32, #tpu.memory_space<vmem>>, vector<16xf32>,
      %sub3A_404 = vector.broadcast %mul3A_2 : i32 to vector<16xi32>
      %sub3A_405 = arith.subi %get3A_401, %sub3A_404 : vector<16xi32>
      %ge3A_406 = arith.constant 0 : i32
      %ge3A_407 = vector.broadcast %ge3A_406 : i32 to vector<16xi32>
      %ge3A_408 = arith.cmpi sge, %sub3A_405, %ge3A_407 : vector<16xi32>
      %lt3A_409 = arith.constant 1568 : i32
      %lt3A_410 = vector.broadcast %lt3A_409 : i32 to vector<16xi32>
      %lt3A_411 = arith.cmpi slt, %sub3A_405, %lt3A_410 : vector<16xi32>
      %and3A_412 = arith.andi %ge3A_408, %lt3A_411 : vector<16xi1>
      %jit3A_413 = arith.constant 0 : i32
      %broadcast_in_dim3A_414 = vector.broadcast %jit3A_413 : i32 to vector<16xi32>
      %select_n3A_415 = arith.select %and3A_412, %sub3A_405, %broadcast_in_dim3A_414 : vector<16xi1>, vector<16xi32>
      %add3A_416 = vector.broadcast %add3A_396 : i32 to vector<16xi32>
      %add3A_417 = arith.addi %iota3A, %add3A_416 : vector<16xi32>
      %and3A_418 = arith.constant 15 : i32
      %and3A_419 = vector.broadcast %and3A_418 : i32 to vector<16xi32>
      %and3A_420 = arith.andi %add3A_417, %and3A_419 : vector<16xi32>
      %mul3A_421 = arith.constant 16 : i32
      %mul3A_422 = vector.broadcast %mul3A_421 : i32 to vector<16xi32>
      %mul3A_423 = arith.muli %select_n3A_415, %mul3A_422 : vector<16xi32>
      %add3A_424 = arith.addi %mul3A_423, %and3A_420 : vector<16xi32>
      %gather3A_425 = tpu.vector_load_idx %arg6[%add3A_424] : memref<25088xf32, #tpu.memory_space<vmem>>[vector<16xi32>], vector<16xf32>,
      %gather3A_426 = tpu.vector_load_idx %arg7[%add3A_424] : memref<25088xf32, #tpu.memory_space<vmem>>[vector<16xi32>], vector<16xf32>,
      %max3A_427 = arith.maximumf %gather3A_425, %get3A_403 : vector<16xf32>
      tpu.vector_store_idx %arg6[%add3A_424], %max3A_427 masked %and3A_412 : memref<25088xf32, #tpu.memory_space<vmem>>[vector<16xi32>], vector<16xf32>, vector<16xi1>
      %min3A_428 = arith.minimumf %gather3A_426, %get3A_403 : vector<16xf32>
      tpu.vector_store_idx %arg7[%add3A_424], %min3A_428 masked %and3A_412 : memref<25088xf32, #tpu.memory_space<vmem>>[vector<16xi32>], vector<16xf32>, vector<16xi1>
      %mul3A_429 = arith.constant 8 : i32
      %mul3A_430 = arith.muli %scan3A_213, %mul3A_429 : i32
      %add3A_431 = arith.constant 6 : i32
      %add3A_432 = arith.addi %mul3A_430, %add3A_431 : i32
      %mul3A_433 = arith.constant 16 : i32
      %mul3A_434 = arith.muli %add3A_432, %mul3A_433 : i32
      %multiple_of3A_435 = tpu.assume_multiple %mul3A_434, 16 : i32
      %get3A_436 = arith.index_cast %multiple_of3A_435 : i32 to index
      %get3A_437 = tpu.vector_load %arg8[%get3A_436] {strides = array<i32>} : memref<4096xi32, #tpu.memory_space<vmem>>, vector<16xi32>,
      %get3A_438 = arith.index_cast %multiple_of3A_435 : i32 to index
      %get3A_439 = tpu.vector_load %arg10[%get3A_438] {strides = array<i32>} : memref<4096xf32, #tpu.memory_space<vmem>>, vector<16xf32>,
      %sub3A_440 = vector.broadcast %mul3A_2 : i32 to vector<16xi32>
      %sub3A_441 = arith.subi %get3A_437, %sub3A_440 : vector<16xi32>
      %ge3A_442 = arith.constant 0 : i32
      %ge3A_443 = vector.broadcast %ge3A_442 : i32 to vector<16xi32>
      %ge3A_444 = arith.cmpi sge, %sub3A_441, %ge3A_443 : vector<16xi32>
      %lt3A_445 = arith.constant 1568 : i32
      %lt3A_446 = vector.broadcast %lt3A_445 : i32 to vector<16xi32>
      %lt3A_447 = arith.cmpi slt, %sub3A_441, %lt3A_446 : vector<16xi32>
      %and3A_448 = arith.andi %ge3A_444, %lt3A_447 : vector<16xi1>
      %jit3A_449 = arith.constant 0 : i32
      %broadcast_in_dim3A_450 = vector.broadcast %jit3A_449 : i32 to vector<16xi32>
      %select_n3A_451 = arith.select %and3A_448, %sub3A_441, %broadcast_in_dim3A_450 : vector<16xi1>, vector<16xi32>
      %add3A_452 = vector.broadcast %add3A_432 : i32 to vector<16xi32>
      %add3A_453 = arith.addi %iota3A, %add3A_452 : vector<16xi32>
      %and3A_454 = arith.constant 15 : i32
      %and3A_455 = vector.broadcast %and3A_454 : i32 to vector<16xi32>
      %and3A_456 = arith.andi %add3A_453, %and3A_455 : vector<16xi32>
      %mul3A_457 = arith.constant 16 : i32
      %mul3A_458 = vector.broadcast %mul3A_457 : i32 to vector<16xi32>
      %mul3A_459 = arith.muli %select_n3A_451, %mul3A_458 : vector<16xi32>
      %add3A_460 = arith.addi %mul3A_459, %and3A_456 : vector<16xi32>
      %gather3A_461 = tpu.vector_load_idx %arg6[%add3A_460] : memref<25088xf32, #tpu.memory_space<vmem>>[vector<16xi32>], vector<16xf32>,
      %gather3A_462 = tpu.vector_load_idx %arg7[%add3A_460] : memref<25088xf32, #tpu.memory_space<vmem>>[vector<16xi32>], vector<16xf32>,
      %max3A_463 = arith.maximumf %gather3A_461, %get3A_439 : vector<16xf32>
      tpu.vector_store_idx %arg6[%add3A_460], %max3A_463 masked %and3A_448 : memref<25088xf32, #tpu.memory_space<vmem>>[vector<16xi32>], vector<16xf32>, vector<16xi1>
      %min3A_464 = arith.minimumf %gather3A_462, %get3A_439 : vector<16xf32>
      tpu.vector_store_idx %arg7[%add3A_460], %min3A_464 masked %and3A_448 : memref<25088xf32, #tpu.memory_space<vmem>>[vector<16xi32>], vector<16xf32>, vector<16xi1>
      %mul3A_465 = arith.constant 8 : i32
      %mul3A_466 = arith.muli %scan3A_213, %mul3A_465 : i32
      %add3A_467 = arith.constant 7 : i32
      %add3A_468 = arith.addi %mul3A_466, %add3A_467 : i32
      %mul3A_469 = arith.constant 16 : i32
      %mul3A_470 = arith.muli %add3A_468, %mul3A_469 : i32
      %multiple_of3A_471 = tpu.assume_multiple %mul3A_470, 16 : i32
      %get3A_472 = arith.index_cast %multiple_of3A_471 : i32 to index
      %get3A_473 = tpu.vector_load %arg8[%get3A_472] {strides = array<i32>} : memref<4096xi32, #tpu.memory_space<vmem>>, vector<16xi32>,
      %get3A_474 = arith.index_cast %multiple_of3A_471 : i32 to index
      %get3A_475 = tpu.vector_load %arg10[%get3A_474] {strides = array<i32>} : memref<4096xf32, #tpu.memory_space<vmem>>, vector<16xf32>,
      %sub3A_476 = vector.broadcast %mul3A_2 : i32 to vector<16xi32>
      %sub3A_477 = arith.subi %get3A_473, %sub3A_476 : vector<16xi32>
      %ge3A_478 = arith.constant 0 : i32
      %ge3A_479 = vector.broadcast %ge3A_478 : i32 to vector<16xi32>
      %ge3A_480 = arith.cmpi sge, %sub3A_477, %ge3A_479 : vector<16xi32>
      %lt3A_481 = arith.constant 1568 : i32
      %lt3A_482 = vector.broadcast %lt3A_481 : i32 to vector<16xi32>
      %lt3A_483 = arith.cmpi slt, %sub3A_477, %lt3A_482 : vector<16xi32>
      %and3A_484 = arith.andi %ge3A_480, %lt3A_483 : vector<16xi1>
      %jit3A_485 = arith.constant 0 : i32
      %broadcast_in_dim3A_486 = vector.broadcast %jit3A_485 : i32 to vector<16xi32>
      %select_n3A_487 = arith.select %and3A_484, %sub3A_477, %broadcast_in_dim3A_486 : vector<16xi1>, vector<16xi32>
      %add3A_488 = vector.broadcast %add3A_468 : i32 to vector<16xi32>
      %add3A_489 = arith.addi %iota3A, %add3A_488 : vector<16xi32>
      %and3A_490 = arith.constant 15 : i32
      %and3A_491 = vector.broadcast %and3A_490 : i32 to vector<16xi32>
      %and3A_492 = arith.andi %add3A_489, %and3A_491 : vector<16xi32>
      %mul3A_493 = arith.constant 16 : i32
      %mul3A_494 = vector.broadcast %mul3A_493 : i32 to vector<16xi32>
      %mul3A_495 = arith.muli %select_n3A_487, %mul3A_494 : vector<16xi32>
      %add3A_496 = arith.addi %mul3A_495, %and3A_492 : vector<16xi32>
      %gather3A_497 = tpu.vector_load_idx %arg6[%add3A_496] : memref<25088xf32, #tpu.memory_space<vmem>>[vector<16xi32>], vector<16xf32>,
      %gather3A_498 = tpu.vector_load_idx %arg7[%add3A_496] : memref<25088xf32, #tpu.memory_space<vmem>>[vector<16xi32>], vector<16xf32>,
      %max3A_499 = arith.maximumf %gather3A_497, %get3A_475 : vector<16xf32>
      tpu.vector_store_idx %arg6[%add3A_496], %max3A_499 masked %and3A_484 : memref<25088xf32, #tpu.memory_space<vmem>>[vector<16xi32>], vector<16xf32>, vector<16xi1>
      %min3A_500 = arith.minimumf %gather3A_498, %get3A_475 : vector<16xf32>
      tpu.vector_store_idx %arg7[%add3A_496], %min3A_500 masked %and3A_484 : memref<25088xf32, #tpu.memory_space<vmem>>[vector<16xi32>], vector<16xf32>, vector<16xi1>
    }
    %scan3A_201 = arith.constant 8 : i32
    %dma_wait3A_202 = tpu.memref_slice %arg4[%multiple_of3A] : memref<50176xf32, #tpu.memory_space<hbm>> -> memref<1568xf32, #tpu.memory_space<hbm>>
    %dma_wait3A_203 = tpu.memref_slice %arg4[%multiple_of3A] : memref<50176xf32, #tpu.memory_space<hbm>> -> memref<1568xf32, #tpu.memory_space<hbm>>
    tpu.wait_dma2 semaphore(%arg18 : memref<!tpu.dma_semaphore, #tpu.memory_space<semaphore_mem>>) src(%dma_wait3A_203 : memref<1568xf32, #tpu.memory_space<hbm>>) dst(%arg12 : memref<1568xf32, #tpu.memory_space<vmem>>)
    %scan3A_204 = arith.constant 0 : i32
    %scan3A_205 = arith.constant 0.000000e+00 : f32
    %scan3A_206 = arith.constant 1.000000e+00 : f32
    %scan3A_207 = arith.constant 0 : i32
    %scan3A_208 = arith.constant 98 : i32
    %scan3A_209 = arith.addi %scan3A_207, %scan3A_208 : i32
    %scan3A_210 = arith.constant 1 : i32
    scf.for %scan3A_213 = %scan3A_207 to %scan3A_209 step %scan3A_210  : i32 {
      %mul3A_214 = arith.constant 16 : i32
      %mul3A_215 = arith.muli %scan3A_213, %mul3A_214 : i32
      %add3A_216 = vector.broadcast %mul3A_215 : i32 to vector<16xi32>
      %add3A_217 = arith.addi %add3A_216, %iota3A : vector<16xi32>
      %mul3A_218 = arith.constant 16 : i32
      %mul3A_219 = vector.broadcast %mul3A_218 : i32 to vector<16xi32>
      %mul3A_220 = arith.muli %add3A_217, %mul3A_219 : vector<16xi32>
      %add3A_221 = arith.constant 0 : i32
      %add3A_222 = vector.broadcast %add3A_221 : i32 to vector<16xi32>
      %add3A_223 = arith.addi %iota3A, %add3A_222 : vector<16xi32>
      %and3A_224 = arith.constant 15 : i32
      %and3A_225 = vector.broadcast %and3A_224 : i32 to vector<16xi32>
      %and3A_226 = arith.andi %add3A_223, %and3A_225 : vector<16xi32>
      %add3A_227 = arith.addi %mul3A_220, %and3A_226 : vector<16xi32>
      %gather3A = tpu.vector_load_idx %arg6[%add3A_227] : memref<25088xf32, #tpu.memory_space<vmem>>[vector<16xi32>], vector<16xf32>,
      %gather3A_228 = tpu.vector_load_idx %arg7[%add3A_227] : memref<25088xf32, #tpu.memory_space<vmem>>[vector<16xi32>], vector<16xf32>,
      %add3A_229 = arith.constant 1 : i32
      %add3A_230 = vector.broadcast %add3A_229 : i32 to vector<16xi32>
      %add3A_231 = arith.addi %iota3A, %add3A_230 : vector<16xi32>
      %and3A_232 = arith.constant 15 : i32
      %and3A_233 = vector.broadcast %and3A_232 : i32 to vector<16xi32>
      %and3A_234 = arith.andi %add3A_231, %and3A_233 : vector<16xi32>
      %add3A_235 = arith.addi %mul3A_220, %and3A_234 : vector<16xi32>
      %gather3A_236 = tpu.vector_load_idx %arg6[%add3A_235] : memref<25088xf32, #tpu.memory_space<vmem>>[vector<16xi32>], vector<16xf32>,
      %gather3A_237 = tpu.vector_load_idx %arg7[%add3A_235] : memref<25088xf32, #tpu.memory_space<vmem>>[vector<16xi32>], vector<16xf32>,
      %max3A_238 = arith.maximumf %gather3A, %gather3A_236 : vector<16xf32>
      %min3A_239 = arith.minimumf %gather3A_228, %gather3A_237 : vector<16xf32>
      %add3A_240 = arith.constant 2 : i32
      %add3A_241 = vector.broadcast %add3A_240 : i32 to vector<16xi32>
      %add3A_242 = arith.addi %iota3A, %add3A_241 : vector<16xi32>
      %and3A_243 = arith.constant 15 : i32
      %and3A_244 = vector.broadcast %and3A_243 : i32 to vector<16xi32>
      %and3A_245 = arith.andi %add3A_242, %and3A_244 : vector<16xi32>
      %add3A_246 = arith.addi %mul3A_220, %and3A_245 : vector<16xi32>
      %gather3A_247 = tpu.vector_load_idx %arg6[%add3A_246] : memref<25088xf32, #tpu.memory_space<vmem>>[vector<16xi32>], vector<16xf32>,
      %gather3A_248 = tpu.vector_load_idx %arg7[%add3A_246] : memref<25088xf32, #tpu.memory_space<vmem>>[vector<16xi32>], vector<16xf32>,
      %max3A_249 = arith.maximumf %max3A_238, %gather3A_247 : vector<16xf32>
      %min3A_250 = arith.minimumf %min3A_239, %gather3A_248 : vector<16xf32>
      %add3A_251 = arith.constant 3 : i32
      %add3A_252 = vector.broadcast %add3A_251 : i32 to vector<16xi32>
      %add3A_253 = arith.addi %iota3A, %add3A_252 : vector<16xi32>
      %and3A_254 = arith.constant 15 : i32
      %and3A_255 = vector.broadcast %and3A_254 : i32 to vector<16xi32>
      %and3A_256 = arith.andi %add3A_253, %and3A_255 : vector<16xi32>
      %add3A_257 = arith.addi %mul3A_220, %and3A_256 : vector<16xi32>
      %gather3A_258 = tpu.vector_load_idx %arg6[%add3A_257] : memref<25088xf32, #tpu.memory_space<vmem>>[vector<16xi32>], vector<16xf32>,
      %gather3A_259 = tpu.vector_load_idx %arg7[%add3A_257] : memref<25088xf32, #tpu.memory_space<vmem>>[vector<16xi32>], vector<16xf32>,
      %max3A_260 = arith.maximumf %max3A_249, %gather3A_258 : vector<16xf32>
      %min3A_261 = arith.minimumf %min3A_250, %gather3A_259 : vector<16xf32>
      %add3A_262 = arith.constant 4 : i32
      %add3A_263 = vector.broadcast %add3A_262 : i32 to vector<16xi32>
      %add3A_264 = arith.addi %iota3A, %add3A_263 : vector<16xi32>
      %and3A_265 = arith.constant 15 : i32
      %and3A_266 = vector.broadcast %and3A_265 : i32 to vector<16xi32>
      %and3A_267 = arith.andi %add3A_264, %and3A_266 : vector<16xi32>
      %add3A_268 = arith.addi %mul3A_220, %and3A_267 : vector<16xi32>
      %gather3A_269 = tpu.vector_load_idx %arg6[%add3A_268] : memref<25088xf32, #tpu.memory_space<vmem>>[vector<16xi32>], vector<16xf32>,
      %gather3A_270 = tpu.vector_load_idx %arg7[%add3A_268] : memref<25088xf32, #tpu.memory_space<vmem>>[vector<16xi32>], vector<16xf32>,
      %max3A_271 = arith.maximumf %max3A_260, %gather3A_269 : vector<16xf32>
      %min3A_272 = arith.minimumf %min3A_261, %gather3A_270 : vector<16xf32>
      %add3A_273 = arith.constant 5 : i32
      %add3A_274 = vector.broadcast %add3A_273 : i32 to vector<16xi32>
      %add3A_275 = arith.addi %iota3A, %add3A_274 : vector<16xi32>
      %and3A_276 = arith.constant 15 : i32
      %and3A_277 = vector.broadcast %and3A_276 : i32 to vector<16xi32>
      %and3A_278 = arith.andi %add3A_275, %and3A_277 : vector<16xi32>
      %add3A_279 = arith.addi %mul3A_220, %and3A_278 : vector<16xi32>
      %gather3A_280 = tpu.vector_load_idx %arg6[%add3A_279] : memref<25088xf32, #tpu.memory_space<vmem>>[vector<16xi32>], vector<16xf32>,
      %gather3A_281 = tpu.vector_load_idx %arg7[%add3A_279] : memref<25088xf32, #tpu.memory_space<vmem>>[vector<16xi32>], vector<16xf32>,
      %max3A_282 = arith.maximumf %max3A_271, %gather3A_280 : vector<16xf32>
      %min3A_283 = arith.minimumf %min3A_272, %gather3A_281 : vector<16xf32>
      %add3A_284 = arith.constant 6 : i32
      %add3A_285 = vector.broadcast %add3A_284 : i32 to vector<16xi32>
      %add3A_286 = arith.addi %iota3A, %add3A_285 : vector<16xi32>
      %and3A_287 = arith.constant 15 : i32
      %and3A_288 = vector.broadcast %and3A_287 : i32 to vector<16xi32>
      %and3A_289 = arith.andi %add3A_286, %and3A_288 : vector<16xi32>
      %add3A_290 = arith.addi %mul3A_220, %and3A_289 : vector<16xi32>
      %gather3A_291 = tpu.vector_load_idx %arg6[%add3A_290] : memref<25088xf32, #tpu.memory_space<vmem>>[vector<16xi32>], vector<16xf32>,
      %gather3A_292 = tpu.vector_load_idx %arg7[%add3A_290] : memref<25088xf32, #tpu.memory_space<vmem>>[vector<16xi32>], vector<16xf32>,
      %max3A_293 = arith.maximumf %max3A_282, %gather3A_291 : vector<16xf32>
      %min3A_294 = arith.minimumf %min3A_283, %gather3A_292 : vector<16xf32>
      %add3A_295 = arith.constant 7 : i32
      %add3A_296 = vector.broadcast %add3A_295 : i32 to vector<16xi32>
      %add3A_297 = arith.addi %iota3A, %add3A_296 : vector<16xi32>
      %and3A_298 = arith.constant 15 : i32
      %and3A_299 = vector.broadcast %and3A_298 : i32 to vector<16xi32>
      %and3A_300 = arith.andi %add3A_297, %and3A_299 : vector<16xi32>
      %add3A_301 = arith.addi %mul3A_220, %and3A_300 : vector<16xi32>
      %gather3A_302 = tpu.vector_load_idx %arg6[%add3A_301] : memref<25088xf32, #tpu.memory_space<vmem>>[vector<16xi32>], vector<16xf32>,
      %gather3A_303 = tpu.vector_load_idx %arg7[%add3A_301] : memref<25088xf32, #tpu.memory_space<vmem>>[vector<16xi32>], vector<16xf32>,
      %max3A_304 = arith.maximumf %max3A_293, %gather3A_302 : vector<16xf32>
      %min3A_305 = arith.minimumf %min3A_294, %gather3A_303 : vector<16xf32>
      %add3A_306 = arith.constant 8 : i32
      %add3A_307 = vector.broadcast %add3A_306 : i32 to vector<16xi32>
      %add3A_308 = arith.addi %iota3A, %add3A_307 : vector<16xi32>
      %and3A_309 = arith.constant 15 : i32
      %and3A_310 = vector.broadcast %and3A_309 : i32 to vector<16xi32>
      %and3A_311 = arith.andi %add3A_308, %and3A_310 : vector<16xi32>
      %add3A_312 = arith.addi %mul3A_220, %and3A_311 : vector<16xi32>
      %gather3A_313 = tpu.vector_load_idx %arg6[%add3A_312] : memref<25088xf32, #tpu.memory_space<vmem>>[vector<16xi32>], vector<16xf32>,
      %gather3A_314 = tpu.vector_load_idx %arg7[%add3A_312] : memref<25088xf32, #tpu.memory_space<vmem>>[vector<16xi32>], vector<16xf32>,
      %max3A_315 = arith.maximumf %max3A_304, %gather3A_313 : vector<16xf32>
      %min3A_316 = arith.minimumf %min3A_305, %gather3A_314 : vector<16xf32>
      %add3A_317 = arith.constant 9 : i32
      %add3A_318 = vector.broadcast %add3A_317 : i32 to vector<16xi32>
      %add3A_319 = arith.addi %iota3A, %add3A_318 : vector<16xi32>
      %and3A_320 = arith.constant 15 : i32
      %and3A_321 = vector.broadcast %and3A_320 : i32 to vector<16xi32>
      %and3A_322 = arith.andi %add3A_319, %and3A_321 : vector<16xi32>
      %add3A_323 = arith.addi %mul3A_220, %and3A_322 : vector<16xi32>
      %gather3A_324 = tpu.vector_load_idx %arg6[%add3A_323] : memref<25088xf32, #tpu.memory_space<vmem>>[vector<16xi32>], vector<16xf32>,
      %gather3A_325 = tpu.vector_load_idx %arg7[%add3A_323] : memref<25088xf32, #tpu.memory_space<vmem>>[vector<16xi32>], vector<16xf32>,
      %max3A_326 = arith.maximumf %max3A_315, %gather3A_324 : vector<16xf32>
      %min3A_327 = arith.minimumf %min3A_316, %gather3A_325 : vector<16xf32>
      %add3A_328 = arith.constant 10 : i32
      %add3A_329 = vector.broadcast %add3A_328 : i32 to vector<16xi32>
      %add3A_330 = arith.addi %iota3A, %add3A_329 : vector<16xi32>
      %and3A_331 = arith.constant 15 : i32
      %and3A_332 = vector.broadcast %and3A_331 : i32 to vector<16xi32>
      %and3A_333 = arith.andi %add3A_330, %and3A_332 : vector<16xi32>
      %add3A_334 = arith.addi %mul3A_220, %and3A_333 : vector<16xi32>
      %gather3A_335 = tpu.vector_load_idx %arg6[%add3A_334] : memref<25088xf32, #tpu.memory_space<vmem>>[vector<16xi32>], vector<16xf32>,
      %gather3A_336 = tpu.vector_load_idx %arg7[%add3A_334] : memref<25088xf32, #tpu.memory_space<vmem>>[vector<16xi32>], vector<16xf32>,
      %max3A_337 = arith.maximumf %max3A_326, %gather3A_335 : vector<16xf32>
      %min3A_338 = arith.minimumf %min3A_327, %gather3A_336 : vector<16xf32>
      %add3A_339 = arith.constant 11 : i32
      %add3A_340 = vector.broadcast %add3A_339 : i32 to vector<16xi32>
      %add3A_341 = arith.addi %iota3A, %add3A_340 : vector<16xi32>
      %and3A_342 = arith.constant 15 : i32
      %and3A_343 = vector.broadcast %and3A_342 : i32 to vector<16xi32>
      %and3A_344 = arith.andi %add3A_341, %and3A_343 : vector<16xi32>
      %add3A_345 = arith.addi %mul3A_220, %and3A_344 : vector<16xi32>
      %gather3A_346 = tpu.vector_load_idx %arg6[%add3A_345] : memref<25088xf32, #tpu.memory_space<vmem>>[vector<16xi32>], vector<16xf32>,
      %gather3A_347 = tpu.vector_load_idx %arg7[%add3A_345] : memref<25088xf32, #tpu.memory_space<vmem>>[vector<16xi32>], vector<16xf32>,
      %max3A_348 = arith.maximumf %max3A_337, %gather3A_346 : vector<16xf32>
      %min3A_349 = arith.minimumf %min3A_338, %gather3A_347 : vector<16xf32>
      %add3A_350 = arith.constant 12 : i32
      %add3A_351 = vector.broadcast %add3A_350 : i32 to vector<16xi32>
      %add3A_352 = arith.addi %iota3A, %add3A_351 : vector<16xi32>
      %and3A_353 = arith.constant 15 : i32
      %and3A_354 = vector.broadcast %and3A_353 : i32 to vector<16xi32>
      %and3A_355 = arith.andi %add3A_352, %and3A_354 : vector<16xi32>
      %add3A_356 = arith.addi %mul3A_220, %and3A_355 : vector<16xi32>
      %gather3A_357 = tpu.vector_load_idx %arg6[%add3A_356] : memref<25088xf32, #tpu.memory_space<vmem>>[vector<16xi32>], vector<16xf32>,
      %gather3A_358 = tpu.vector_load_idx %arg7[%add3A_356] : memref<25088xf32, #tpu.memory_space<vmem>>[vector<16xi32>], vector<16xf32>,
      %max3A_359 = arith.maximumf %max3A_348, %gather3A_357 : vector<16xf32>
      %min3A_360 = arith.minimumf %min3A_349, %gather3A_358 : vector<16xf32>
      %add3A_361 = arith.constant 13 : i32
      %add3A_362 = vector.broadcast %add3A_361 : i32 to vector<16xi32>
      %add3A_363 = arith.addi %iota3A, %add3A_362 : vector<16xi32>
      %and3A_364 = arith.constant 15 : i32
      %and3A_365 = vector.broadcast %and3A_364 : i32 to vector<16xi32>
      %and3A_366 = arith.andi %add3A_363, %and3A_365 : vector<16xi32>
      %add3A_367 = arith.addi %mul3A_220, %and3A_366 : vector<16xi32>
      %gather3A_368 = tpu.vector_load_idx %arg6[%add3A_367] : memref<25088xf32, #tpu.memory_space<vmem>>[vector<16xi32>], vector<16xf32>,
      %gather3A_369 = tpu.vector_load_idx %arg7[%add3A_367] : memref<25088xf32, #tpu.memory_space<vmem>>[vector<16xi32>], vector<16xf32>,
      %max3A_370 = arith.maximumf %max3A_359, %gather3A_368 : vector<16xf32>
      %min3A_371 = arith.minimumf %min3A_360, %gather3A_369 : vector<16xf32>
      %add3A_372 = arith.constant 14 : i32
      %add3A_373 = vector.broadcast %add3A_372 : i32 to vector<16xi32>
      %add3A_374 = arith.addi %iota3A, %add3A_373 : vector<16xi32>
      %and3A_375 = arith.constant 15 : i32
      %and3A_376 = vector.broadcast %and3A_375 : i32 to vector<16xi32>
      %and3A_377 = arith.andi %add3A_374, %and3A_376 : vector<16xi32>
      %add3A_378 = arith.addi %mul3A_220, %and3A_377 : vector<16xi32>
      %gather3A_379 = tpu.vector_load_idx %arg6[%add3A_378] : memref<25088xf32, #tpu.memory_space<vmem>>[vector<16xi32>], vector<16xf32>,
      %gather3A_380 = tpu.vector_load_idx %arg7[%add3A_378] : memref<25088xf32, #tpu.memory_space<vmem>>[vector<16xi32>], vector<16xf32>,
      %max3A_381 = arith.maximumf %max3A_370, %gather3A_379 : vector<16xf32>
      %min3A_382 = arith.minimumf %min3A_371, %gather3A_380 : vector<16xf32>
      %add3A_383 = arith.constant 15 : i32
      %add3A_384 = vector.broadcast %add3A_383 : i32 to vector<16xi32>
      %add3A_385 = arith.addi %iota3A, %add3A_384 : vector<16xi32>
      %and3A_386 = arith.constant 15 : i32
      %and3A_387 = vector.broadcast %and3A_386 : i32 to vector<16xi32>
      %and3A_388 = arith.andi %add3A_385, %and3A_387 : vector<16xi32>
      %add3A_389 = arith.addi %mul3A_220, %and3A_388 : vector<16xi32>
      %gather3A_390 = tpu.vector_load_idx %arg6[%add3A_389] : memref<25088xf32, #tpu.memory_space<vmem>>[vector<16xi32>], vector<16xf32>,
      %gather3A_391 = tpu.vector_load_idx %arg7[%add3A_389] : memref<25088xf32, #tpu.memory_space<vmem>>[vector<16xi32>], vector<16xf32>,
      %max3A_392 = arith.maximumf %max3A_381, %gather3A_390 : vector<16xf32>
      %min3A_393 = arith.minimumf %min3A_382, %gather3A_391 : vector<16xf32>
      %eq3A = arith.constant 0xFF800000 : f32
      %eq3A_394 = vector.broadcast %eq3A : f32 to vector<16xf32>
      %eq3A_395 = arith.cmpf oeq, %max3A_392, %eq3A_394 : vector<16xf32>
      %broadcast_in_dim3A_396 = vector.broadcast %scan3A_205 : f32 to vector<16xf32>
      %select_n3A_397 = arith.select %eq3A_395, %broadcast_in_dim3A_396, %max3A_392 : vector<16xi1>, vector<16xf32>
      %broadcast_in_dim3A_398 = vector.broadcast %scan3A_205 : f32 to vector<16xf32>
      %select_n3A_399 = arith.select %eq3A_395, %broadcast_in_dim3A_398, %min3A_393 : vector<16xi1>, vector<16xf32>
      %multiple_of3A_400 = tpu.assume_multiple %mul3A_215, 16 : i32
      %get3A_401 = arith.index_cast %multiple_of3A_400 : i32 to index
      %get3A_402 = tpu.vector_load %arg12[%get3A_401] {strides = array<i32>} : memref<1568xf32, #tpu.memory_space<vmem>>, vector<16xf32>,
      %gt3A = arith.cmpf ogt, %get3A_402, %select_n3A_397 : vector<16xf32>
      %lt3A_403 = arith.cmpf olt, %get3A_402, %select_n3A_399 : vector<16xf32>
      %neg3A = arith.constant 0.000000e+00 : f32
      %neg3A_404 = arith.subf %neg3A, %scan3A_206 : f32
      %broadcast_in_dim3A_405 = vector.broadcast %neg3A_404 : f32 to vector<16xf32>
      %broadcast_in_dim3A_406 = vector.broadcast %scan3A_205 : f32 to vector<16xf32>
      %select_n3A_407 = arith.select %lt3A_403, %broadcast_in_dim3A_405, %broadcast_in_dim3A_406 : vector<16xi1>, vector<16xf32>
      %broadcast_in_dim3A_408 = vector.broadcast %scan3A_206 : f32 to vector<16xf32>
      %select_n3A_409 = arith.select %gt3A, %broadcast_in_dim3A_408, %select_n3A_407 : vector<16xi1>, vector<16xf32>
      %multiple_of3A_410 = tpu.assume_multiple %mul3A_215, 16 : i32
      %swap3A = arith.index_cast %multiple_of3A_410 : i32 to index
      %swap3A_411 = tpu.vector_load %arg13[%swap3A] {strides = array<i32>} : memref<1568xf32, #tpu.memory_space<vmem>>, vector<16xf32>,
      tpu.vector_store %arg13[%swap3A], %select_n3A_409 {strides = array<i32>} : memref<1568xf32, #tpu.memory_space<vmem>>, vector<16xf32>,
    }
    %scan3A_211 = arith.constant 98 : i32
    %multiple_of3A_212 = tpu.assume_multiple %mul3A_2, 8 : i32
    "tpu.region"() ({
      %run_scoped3A = tpu.sem_alloc : memref<!tpu.dma_semaphore, #tpu.memory_space<semaphore_mem>>
      %dma_start3A_213 = tpu.memref_slice %arg5[%multiple_of3A_212] : memref<50176xf32, #tpu.memory_space<hbm>> -> memref<1568xf32, #tpu.memory_space<hbm>>
      %dma_start3A_214 = tpu.memref_slice %arg5[%multiple_of3A_212] : memref<50176xf32, #tpu.memory_space<hbm>> -> memref<1568xf32, #tpu.memory_space<hbm>>
      tpu.enqueue_dma source(%arg13 : memref<1568xf32, #tpu.memory_space<vmem>>) target(%dma_start3A_214 : memref<1568xf32, #tpu.memory_space<hbm>>) target_semaphore(%run_scoped3A : memref<!tpu.dma_semaphore, #tpu.memory_space<semaphore_mem>>)
      %dma_wait3A_215 = tpu.memref_slice %arg5[%multiple_of3A_212] : memref<50176xf32, #tpu.memory_space<hbm>> -> memref<1568xf32, #tpu.memory_space<hbm>>
      %dma_wait3A_216 = tpu.memref_slice %arg5[%multiple_of3A_212] : memref<50176xf32, #tpu.memory_space<hbm>> -> memref<1568xf32, #tpu.memory_space<hbm>>
      tpu.wait_dma2 semaphore(%run_scoped3A : memref<!tpu.dma_semaphore, #tpu.memory_space<semaphore_mem>>) src(%arg13 : memref<1568xf32, #tpu.memory_space<vmem>>) dst(%dma_wait3A_216 : memref<1568xf32, #tpu.memory_space<hbm>>)
      tpu.yield
    }) : () -> ()
    return
  }
}

</mosaic_0001>

<sc_bundles>
// kernel: _run.3.cloned.1.call-start
scs
__scs_entry_jumppad:
0x0: {  	(pc) =	sbr.rel $0x88, $3  }
0x1: {  	(tag) =	ssettag $0x0;
	lr =	simm.s32 $0x1  }
0x2: {  	[smem:$0x3F9E] =	sst lr;
	_ =	strace $0xD0000000  }
0x3: {  	_ = 	snop  }
0x4: {  	_ = 	snop  }
0x5: {  	_ = 	snop  }
0x6: {  	_ = 	snop  }
0x7: {  	_ = 	snop  }
__scs_overlays_trampoline_lowered:
0x8: {  	[smem:$0x3FAD] =	sst s0  }
0x9: {  	[smem:$0x3FAE] =	sst s1  }
0xa: {  	[smem:$0x3FAF] =	sst s2  }
0xb: {  	[smem:$0x3FB0] =	sst s3  }
0xc: {  	[smem:$0x3FB1] =	sst s4  }
0xd: {  	[smem:$0x3FB2] =	sst s5  }
0xe: {  	[smem:$0x3FB3] =	sst s6  }
0xf: {  	[smem:$0x3FB4] =	sst s7  }
0x10: {  	[smem:$0x3FB5] =	sst s8  }
0x11: {  	[smem:$0x3FB6] =	sst s9;
	s0 =	simm.s32 @!p0 $0x0  }
0x12: {  	s1 =	sld [smem:$0x3F9C];
	s0 =	simm.s32 @p0 $0x1  }
0x13: {  	[smem:$0x3FB7] =	sst s0;
	s0 =	simm.s32 @!p1 $0x0  }
0x14: {  	s2 =	sld [smem:$0x3F9B];
	s0 =	simm.s32 @p1 $0x1  }
0x15: {  	[smem:$0x3FB8] =	sst s0;
	s0 =	simm.s32 @!p2 $0x0  }
0x16: {  	s3 =	sld [smem:$0x3FDB];
	s0 =	simm.s32 @p2 $0x1  }
0x17: {  	s4 =	simm.s32 $0x1BF5;
	[smem:$0x3FBA] =	sst s0  }
0x18: {  	s0 =	sld [smem:$0x3F9D];
	_ =	swait.ge [sflag:s4], $0x0  }
0x19: {  	s7 =	sld [smem:$0x3F9E]  }
0x1a: {  	s8 =	sadd.s32 $0xFFFFE003, lr  }
0x1b: {  	s9 =	sadd.s32 $0xFFFFFEF7, lr;
	s5 =	simm.s32 $0xFFFFFFFF;
	p2 =	slt.u32 s8, $0xFFFFF086  }
0x1c: {  	p1 =	slt.u32 s9, $0xF7A;
	s5 =	simm.s32 @!p2 $0x0  }
0x1d: {  	s5 =	simm.s32 @p1 $0x1;
	p0 =	seq.s32 s7, s2  }
0x1e: {  	s7 =	smul.u32 @!p0 $0xF7A, s2;
	p2 =	seq.s32 @!p0 s5, $0x0  }
0x1f: {  	s9 =	smul.u32 $0xF7A, s1;
	s8 =	simm.s32 @!p0 $0x1BF5;
	p2 =	por !p2, p0  }
0x20: {  	[sflag:s8] =	ssyncset.s32 @!p0 $0xFFFFF086;
	s6 =	sadd.s32 @!p0 s3, s7;
	s7 =	simm.s32 @!p0 $0x108  }
0x21: {  	s3 =	sadd.s32 s3, s9;
	s6 =	sadd.s32 @!p0 $0x88, s6;
	s7 =	simm.s32 @p2 $0x1082  }
0x22: {  	[simem:s7], [sflag:s8] =	dma.local @!p0 [hbm:s6], $0xF7A  }
0x23: {  	s9 =	sor.u32 $0xD0000000, s2;
	s6 =	simm.s32 $0x108;
	_ =	swait.ge @!p0 [sflag:s8], $0x0  }
0x24: {  	s3 =	sadd.s32 $0x88, s3;
	s6 =	simm.s32 @!p1 $0x1082;
	[sflag:s4] =	ssyncset.s32 $0xFFFFF086  }
0x25: {  	[simem:s6], [sflag:s4] =	dma.local [hbm:s3], $0xF7A  }
0x26: {  	[smem:$0x3F9E] =	sst s1;
	(tag) =	ssettag s2;
	_ =	strace s9  }
0x27: {  	s1 =	sld [smem:$0x3FAE]  }
0x28: {  	s2 =	sld [smem:$0x3FAF]  }
0x29: {  	s4 =	sld [smem:$0x3FB1]  }
0x2a: {  	p0 =	seq.s32 s5, $0x0;
	s5 =	sld [smem:$0x3FB2]  }
0x2b: {  	s6 =	sld [smem:$0x3FB3]  }
0x2c: {  	s7 =	sld [smem:$0x3FB4]  }
0x2d: {  	s3 =	simm.s32 $0x108;
	s8 =	sld [smem:$0x3FB5]  }
0x2e: {  	s3 =	simm.s32 @!p0 $0x1082;
	s9 =	sld [smem:$0x3FB6]  }
0x2f: {  	lr =	sadd.s32 s0, s3;
	s0 =	sld [smem:$0x3FAD]  }
0x30: {  	s3 =	sld [smem:$0x3FB0]  }
0x31: {  	[smem:$0x3FB9] =	sst s10  }
0x32: {  	s10 =	sld [smem:$0x3FB7];
	_ =	sdelay $0x3  }
0x33: {  	p0 =	seq.s32 s10, $0x1;
	s10 =	sld [smem:$0x3FB9];
	_ =	sdelay $0x3  }
0x34: {  	[smem:$0x3FB9] =	sst s10  }
0x35: {  	s10 =	sld [smem:$0x3FB8];
	_ =	sdelay $0x3  }
0x36: {  	p1 =	seq.s32 s10, $0x1;
	s10 =	sld [smem:$0x3FB9];
	_ =	sdelay $0x3  }
0x37: {  	[smem:$0x3FB9] =	sst s10  }
0x38: {  	s10 =	sld [smem:$0x3FBA]  }
0x39: {  	_ = 	snop;
	(pc) =	sbr.ind lr, $3  }
0x3a: {  	_ = 	snop  }
0x3b: {  	_ = 	snop  }
0x3c: {  	p2 =	seq.s32 s10, $0x1;
	s10 =	sld [smem:$0x3FB9]  }
0x3d: {  	_ =	shalt  }
0x3e: {  	_ =	shalt  }
0x3f: {  	_ =	shalt  }
0x40: {  	_ =	shalt  }
0x41: {  	_ =	shalt  }
0x42: {  	_ =	shalt  }
0x43: {  	_ =	shalt  }
0x44: {  	_ =	shalt  }
0x45: {  	_ =	shalt  }
0x46: {  	_ =	shalt  }
0x47: {  	_ =	shalt  }
0x48: {  	_ =	shalt  }
0x49: {  	_ =	shalt  }
0x4a: {  	_ =	shalt  }
0x4b: {  	_ =	shalt  }
0x4c: {  	_ =	shalt  }
0x4d: {  	_ =	shalt  }
0x4e: {  	_ =	shalt  }
0x4f: {  	_ =	shalt  }
0x50: {  	_ =	shalt  }
0x51: {  	_ =	shalt  }
0x52: {  	_ =	shalt  }
0x53: {  	_ =	shalt  }
0x54: {  	_ =	shalt  }
0x55: {  	_ =	shalt  }
0x56: {  	_ =	shalt  }
0x57: {  	_ =	shalt  }
0x58: {  	_ =	shalt  }
0x59: {  	_ =	shalt  }
0x5a: {  	_ =	shalt  }
0x5b: {  	_ =	shalt  }
0x5c: {  	_ =	shalt  }
0x5d: {  	_ =	shalt  }
0x5e: {  	_ =	shalt  }
0x5f: {  	_ =	shalt  }
0x60: {  	_ =	shalt  }
0x61: {  	_ =	shalt  }
0x62: {  	_ =	shalt  }
0x63: {  	_ =	shalt  }
0x64: {  	_ =	shalt  }
0x65: {  	_ =	shalt  }
0x66: {  	_ =	shalt  }
0x67: {  	_ =	shalt  }
0x68: {  	_ =	shalt  }
0x69: {  	_ =	shalt  }
0x6a: {  	_ =	shalt  }
0x6b: {  	_ =	shalt  }
0x6c: {  	_ =	shalt  }
0x6d: {  	_ =	shalt  }
0x6e: {  	_ =	shalt  }
0x6f: {  	_ =	shalt  }
0x70: {  	_ =	shalt  }
0x71: {  	_ =	shalt  }
0x72: {  	_ =	shalt  }
0x73: {  	_ =	shalt  }
0x74: {  	_ =	shalt  }
0x75: {  	_ =	shalt  }
0x76: {  	_ =	shalt  }
0x77: {  	_ =	shalt  }
0x78: {  	_ =	shalt  }
0x79: {  	_ =	shalt  }
0x7a: {  	_ =	shalt  }
0x7b: {  	_ =	shalt  }
0x7c: {  	_ =	shalt  }
0x7d: {  	_ =	shalt  }
0x7e: {  	_ =	shalt  }
0x7f: {  	_ =	shalt  }
0x80: {  	_ =	shalt  }
0x81: {  	_ =	shalt  }
0x82: {  	_ =	shalt  }
0x83: {  	_ =	shalt  }
0x84: {  	_ =	shalt  }
0x85: {  	_ =	shalt  }
0x86: {  	_ =	shalt  }
0x87: {  	_ =	shalt  }
.Lfunc_end0:
.L_simem_size_0:
called_computation_lowered:
.L_overlay_start_0:
0x88: {  	s2 =	sld [smem:$0x3FD9]  }
0x89: {  	s3 =	sld [smem:$0x3FFE];
	_ =	sdelay $0x1  }
0x8a: {  	s1 =	srdreg.scid  }
0x8b: {  	s0 =	sand.u32 $0x1, s1  }
0x8c: {  	s17 =	sshll.u32 s0, $0xA;
	s2 =	sadd.s32 s3, s2  }
0x8d: {  	s2 =	sadd.s32 s2, s17  }
0x8e: {  	[smem:$0x3FC5] =	sst s2  }
0x8f: {  	_ = 	snop  }
0x90: {  	s2 =	sld [smem:$0x3FC9]  }
0x91: {  	s18 =	sld [smem:$0x3FC8]  }
0x92: {  	s4 =	sld [smem:$0x3FD0];
	(tm) =	ssettm $0x1  }
0x93: {  	s5 =	sld [smem:$0x3FFB];
	_ =	sdelay $0x3  }
0x94: {  	_ =	strace s5  }
0x95: {  	s5 =	sld [smem:$0x3FFC];
	_ =	sdelay $0x3  }
0x96: {  	_ =	strace s5  }
0x97: {  	s5 =	sld [smem:$0x3FFD];
	_ =	sdelay $0x3  }
0x98: {  	_ =	strace s5  }
0x99: {  	_ =	strace $0x8FFFFFFF  }
0x9a: {  	s19 =	sld [smem:$0x3FDB];
	_ =	sdelay $0x1  }
0x9b: {  	s6 =	simm.s32 $_scs_section_size  }
0x9c: {  	s7 =	simm.s32 $_size__tile_overlayer_lowered;
	s8 =	simm.s32 $_tile_overlayer_lowered  }
0x9d: {  	s22 =	simm.s32 $0x1BFF;
	s21 =	sshll.u32 s8, $0x1;
	s5 =	sadd.s32 s6, s19  }
0x9e: {  	s9 =	simm.s32 $0x0;
	s20 =	sshll.u32 s7, $0x1;
	s7 =	sadd.s32 s21, s5  }
0x9f: {  	[timem:s9], [sflag:s22] =	dma.local [hbm:s7], s20  }
0xa0: {  	_ =	swait.ge [sflag:s22], s20  }
0xa1: {  	s6 =	ssub.s32 $0x0, s20;
	[sflag:s22] =	ssyncset.done $0x0  }
0xa2: {  	[sflag:s22] =	ssyncadd.s32 s6;
	_ =	sdelay $0x1  }
0xa3: {  	s23 =	simm.s32 $0x1B8B  }
0xa4: {  	_ =	swait.ge [sflag:s23], $0x1  }
0xa5: {  	[sflag:s23] =	ssyncset.done $0x0  }
0xa6: {  	s25 =	simm.s32 $0x1B8E;
	s24 =	sld [smem:$0x3FFE];
	[sflag:s23] =	ssyncadd.s32 $0xFFFFFFFF  }
0xa7: {  	s26 =	simm.s32 $execute0_lowered;
	[smem:$0x3FD2] =	sst s25  }
0xa8: {  	s7 =	sshll.u32 s26, $0x1;
	_ =	strace $0x80000046;
	[dreg:$0x1] =	wrdreg $0xFFFFFFFF  }
0xa9: {  	s28 =	simm.s32 $_size_execute0_lowered;
	s5 =	sadd.s32 s5, s7;
	[dreg:$0x0] =	wrdreg $0x0  }
0xaa: {  	s7 =	sshll.u32 s28, $0x1;
	[dreg:$0x2] =	wrdreg s5  }
0xab: {  	[dreg:$0x3] =	wrdreg s7  }
0xac: {  	[dreg:$0x4] =	wrdreg $0xC0  }
0xad: {  	_ =	task [dreg:s9], $0x5FFFF  }
0xae: {  	[dreg:$0x1] =	wrdreg $0xFFFFFFFF  }
0xaf: {  	[dreg:$0x0] =	wrdreg $0x60  }
0xb0: {  	[dreg:$0x2] =	wrdreg s2  }
0xb1: {  	[dreg:$0x3] =	wrdreg s18  }
0xb2: {  	[dreg:$0x4] =	wrdreg s24  }
0xb3: {  	[dreg:$0x5] =	wrdreg s4  }
0xb4: {  	[dreg:$0x6] =	wrdreg $0x9  }
0xb5: {  	_ =	task.clear_ibuf [dreg:s9], $0x7FFFF;
	_ =	strace $0x90000046  }
0xb6: {  	s29 =	simm.s32 $0x9;
	_ =	strace $0x80000048  }
0xb7: {  	_ =	swait.ge [sflag:s29], $0x1  }
0xb8: {  	[sflag:s29] =	ssyncadd.s32 $0xFFFFFFFF  }
0xb9: {  	_ =	strace $0x90000048  }
0xba: {  	_ =	sfence  }
0xbb: {  	s30 =	sld [smem:$0x0];
	_ =	sdelay $0x2  }
0xbc: {  	s31 =	sshll.u32 s1, $0xD;
	s1 =	sshrl.u32 s1, $0x2  }
0xbd: {  	s3 =	sand.u32 $0x4000, s31;
	s1 =	sadd.s32 s1, s30  }
0xbe: {  	s0 =	sor.u32 s3, s0;
	s1 =	sshll.u32 s1, $0x11  }
0xbf: {  	s0 =	sor.u32 s1, s0  }
0xc0: {  	s0 =	sadd.s32 $0x8F2B, s0  }
0xc1: {  	[sflag:s0] =	ssyncadd.remote.s32 $0x1  }
0xc2: {  	_ =	sfence.sel $0xFFFF  }
0xc3: {  	[dreg:$0x0] =	wrdreg $0xFFFFFFFF;
	(pc) =	sbr.abs _section_cstart, $3  }
0xc4: {  	[dreg:$0x1] =	wrdreg $0xFFFFFFFF  }
0xc5: {  	_ =	task.clear_ibuf [dreg:s9], $0x2FFFF;
	_ =	strace $0x9FFFFFFF  }
0xc6: {  	(tm) =	ssettm $0x7FFFFFFF  }
0xc7: {  	_ =	shalt  }
tec
execute0_lowered:
.L_overlay_start_1:
0x0: {  	(tag) =	ssettag $0x1  }
0x1: {  	vm0 =	vmmov $0xff  }
0x2: {  	v1 =	vlaneseq.u32;
	vm1 =	vmmov $0xffff;
	v4 =	vimm.f32 $-Inf  }
0x3: {  	v5 =	vimm.f32 $+Inf;
	v6 =	vimm.s32 $0xFEDCBA9;
	vm2 =	vcmask $0x3F20  }
0x4: {  	v7 =	vimm.s32 $0x87654321;
	v8 =	vimm.s32 $0x10FEDCBA;
	v9 =	vimm.s32 $0x98765432  }
0x5: {  	v10 =	vimm.s32 $0x210FEDCB;
	v11 =	vimm.s32 $0xA9876543;
	v12 =	vimm.s32 $0x3210FEDC  }
0x6: {  	v13 =	vimm.s32 $0xBA987654;
	v14 =	vimm.s32 $0x43210FED;
	v15 =	vimm.s32 $0xCBA98765  }
0x7: {  	v16 =	vimm.s32 $0x543210FE;
	v17 =	vimm.s32 $0xFEDCBA98;
	v18 =	vimm.s32 $0xDCBA9876  }
0x8: {  	v19 =	vimm.s32 $0x76543210;
	v20 =	vimm.s32 $0x6543210F;
	v21 =	vimm.s32 $0xEDCBA987  }
0x9: {  	s2 =	rddreg [dreg:$0x1];
	v3 =	vand.u32 $0x7, v1;
	v6 =	vunpack.c.l.s4.s8 v6;
	v7 =	vunpack.c.l.s4.s8 v7  }
0xa: {  	s0 =	srdreg.scid;
	s5 =	rddreg [dreg:$0x2];
	v8 =	vunpack.c.l.s4.s8 v8;
	v9 =	vunpack.c.l.s4.s8 v9;
	v10 =	vunpack.c.l.s4.s8 v10  }
0xb: {  	s1 =	stileid.u32;
	s8 =	rddreg [dreg:$0x3];
	s4 =	simm.s32 $0x0;
	v11 =	vunpack.c.l.s4.s8 v11;
	v12 =	vunpack.c.l.s4.s8 v12;
	v13 =	vunpack.c.l.s4.s8 v13  }
0xc: {  	s11 =	simm.s32 $0x11100;
	s0 =	sand.u32 $0x1, s0;
	s1 =	sshll.u32 s1, $0x1;
	v14 =	vunpack.c.l.s4.s8 v14;
	v15 =	vunpack.c.l.s4.s8 v15;
	v6 =	vunpack.c.0.s8.s32 v6  }
0xd: {  	s12 =	simm.s32 $0x1;
	s14 =	simm.s32 $0xE400;
	v16 =	vunpack.c.l.s4.s8 v16;
	v17 =	vunpack.c.l.s4.s8 v17;
	v18 =	vunpack.c.l.s4.s8 v18;
	s1 =	sor.u32 s0, s1  }
0xe: {  	s15 =	simm.s32 $0xD400;
	s16 =	simm.s32 $0xF400;
	v19 =	vunpack.c.l.s4.s8 v19;
	v20 =	vunpack.c.l.s4.s8 v20;
	s3 =	smul.u32 $0x620, s1;
	[tilespmem:$0x1FFC0] =	vst v6;
	v6 =	vunpack.c.0.s8.s32 v7  }
0xf: {  	s17 =	simm.s32 $0x2;
	s18 =	simm.s32 $0x6200;
	s19 =	simm.s32 $0x3;
	v21 =	vunpack.c.l.s4.s8 v21;
	v10 =	vunpack.c.0.s8.s32 v10;
	v11 =	vunpack.c.0.s8.s32 v11  }
0x10: {  	s20 =	simm.s32 $0x4;
	s22 =	simm.s32 $0x5;
	v12 =	vunpack.c.0.s8.s32 v12;
	v13 =	vunpack.c.0.s8.s32 v13;
	s1 =	sadd.s32 $0x620, s3;
	[tilespmem:$0x1FFD0] =	vst v6;
	v6 =	vunpack.c.0.s8.s32 v8  }
0x11: {  	s23 =	simm.s32 $0x0;
	[smem:$0x7FF] =	sst s4;
	s0 =	ssub.s32 $0x2, s0;
	v14 =	vunpack.c.0.s8.s32 v14;
	v22 =	vunpack.c.0.s8.s32 v17;
	v2 =	vmov s1  }
0x12: {  	s7 =	sadd.s32 $0x61A00, s2;
	s6 =	sshrl.u32 s0, $0x1;
	v0 =	vmov s3;
	v2 =	vsel vm0, s3, v2;
	s3 =	sshrl.u32 s3, $0x3;
	[tilespmem:$0x1FFE0] =	vst v6;
	v6 =	vunpack.c.0.s8.s32 v9  }
0x13: {  	v15 =	vunpack.c.0.s8.s32 v15;
	v16 =	vunpack.c.0.s8.s32 v16;
	v23 =	vunpack.c.0.s8.s32 v19;
	s0 =	ssub.s32 s0, s6;
	s1 =	rddreg [dreg:$0x0];
	s5 =	sadd.s32 s3, s5  }
0x14: {  	v17 =	vunpack.c.0.s8.s32 v18;
	v18 =	vunpack.c.0.s8.s32 v20;
	s9 =	smax.u32 s0, $0x1;
	v20 =	vand.u32 $0xF, v22;
	s6 =	sadd.s32 $0x61A00, s1;
	s5 =	sadd.s32 $0x400, s5;
	[tilespmem:$0x1FFF0] =	vst v6  }
0x15: {  	v19 =	vunpack.c.0.s8.s32 v21;
	v21 =	vimm.f32 $0.0e+00;
	v20 =	vcombine.low v20, v23;
	s8 =	sadd.s32 s8, s3;
	_ =	strace $0x80000047;
	[dreg:$0x5] =	wrdreg s5  }
.LBB2_1:
0x16: {  	s0 =	rddreg [dreg:$0x5];
	s3 =	simm.s32 $0x10400  }
0x17: {  	[tilespmem:s3], [sflag:$0x4] =	stream.linear.gather [hbm4b:s0+s4], $0x620, $0x38;
	[tilespmem:$0x11180] =	vst v63  }
0x18: {  	v22 =	vimm.s32 $0x0;
	v23 =	vimm.s32 $0x30D400;
	s24 =	simm.s32 $0x0;
	s0 =	simm.s32 $0x6200;
	s3 =	simm.s32 $0x0  }
.LBB2_2:
0x19: {  	v24 =	vsub.s32 v23, v22  }
0x1a: {  	v25 =	vmul.u32 v3, v24;
	_ =	sdelay $0x1  }
0x1b: {  	v25 =	vshra.s32 v25, $0x3  }
0x1c: {  	v26 =	vadd.s32 v22, v25  }
0x1d: {  	vm3 =	vlt.s32 v26, $0x30D3FF  }
0x1e: {  	v27 =	vnsel vm3, $0x30D3FF, v26;
	_ =	sdelay $0x3  }
0x1f: {  	s25 =	simm.s32 $0x0;
	v26 =	vmov s3  }
0x20: {  	[tilespmem:s11], [sflag:$0x1] =	stream.indirect_vreg.gather [hbm4b:s1+s25], $0x1, v27, vm1, $0xb8;
	v27 =	vmov s0;
	[tilespmem:$0x11180] =	vst v63  }
0x21: {  	_ =	sdelay $0x1  }
0x22: {  	s26 =	simm.s32 $0x0  }
0x23: {  	s25 =	simm.s32 $0x40;
	[tilespmem:v26+s26+$0x0 ss:$0x1] =	vst.idx.msk $0xffff, v4  }
.LBB2_3:
0x24: {  	p0 =	sne.s32 s25, $0x37C0;
	[tilespmem:v27+s26+$0x0 ss:$0x1] =	vst.idx.msk $0xffff, v5;
	s26 =	smov.u32 s25;
	s25 =	sadd.s32 $0x40, s25  }
.Ltmp0:
0x25: {  	(pc) =	sbr.rel @p0 .LBB2_3-.Ltmp0, $3  }
0x26: {  	_ =	sdelay $0x1  }
0x27: {  	s26 =	sshra.s32 s26, $0x2  }
0x28: {  	[tilespmem:v26+s26+$0x0 ss:$0x1] =	vst.idx.msk $0xffff, v4  }
0x29: {  	_ =	sdelay $0x3  }
0x2a: {  	[tilespmem:v27+s26+$0x0 ss:$0x1] =	vst.idx.msk $0xffff, v5  }
0x2b: {  	_ =	swait.ge [sflag:s12], $0x10  }
0x2c: {  	[sflag:s12] =	ssyncset.done $0x0  }
0x2d: {  	[sflag:s12] =	ssyncadd.s32 $0xFFFFFFF0  }
0x2e: {  	v26 =	vld [tilespmem:$0x11100];
	_ =	sdelay $0x4  }
0x2f: {  	vm4 =	vlt.s32 v25, v24;
	vm3 =	vlt.s32 v26, v2  }
0x30: {  	vm3 =	vmand vm4, vm3  }
0x31: {  	vm4 =	vmand vm3, vm0  }
0x32: {  	vm3 =	vmand vm3, vm2;
	v62 =	vmpcnt.ones.xlane vm4  }
0x33: {  	v63 =	vmpcnt.ones.xlane vm3  }
0x34: {  	(v2sf) =	vpush v62, $0x0  }
0x35: {  	(v2sf) =	vpush v63, $0x0  }
0x36: {  	(v2sf) =	vpush v22, $0x0  }
0x37: {  	(v2sf) =	vpush v23, $0x0  }
0x38: {  	(v2sf) =	vpush v24, $0x0  }
0x39: {  	(v2sf) =	vpush v22, $0x8  }
0x3a: {  	(v2sf) =	vpush v23, $0x8  }
0x3b: {  	(v2sf) =	vpush v24, $0x8;
	_ =	sdelay $0x7  }
0x3c: {  	s28 =	spop (v2sf)  }
0x3d: {  	s29 =	spop (v2sf)  }
0x3e: {  	s26 =	spop (v2sf)  }
0x3f: {  	s30 =	spop (v2sf)  }
0x40: {  	s31 =	spop (v2sf)  }
0x41: {  	s25 =	spop (v2sf)  }
0x42: {  	s10 =	spop (v2sf)  }
0x43: {  	s5 =	sadd.s32 $0xFFFFFFFF, s29;
	s21 =	spop (v2sf)  }
0x44: {  	s13 =	sadd.s32 $0xFFFFFFFF, s28;
	s5 =	smul.u32 s21, s5  }
0x45: {  	s13 =	smul.u32 s31, s13  }
0x46: {  	s24 =	sadd.s32 $0x1, s24;
	s21 =	smul.u32 s21, s29;
	s5 =	sshra.s32 s5, $0x3  }
0x47: {  	p0 =	sgt.s32 s29, $0x0;
	s31 =	smul.u32 s31, s28;
	s5 =	sadd.s32 s5, s25  }
0x48: {  	s13 =	sshra.s32 s13, $0x3;
	s21 =	sshra.s32 s21, $0x3;
	s5 =	sadd.s32 $0x1, s5  }
0x49: {  	s21 =	sadd.s32 s25, s21;
	s25 =	smov.u32 @p0 s5;
	s5 =	sadd.s32 s13, s26  }
0x4a: {  	p0 =	sgt.s32 s28, $0x0;
	s13 =	sshra.s32 s31, $0x3;
	s5 =	sadd.s32 $0x1, s5  }
0x4b: {  	s13 =	sadd.s32 s26, s13;
	s26 =	smov.u32 @p0 s5;
	p0 =	sne.s32 s24, $0x7  }
.Ltmp1:
0x4c: {  	_ = 	snop;
	(pc) =	sbr.rel @p0 .LBB2_2-.Ltmp1, $4  }
0x4d: {  	p1 =	slt.s32 s29, $0x8  }
0x4e: {  	s10 =	smov.u32 @p1 s21;
	p1 =	slt.s32 s28, $0x8  }
0x4f: {  	v23 =	vmov s10;
	v22 =	vmov s25;
	s30 =	smov.u32 @p1 s13  }
0x50: {  	s3 =	sadd.s32 $0xE00, s3;
	s0 =	sadd.s32 $0xE00, s0;
	v22 =	vsel vm0, s26, v22;
	v23 =	vsel vm0, s30, v23  }
0x51: {  	v24 =	vadd.s32 v3, v22  }
0x52: {  	vm3 =	vlt.s32 v24, $0x30D3FF  }
0x53: {  	v24 =	vnsel vm3, $0x30D3FF, v24;
	_ =	sdelay $0x3  }
0x54: {  	s24 =	simm.s32 $0x0  }
0x55: {  	[tilespmem:s11], [sflag:$0x1] =	stream.indirect_vreg.gather [hbm4b:s1+s24], $0x1, v24, vm1, $0xb8;
	[tilespmem:$0x11180] =	vst v63  }
0x56: {  	_ =	swait.ge [sflag:s12], $0x10  }
0x57: {  	[sflag:s12] =	ssyncset.done $0x0  }
0x58: {  	[sflag:s12] =	ssyncadd.s32 $0xFFFFFFF0  }
0x59: {  	v24 =	vld [tilespmem:$0x11100];
	_ =	sdelay $0x3  }
0x5a: {  	v22 =	vsub.s32 v23, v22  }
0x5b: {  	vm4 =	vgt.s32 v22, v3;
	vm3 =	vlt.s32 v24, v2  }
0x5c: {  	vm3 =	vmand vm4, vm3  }
0x5d: {  	vm4 =	vmand vm3, vm0  }
0x5e: {  	v22 =	vmpcnt.ones.xlane vm4;
	_ =	sdelay $0x1  }
0x5f: {  	(v2sf) =	vpush v22, $0x0  }
0x60: {  	vm3 =	vmand vm3, vm2  }
0x61: {  	v22 =	vmpcnt.ones.xlane vm3;
	_ =	sdelay $0x1  }
0x62: {  	(v2sf) =	vpush v22, $0x0;
	_ =	sdelay $0xa  }
0x63: {  	s0 =	spop (v2sf)  }
0x64: {  	s0 =	sadd.s32 s26, s0  }
0x65: {  	s3 =	sand.u32 $0xFFF, s0  }
0x66: {  	s5 =	sshra.s32 s0, $0x1F;
	p0 =	slt.s32 s0, $0x1;
	p1 =	sne.s32 s3, $0x0  }
0x67: {  	s26 =	spop (v2sf);
	s5 =	sshrl.u32 s5, $0x14;
	p0 =	por !p0, !p1  }
0x68: {  	s0 =	sadd.s32 s5, s0;
	s5 =	simm.s32 $0x1;
	p0 =	por !p0, !p0  }
0x69: {  	s3 =	sadd.s32 s25, s26;
	s0 =	sshra.s32 s0, $0xC;
	s5 =	simm.s32 @!p0 $0x0  }
0x6a: {  	p0 =	slt.s32 s3, $0x30D000;
	s25 =	ssub.s32 s0, s5  }
0x6b: {  	s3 =	simm.s32 @!p0 $0x30D000;
	s0 =	sshll.u32 s25, $0xC  }
0x6c: {  	s21 =	simm.s32 $0xC400;
	s3 =	ssub.s32 s3, s0  }
0x6d: {  	p1 =	slt.s32 s0, $0x30C000;
	s26 =	sadd.s32 $0x2000, s0;
	s3 =	sadd.s32 $0xFFF, s3  }
0x6e: {  	s0 =	simm.s32 @!p1 $0x30C000;
	s30 =	sand.u32 $0xFFF, s3;
	s10 =	sshra.s32 s3, $0x1F  }
0x6f: {  	p5 =	slt.s32 s3, $0x1;
	s0 =	sshrl.u32 s0, $0x3;
	p6 =	sne.s32 s30, $0x0  }
0x70: {  	s10 =	sshrl.u32 s10, $0x14;
	s13 =	sadd.s32 s1, s0;
	p0 =	por !p5, !p6  }
0x71: {  	[tilespmem:s21], [sflag:$0x2] =	stream.linear.gather [hbm4b:s13+s24], $0x1000, $0x38;
	[tilespmem:$0x11180] =	vst v63  }
0x72: {  	s5 =	simm.s32 $0x1;
	s3 =	sadd.s32 s10, s3;
	p0 =	por !p0, !p0  }
0x73: {  	s0 =	sadd.s32 s2, s0;
	s3 =	sshra.s32 s3, $0xC;
	s5 =	simm.s32 @!p0 $0x0  }
0x74: {  	[tilespmem:s14], [sflag:$0x2] =	stream.linear.gather [hbm4b:s0+s24], $0x1000, $0x38;
	[tilespmem:$0x11180] =	vst v63  }
.Ltmp2:
0x75: {  	s3 =	ssub.s32 s3, s5;
	(pc) =	sbr.rel .LBB2_6-.Ltmp2, $4  }
0x76: {  	p1 =	sgt.s32 s3, $0x1  }
0x77: {  	p0 =	sgt.s32 s3, $0x0;
	s28 =	smov.u32 s3;
	s3 =	simm.s32 @!p1 $0x1  }
0x78: {  	s30 =	sadd.s32 $0x1, s3  }
0x79: {  	v23 =	vimm.f32 $-Inf;
	s31 =	simm.s32 $0x0;
	v24 =	vimm.s32 $0xFFFFFFFF;
	v22 =	vimm.f32 $+Inf;
	s28 =	simm.s32 @!p0 $0x0;
	s29 =	sshrl.u32 s30, $0x1  }
.LBB2_10:
0x7a: {  	p0 =	sne.s32 s3, s29  }
.Ltmp3:
0x7b: {  	_ = 	snop;
	(pc) =	sbr.rel @!p0 .LBB2_11-.Ltmp3, $2  }
0x7c: {  	_ =	sdelay $0x2  }
0x7d: {  	s31 =	smov.u32 s3  }
.LBB2_6:
0x7e: {  	s30 =	sshllo.u32 s31, $0x1  }
0x7f: {  	s0 =	sadd.s32 s25, s30  }
0x80: {  	s0 =	sshll.u32 s0, $0xC  }
0x81: {  	p0 =	slt.s32 s0, $0x30C000  }
0x82: {  	s0 =	simm.s32 @!p0 $0x30C000  }
0x83: {  	s0 =	sshrl.u32 s0, $0x3  }
0x84: {  	s3 =	sadd.s32 s1, s0  }
0x85: {  	[tilespmem:s15], [sflag:$0x3] =	stream.linear.gather [hbm4b:s3+s24], $0x1000, $0x38;
	[tilespmem:$0x11180] =	vst v63  }
0x86: {  	s13 =	sshll.u32 s31, $0x1;
	s0 =	sadd.s32 s2, s0  }
0x87: {  	[tilespmem:s16], [sflag:$0x3] =	stream.linear.gather [hbm4b:s0+s24], $0x1000, $0x38;
	[tilespmem:$0x11180] =	vst v63  }
0x88: {  	p0 =	sge.u32 s13, s28;
	_ =	swait.ge [sflag:s17], $0x1000  }
.Ltmp4:
0x89: {  	[sflag:s17] =	ssyncset.done $0x0;
	(pc) =	sbr.rel @p0 .LBB2_8-.Ltmp4, $4  }
0x8a: {  	[sflag:s17] =	ssyncadd.s32 $0xFFFFF000  }
0x8b: {  	_ =	swait.ge [sflag:s17], $0x1000  }
0x8c: {  	[sflag:s17] =	ssyncset.done $0x0  }
0x8d: {  	s3 =	simm.s32 $0x0;
	[sflag:s17] =	ssyncadd.s32 $0xFFFFF000  }
.LBB2_7:
0x8e: {  	s0 =	sshra.s32 s3, $0x2  }
0x8f: {  	v25 =	vld [tilespmem:s0+$0xC400];
	_ =	sdelay $0x3  }
0x90: {  	v26 =	vsub.s32 v24, v0  }
0x91: {  	vm4 =	vlt.u32 v26, $0x620;
	vm3 =	vne.s32 v25, v24;
	v24 =	vshll.u32 v26, $0x4  }
0x92: {  	v24 =	vor.u32 v1, v24;
	vm5 =	vmand vm4, vm3  }
0x93: {  	v24 =	vsel vm4, v24, v1;
	_ =	sdelay $0x4  }
0x94: {  	v26 =	vld [tilespmem:s0+$0xE400];
	[tilespmem:v24+s4+$0x0] =	vst.idx.msk vm5, v23  }
0x95: {  	[tilespmem:v24+s18+$0x0] =	vst.idx.msk vm5, v22  }
0x96: {  	v24 =	vld [tilespmem:s0+$0xC410];
	_ =	sdelay $0x3  }
0x97: {  	v27 =	vsub.s32 v25, v0  }
0x98: {  	vm14 =	vlt.u32 v27, $0x620;
	vm13 =	vne.s32 v24, v25;
	v25 =	vshll.u32 v27, $0x4  }
0x99: {  	v25 =	vor.u32 v1, v25;
	vm6 =	vmand vm14, vm13  }
0x9a: {  	v25 =	vsel vm14, v25, v1;
	_ =	sdelay $0x2  }
0x9b: {  	v23 =	vmax.f32 v23, v26  }
0x9c: {  	v23 =	vsel vm3, v26, v23;
	v22 =	vmin.f32 v22, v26  }
0x9d: {  	v22 =	vsel vm3, v26, v22;
	v27 =	vld [tilespmem:s0+$0xE410];
	[tilespmem:v25+s4+$0x0] =	vst.idx.msk vm6, v23  }
0x9e: {  	[tilespmem:v25+s18+$0x0] =	vst.idx.msk vm6, v22  }
0x9f: {  	v25 =	vld [tilespmem:s0+$0xC420];
	_ =	sdelay $0x3  }
0xa0: {  	v26 =	vsub.s32 v24, v0  }
0xa1: {  	vm15 =	vlt.u32 v26, $0x620;
	vm3 =	vne.s32 v25, v24;
	v24 =	vshll.u32 v26, $0x4  }
0xa2: {  	v24 =	vor.u32 v1, v24;
	vm9 =	vmand vm15, vm3  }
0xa3: {  	v24 =	vsel vm15, v24, v1;
	_ =	sdelay $0x2  }
0xa4: {  	v23 =	vmax.f32 v23, v27  }
0xa5: {  	v23 =	vsel vm13, v27, v23;
	v22 =	vmin.f32 v22, v27  }
0xa6: {  	v22 =	vsel vm13, v27, v22;
	v26 =	vld [tilespmem:s0+$0xE420];
	[tilespmem:v24+s4+$0x0] =	vst.idx.msk vm9, v23  }
0xa7: {  	[tilespmem:v24+s18+$0x0] =	vst.idx.msk vm9, v22  }
0xa8: {  	v24 =	vld [tilespmem:s0+$0xC430];
	_ =	sdelay $0x3  }
0xa9: {  	v27 =	vsub.s32 v25, v0  }
0xaa: {  	vm11 =	vlt.u32 v27, $0x620;
	vm10 =	vne.s32 v24, v25;
	v25 =	vshll.u32 v27, $0x4  }
0xab: {  	v25 =	vor.u32 v1, v25;
	vm12 =	vmand vm11, vm10  }
0xac: {  	v25 =	vsel vm11, v25, v1;
	_ =	sdelay $0x2  }
0xad: {  	v23 =	vmax.f32 v23, v26  }
0xae: {  	v23 =	vsel vm3, v26, v23;
	v22 =	vmin.f32 v22, v26  }
0xaf: {  	v22 =	vsel vm3, v26, v22;
	v27 =	vld [tilespmem:s0+$0xE430];
	[tilespmem:v25+s4+$0x0] =	vst.idx.msk vm12, v23  }
0xb0: {  	[tilespmem:v25+s18+$0x0] =	vst.idx.msk vm12, v22  }
0xb1: {  	v25 =	vld [tilespmem:s0+$0xC440];
	_ =	sdelay $0x3  }
0xb2: {  	v26 =	vsub.s32 v24, v0  }
0xb3: {  	vm13 =	vlt.u32 v26, $0x620;
	vm3 =	vne.s32 v25, v24;
	v24 =	vshll.u32 v26, $0x4  }
0xb4: {  	v24 =	vor.u32 v1, v24;
	vm14 =	vmand vm13, vm3  }
0xb5: {  	v24 =	vsel vm13, v24, v1;
	_ =	sdelay $0x2  }
0xb6: {  	v23 =	vmax.f32 v23, v27  }
0xb7: {  	v23 =	vsel vm10, v27, v23;
	v22 =	vmin.f32 v22, v27  }
0xb8: {  	v22 =	vsel vm10, v27, v22;
	v26 =	vld [tilespmem:s0+$0xE440];
	[tilespmem:v24+s4+$0x0] =	vst.idx.msk vm14, v23  }
0xb9: {  	[tilespmem:v24+s18+$0x0] =	vst.idx.msk vm14, v22  }
0xba: {  	v24 =	vld [tilespmem:s0+$0xC450];
	_ =	sdelay $0x3  }
0xbb: {  	v27 =	vsub.s32 v25, v0  }
0xbc: {  	vm9 =	vlt.u32 v27, $0x620;
	vm15 =	vne.s32 v24, v25;
	v25 =	vshll.u32 v27, $0x4  }
0xbd: {  	v25 =	vor.u32 v1, v25;
	vm10 =	vmand vm9, vm15  }
0xbe: {  	v25 =	vsel vm9, v25, v1;
	_ =	sdelay $0x2  }
0xbf: {  	v23 =	vmax.f32 v23, v26  }
0xc0: {  	v23 =	vsel vm3, v26, v23;
	v22 =	vmin.f32 v22, v26  }
0xc1: {  	v22 =	vsel vm3, v26, v22;
	v27 =	vld [tilespmem:s0+$0xE450];
	[tilespmem:v25+s4+$0x0] =	vst.idx.msk vm10, v23  }
0xc2: {  	[tilespmem:v25+s18+$0x0] =	vst.idx.msk vm10, v22  }
0xc3: {  	v25 =	vld [tilespmem:s0+$0xC460];
	_ =	sdelay $0x3  }
0xc4: {  	v26 =	vsub.s32 v24, v0  }
0xc5: {  	vm11 =	vlt.u32 v26, $0x620;
	vm3 =	vne.s32 v25, v24;
	v24 =	vshll.u32 v26, $0x4  }
0xc6: {  	v24 =	vor.u32 v1, v24;
	vm12 =	vmand vm11, vm3  }
0xc7: {  	v24 =	vsel vm11, v24, v1;
	_ =	sdelay $0x2  }
0xc8: {  	v23 =	vmax.f32 v23, v27  }
0xc9: {  	v23 =	vsel vm15, v27, v23;
	v22 =	vmin.f32 v22, v27  }
0xca: {  	v22 =	vsel vm15, v27, v22;
	v26 =	vld [tilespmem:s0+$0xE460];
	[tilespmem:v24+s4+$0x0] =	vst.idx.msk vm12, v23  }
0xcb: {  	[tilespmem:v24+s18+$0x0] =	vst.idx.msk vm12, v22  }
0xcc: {  	v24 =	vld [tilespmem:s0+$0xC470];
	_ =	sdelay $0x3  }
0xcd: {  	v27 =	vsub.s32 v25, v0  }
0xce: {  	vm14 =	vlt.u32 v27, $0x620;
	vm13 =	vne.s32 v24, v25;
	v25 =	vshll.u32 v27, $0x4  }
0xcf: {  	v25 =	vor.u32 v1, v25;
	vm15 =	vmand vm14, vm13  }
0xd0: {  	v27 =	vld [tilespmem:s0+$0xE470];
	v25 =	vsel vm14, v25, v1  }
0xd1: {  	p0 =	sne.s32 s3, $0x3E00  }
.Ltmp5:
0xd2: {  	_ = 	snop;
	(pc) =	sbr.rel @p0 .LBB2_7-.Ltmp5, $4  }
0xd3: {  	v23 =	vmax.f32 v23, v26;
	v22 =	vmin.f32 v22, v26  }
0xd4: {  	v23 =	vsel vm3, v26, v23;
	v22 =	vsel vm3, v26, v22  }
0xd5: {  	v26 =	vmin.f32 v22, v27;
	[tilespmem:v25+s4+$0x0] =	vst.idx.msk vm15, v23;
	v23 =	vmax.f32 v23, v27  }
0xd6: {  	s3 =	sadd.s32 $0x200, s3;
	[tilespmem:v25+s18+$0x0] =	vst.idx.msk vm15, v22;
	v23 =	vsel vm13, v27, v23;
	v22 =	vsel vm13, v27, v26  }
.LBB2_8:
0xd7: {  	s3 =	sadd.s32 $0x1, s31  }
0xd8: {  	p0 =	sge.u32 s3, s29  }
0xd9: {  	s0 =	sshll.u32 @!p0 s31, $0xD  }
0xda: {  	s0 =	sadd.s32 @!p0 s0, s26  }
0xdb: {  	p1 =	slt.s32 @!p0 s0, $0x30C000  }
0xdc: {  	p1 =	por !p1, p0  }
0xdd: {  	s0 =	simm.s32 @p1 $0x30C000  }
0xde: {  	s0 =	sshrl.u32 @!p0 s0, $0x3  }
0xdf: {  	s10 =	simm.s32 @!p0 $0x0;
	s13 =	simm.s32 @!p0 $0xC400;
	s5 =	sadd.s32 @!p0 s1, s0  }
0xe0: {  	[tilespmem:s13], [sflag:$0x2] =	stream.linear.gather @!p0 [hbm4b:s5+s10], $0x1000, $0x38;
	[tilespmem:$0x11180] =	vst v63  }
0xe1: {  	s0 =	sadd.s32 @!p0 s2, s0;
	s5 =	simm.s32 @!p0 $0xE400  }
0xe2: {  	[tilespmem:s5], [sflag:$0x2] =	stream.linear.gather @!p0 [hbm4b:s0+s10], $0x1000, $0x38;
	[tilespmem:$0x11180] =	vst v63  }
0xe3: {  	p0 =	sge.u32 s30, s28;
	_ =	swait.ge [sflag:s19], $0x1000  }
.Ltmp6:
0xe4: {  	[sflag:s19] =	ssyncset.done $0x0;
	(pc) =	sbr.rel @p0 .LBB2_10-.Ltmp6, $4  }
0xe5: {  	[sflag:s19] =	ssyncadd.s32 $0xFFFFF000  }
0xe6: {  	_ =	swait.ge [sflag:s19], $0x1000  }
0xe7: {  	[sflag:s19] =	ssyncset.done $0x0  }
0xe8: {  	s30 =	simm.s32 $0x0;
	[sflag:s19] =	ssyncadd.s32 $0xFFFFF000  }
.LBB2_9:
0xe9: {  	s0 =	sshra.s32 s30, $0x2  }
0xea: {  	v25 =	vld [tilespmem:s0+$0xD400];
	_ =	sdelay $0x3  }
0xeb: {  	v26 =	vsub.s32 v24, v0  }
0xec: {  	vm4 =	vlt.u32 v26, $0x620;
	vm3 =	vne.s32 v25, v24;
	v24 =	vshll.u32 v26, $0x4  }
0xed: {  	v24 =	vor.u32 v1, v24;
	vm5 =	vmand vm4, vm3  }
0xee: {  	v24 =	vsel vm4, v24, v1;
	_ =	sdelay $0x4  }
0xef: {  	v26 =	vld [tilespmem:s0+$0xF400];
	[tilespmem:v24+s4+$0x0] =	vst.idx.msk vm5, v23  }
0xf0: {  	[tilespmem:v24+s18+$0x0] =	vst.idx.msk vm5, v22  }
0xf1: {  	v24 =	vld [tilespmem:s0+$0xD410];
	_ =	sdelay $0x3  }
0xf2: {  	v27 =	vsub.s32 v25, v0  }
0xf3: {  	vm14 =	vlt.u32 v27, $0x620;
	vm13 =	vne.s32 v24, v25;
	v25 =	vshll.u32 v27, $0x4  }
0xf4: {  	v25 =	vor.u32 v1, v25;
	vm6 =	vmand vm14, vm13  }
0xf5: {  	v25 =	vsel vm14, v25, v1;
	_ =	sdelay $0x2  }
0xf6: {  	v23 =	vmax.f32 v23, v26  }
0xf7: {  	v23 =	vsel vm3, v26, v23;
	v22 =	vmin.f32 v22, v26  }
0xf8: {  	v22 =	vsel vm3, v26, v22;
	v27 =	vld [tilespmem:s0+$0xF410];
	[tilespmem:v25+s4+$0x0] =	vst.idx.msk vm6, v23  }
0xf9: {  	[tilespmem:v25+s18+$0x0] =	vst.idx.msk vm6, v22  }
0xfa: {  	v25 =	vld [tilespmem:s0+$0xD420];
	_ =	sdelay $0x3  }
0xfb: {  	v26 =	vsub.s32 v24, v0  }
0xfc: {  	vm15 =	vlt.u32 v26, $0x620;
	vm3 =	vne.s32 v25, v24;
	v24 =	vshll.u32 v26, $0x4  }
0xfd: {  	v24 =	vor.u32 v1, v24;
	vm9 =	vmand vm15, vm3  }
0xfe: {  	v24 =	vsel vm15, v24, v1;
	_ =	sdelay $0x2  }
0xff: {  	v23 =	vmax.f32 v23, v27  }
0x100: {  	v23 =	vsel vm13, v27, v23;
	v22 =	vmin.f32 v22, v27  }
0x101: {  	v22 =	vsel vm13, v27, v22;
	v26 =	vld [tilespmem:s0+$0xF420];
	[tilespmem:v24+s4+$0x0] =	vst.idx.msk vm9, v23  }
0x102: {  	[tilespmem:v24+s18+$0x0] =	vst.idx.msk vm9, v22  }
0x103: {  	v24 =	vld [tilespmem:s0+$0xD430];
	_ =	sdelay $0x3  }
0x104: {  	v27 =	vsub.s32 v25, v0  }
0x105: {  	vm11 =	vlt.u32 v27, $0x620;
	vm10 =	vne.s32 v24, v25;
	v25 =	vshll.u32 v27, $0x4  }
0x106: {  	v25 =	vor.u32 v1, v25;
	vm12 =	vmand vm11, vm10  }
0x107: {  	v25 =	vsel vm11, v25, v1;
	_ =	sdelay $0x2  }
0x108: {  	v23 =	vmax.f32 v23, v26  }
0x109: {  	v23 =	vsel vm3, v26, v23;
	v22 =	vmin.f32 v22, v26  }
0x10a: {  	v22 =	vsel vm3, v26, v22;
	v27 =	vld [tilespmem:s0+$0xF430];
	[tilespmem:v25+s4+$0x0] =	vst.idx.msk vm12, v23  }
0x10b: {  	[tilespmem:v25+s18+$0x0] =	vst.idx.msk vm12, v22  }
0x10c: {  	v25 =	vld [tilespmem:s0+$0xD440];
	_ =	sdelay $0x3  }
0x10d: {  	v26 =	vsub.s32 v24, v0  }
0x10e: {  	vm13 =	vlt.u32 v26, $0x620;
	vm3 =	vne.s32 v25, v24;
	v24 =	vshll.u32 v26, $0x4  }
0x10f: {  	v24 =	vor.u32 v1, v24;
	vm14 =	vmand vm13, vm3  }
0x110: {  	v24 =	vsel vm13, v24, v1;
	_ =	sdelay $0x2  }
0x111: {  	v23 =	vmax.f32 v23, v27  }
0x112: {  	v23 =	vsel vm10, v27, v23;
	v22 =	vmin.f32 v22, v27  }
0x113: {  	v22 =	vsel vm10, v27, v22;
	v26 =	vld [tilespmem:s0+$0xF440];
	[tilespmem:v24+s4+$0x0] =	vst.idx.msk vm14, v23  }
0x114: {  	[tilespmem:v24+s18+$0x0] =	vst.idx.msk vm14, v22  }
0x115: {  	v24 =	vld [tilespmem:s0+$0xD450];
	_ =	sdelay $0x3  }
0x116: {  	v27 =	vsub.s32 v25, v0  }
0x117: {  	vm9 =	vlt.u32 v27, $0x620;
	vm15 =	vne.s32 v24, v25;
	v25 =	vshll.u32 v27, $0x4  }
0x118: {  	v25 =	vor.u32 v1, v25;
	vm10 =	vmand vm9, vm15  }
0x119: {  	v25 =	vsel vm9, v25, v1;
	_ =	sdelay $0x2  }
0x11a: {  	v23 =	vmax.f32 v23, v26  }
0x11b: {  	v23 =	vsel vm3, v26, v23;
	v22 =	vmin.f32 v22, v26  }
0x11c: {  	v22 =	vsel vm3, v26, v22;
	v27 =	vld [tilespmem:s0+$0xF450];
	[tilespmem:v25+s4+$0x0] =	vst.idx.msk vm10, v23  }
0x11d: {  	[tilespmem:v25+s18+$0x0] =	vst.idx.msk vm10, v22  }
0x11e: {  	v25 =	vld [tilespmem:s0+$0xD460];
	_ =	sdelay $0x3  }
0x11f: {  	v26 =	vsub.s32 v24, v0  }
0x120: {  	vm11 =	vlt.u32 v26, $0x620;
	vm3 =	vne.s32 v25, v24;
	v24 =	vshll.u32 v26, $0x4  }
0x121: {  	v24 =	vor.u32 v1, v24;
	vm12 =	vmand vm11, vm3  }
0x122: {  	v24 =	vsel vm11, v24, v1;
	_ =	sdelay $0x2  }
0x123: {  	v23 =	vmax.f32 v23, v27  }
0x124: {  	v23 =	vsel vm15, v27, v23;
	v22 =	vmin.f32 v22, v27  }
0x125: {  	v22 =	vsel vm15, v27, v22;
	v26 =	vld [tilespmem:s0+$0xF460];
	[tilespmem:v24+s4+$0x0] =	vst.idx.msk vm12, v23  }
0x126: {  	[tilespmem:v24+s18+$0x0] =	vst.idx.msk vm12, v22  }
0x127: {  	v24 =	vld [tilespmem:s0+$0xD470];
	_ =	sdelay $0x3  }
0x128: {  	v27 =	vsub.s32 v25, v0  }
0x129: {  	vm14 =	vlt.u32 v27, $0x620;
	vm13 =	vne.s32 v24, v25;
	v25 =	vshll.u32 v27, $0x4  }
0x12a: {  	v25 =	vor.u32 v1, v25;
	vm15 =	vmand vm14, vm13  }
0x12b: {  	v27 =	vld [tilespmem:s0+$0xF470];
	v25 =	vsel vm14, v25, v1  }
0x12c: {  	p0 =	sne.s32 s30, $0x3E00  }
.Ltmp7:
0x12d: {  	_ = 	snop;
	(pc) =	sbr.rel @p0 .LBB2_9-.Ltmp7, $4  }
0x12e: {  	v23 =	vmax.f32 v23, v26;
	v22 =	vmin.f32 v22, v26  }
0x12f: {  	v23 =	vsel vm3, v26, v23;
	v22 =	vsel vm3, v26, v22  }
0x130: {  	v26 =	vmin.f32 v22, v27;
	[tilespmem:v25+s4+$0x0] =	vst.idx.msk vm15, v23;
	v23 =	vmax.f32 v23, v27  }
0x131: {  	s30 =	sadd.s32 $0x200, s30;
	[tilespmem:v25+s18+$0x0] =	vst.idx.msk vm15, v22;
	v23 =	vsel vm13, v27, v23;
	v22 =	vsel vm13, v27, v26  }
.Ltmp8:
0x132: {  	_ = 	snop;
	(pc) =	sbr.rel .LBB2_10-.Ltmp8, $1  }
0x133: {  	_ =	sdelay $0x3  }
.LBB2_11:
0x134: {  	v24 =	vsub.s32 v24, v0  }
0x135: {  	v25 =	vshll.u32 v24, $0x4  }
0x136: {  	vm3 =	vlt.u32 v24, $0x620;
	v63 =	vor.u32 v1, v25  }
0x137: {  	v24 =	vsel vm3, v63, v1;
	_ =	sdelay $0x4  }
0x138: {  	[tilespmem:v24+s4+$0x0] =	vst.idx.msk vm3, v23  }
0x139: {  	[tilespmem:v24+s18+$0x0] =	vst.idx.msk vm3, v22  }
0x13a: {  	[tilespmem:s21], [sflag:$0x2] =	stream.linear.gather [hbm4b:s6+s4], $0x400, $0x38;
	[tilespmem:$0x11180] =	vst v63  }
0x13b: {  	_ = 	snop  }
0x13c: {  	[tilespmem:s14], [sflag:$0x2] =	stream.linear.gather [hbm4b:s7+s4], $0x400, $0x38;
	[tilespmem:$0x11180] =	vst v63  }
0x13d: {  	_ =	swait.ge [sflag:s17], $0x400  }
0x13e: {  	[sflag:s17] =	ssyncset.done $0x0  }
0x13f: {  	[sflag:s17] =	ssyncadd.s32 $0xFFFFFC00  }
0x140: {  	_ =	swait.ge [sflag:s17], $0x400  }
0x141: {  	s3 =	simm.s32 $0x7;
	[sflag:s17] =	ssyncset.done $0x0  }
0x142: {  	s24 =	simm.s32 $0xE440;
	s25 =	simm.s32 $0xC440;
	[sflag:s17] =	ssyncadd.s32 $0xFFFFFC00  }
.LBB2_12:
0x143: {  	v22 =	vld [tilespmem:s25+$0xFFFFFFC0];
	_ =	sdelay $0x4  }
0x144: {  	s0 =	sadd.s32 $0xFFFFFFF9, s3;
	v22 =	vsub.s32 v22, v0  }
0x145: {  	v23 =	vadd.s32 s0, v1;
	vm3 =	vlt.u32 v22, $0x620;
	v22 =	vshll.u32 v22, $0x4  }
0x146: {  	v23 =	vand.u32 $0xF, v23;
	v22 =	vnsel vm3, $0x0, v22  }
0x147: {  	v22 =	vor.u32 v23, v22;
	_ =	sdelay $0x3  }
0x148: {  	v23 =	vld [tilespmem:s24+$0xFFFFFFC0]  }
0x149: {  	v24 =	vld.idx.msk [tilespmem:v22+s4+$0x0], $0xffff  }
0x14a: {  	v25 =	vld.idx.msk [tilespmem:v22+s18+$0x0], $0xffff;
	_ =	sdelay $0x3  }
0x14b: {  	v24 =	vmax.f32 v24, v23  }
0x14c: {  	v23 =	vmin.f32 v25, v23;
	[tilespmem:v22+s4+$0x0] =	vst.idx.msk vm3, v24  }
0x14d: {  	[tilespmem:v22+s18+$0x0] =	vst.idx.msk vm3, v23  }
0x14e: {  	v22 =	vld [tilespmem:s25+$0xFFFFFFD0];
	_ =	sdelay $0x4  }
0x14f: {  	s21 =	sadd.s32 $0xFFFFFFFA, s3;
	v22 =	vsub.s32 v22, v0  }
0x150: {  	v23 =	vadd.s32 s21, v1;
	vm3 =	vlt.u32 v22, $0x620;
	v22 =	vshll.u32 v22, $0x4  }
0x151: {  	v23 =	vand.u32 $0xF, v23;
	v22 =	vnsel vm3, $0x0, v22  }
0x152: {  	v22 =	vor.u32 v23, v22;
	_ =	sdelay $0x3  }
0x153: {  	v23 =	vld [tilespmem:s24+$0xFFFFFFD0]  }
0x154: {  	v24 =	vld.idx.msk [tilespmem:v22+s4+$0x0], $0xffff  }
0x155: {  	v57 =	vld.idx.msk [tilespmem:v22+s18+$0x0], $0xffff;
	_ =	sdelay $0x3  }
0x156: {  	v24 =	vmax.f32 v24, v23  }
0x157: {  	v23 =	vmin.f32 v57, v23;
	[tilespmem:v22+s4+$0x0] =	vst.idx.msk vm3, v24  }
0x158: {  	[tilespmem:v22+s18+$0x0] =	vst.idx.msk vm3, v23  }
0x159: {  	v22 =	vld [tilespmem:s25+$0xFFFFFFE0];
	_ =	sdelay $0x4  }
0x15a: {  	s26 =	sadd.s32 $0xFFFFFFFB, s3;
	v22 =	vsub.s32 v22, v0  }
0x15b: {  	v23 =	vadd.s32 s26, v1;
	vm3 =	vlt.u32 v22, $0x620;
	v22 =	vshll.u32 v22, $0x4  }
0x15c: {  	v23 =	vand.u32 $0xF, v23;
	v22 =	vnsel vm3, $0x0, v22  }
0x15d: {  	v22 =	vor.u32 v23, v22;
	_ =	sdelay $0x3  }
0x15e: {  	v23 =	vld [tilespmem:s24+$0xFFFFFFE0]  }
0x15f: {  	v24 =	vld.idx.msk [tilespmem:v22+s4+$0x0], $0xffff  }
0x160: {  	v58 =	vld.idx.msk [tilespmem:v22+s18+$0x0], $0xffff;
	_ =	sdelay $0x3  }
0x161: {  	v24 =	vmax.f32 v24, v23  }
0x162: {  	v23 =	vmin.f32 v58, v23;
	[tilespmem:v22+s4+$0x0] =	vst.idx.msk vm3, v24  }
0x163: {  	[tilespmem:v22+s18+$0x0] =	vst.idx.msk vm3, v23  }
0x164: {  	v22 =	vld [tilespmem:s25+$0xFFFFFFF0];
	_ =	sdelay $0x4  }
0x165: {  	s28 =	sadd.s32 $0xFFFFFFFC, s3;
	v22 =	vsub.s32 v22, v0  }
0x166: {  	v23 =	vadd.s32 s28, v1;
	vm3 =	vlt.u32 v22, $0x620;
	v22 =	vshll.u32 v22, $0x4  }
0x167: {  	v23 =	vand.u32 $0xF, v23;
	v22 =	vnsel vm3, $0x0, v22  }
0x168: {  	v22 =	vor.u32 v23, v22;
	_ =	sdelay $0x3  }
0x169: {  	v23 =	vld [tilespmem:s24+$0xFFFFFFF0]  }
0x16a: {  	v24 =	vld.idx.msk [tilespmem:v22+s4+$0x0], $0xffff  }
0x16b: {  	v59 =	vld.idx.msk [tilespmem:v22+s18+$0x0], $0xffff;
	_ =	sdelay $0x3  }
0x16c: {  	v24 =	vmax.f32 v24, v23  }
0x16d: {  	v23 =	vmin.f32 v59, v23;
	[tilespmem:v22+s4+$0x0] =	vst.idx.msk vm3, v24  }
0x16e: {  	[tilespmem:v22+s18+$0x0] =	vst.idx.msk vm3, v23  }
0x16f: {  	v22 =	vld [tilespmem:s25+$0x0];
	_ =	sdelay $0x4  }
0x170: {  	s29 =	sadd.s32 $0xFFFFFFFD, s3;
	v22 =	vsub.s32 v22, v0  }
0x171: {  	v23 =	vadd.s32 s29, v1;
	vm3 =	vlt.u32 v22, $0x620;
	v22 =	vshll.u32 v22, $0x4  }
0x172: {  	v23 =	vand.u32 $0xF, v23;
	v22 =	vnsel vm3, $0x0, v22  }
0x173: {  	v22 =	vor.u32 v23, v22;
	_ =	sdelay $0x3  }
0x174: {  	v23 =	vld [tilespmem:s24+$0x0]  }
0x175: {  	v24 =	vld.idx.msk [tilespmem:v22+s4+$0x0], $0xffff  }
0x176: {  	v60 =	vld.idx.msk [tilespmem:v22+s18+$0x0], $0xffff;
	_ =	sdelay $0x3  }
0x177: {  	v24 =	vmax.f32 v24, v23  }
0x178: {  	v23 =	vmin.f32 v60, v23;
	[tilespmem:v22+s4+$0x0] =	vst.idx.msk vm3, v24  }
0x179: {  	[tilespmem:v22+s18+$0x0] =	vst.idx.msk vm3, v23  }
0x17a: {  	v22 =	vld [tilespmem:s25+$0x10];
	_ =	sdelay $0x4  }
0x17b: {  	s30 =	sadd.s32 $0xFFFFFFFE, s3;
	v22 =	vsub.s32 v22, v0  }
0x17c: {  	v23 =	vadd.s32 s30, v1;
	vm3 =	vlt.u32 v22, $0x620;
	v22 =	vshll.u32 v22, $0x4  }
0x17d: {  	v23 =	vand.u32 $0xF, v23;
	v22 =	vnsel vm3, $0x0, v22  }
0x17e: {  	v22 =	vor.u32 v23, v22;
	_ =	sdelay $0x3  }
0x17f: {  	v23 =	vld [tilespmem:s24+$0x10]  }
0x180: {  	v24 =	vld.idx.msk [tilespmem:v22+s4+$0x0], $0xffff  }
0x181: {  	v61 =	vld.idx.msk [tilespmem:v22+s18+$0x0], $0xffff;
	_ =	sdelay $0x3  }
0x182: {  	v24 =	vmax.f32 v24, v23  }
0x183: {  	v23 =	vmin.f32 v61, v23;
	[tilespmem:v22+s4+$0x0] =	vst.idx.msk vm3, v24  }
0x184: {  	[tilespmem:v22+s18+$0x0] =	vst.idx.msk vm3, v23  }
0x185: {  	v22 =	vld [tilespmem:s25+$0x20];
	_ =	sdelay $0x4  }
0x186: {  	s31 =	sadd.s32 $0xFFFFFFFF, s3;
	v22 =	vsub.s32 v22, v0  }
0x187: {  	v23 =	vadd.s32 s31, v1;
	vm3 =	vlt.u32 v22, $0x620;
	v22 =	vshll.u32 v22, $0x4  }
0x188: {  	v23 =	vand.u32 $0xF, v23;
	v22 =	vnsel vm3, $0x0, v22  }
0x189: {  	v22 =	vor.u32 v23, v22;
	_ =	sdelay $0x3  }
0x18a: {  	v23 =	vld [tilespmem:s24+$0x20]  }
0x18b: {  	v24 =	vld.idx.msk [tilespmem:v22+s4+$0x0], $0xffff  }
0x18c: {  	v62 =	vld.idx.msk [tilespmem:v22+s18+$0x0], $0xffff;
	_ =	sdelay $0x3  }
0x18d: {  	v24 =	vmax.f32 v24, v23  }
0x18e: {  	v23 =	vmin.f32 v62, v23;
	[tilespmem:v22+s4+$0x0] =	vst.idx.msk vm3, v24  }
0x18f: {  	[tilespmem:v22+s18+$0x0] =	vst.idx.msk vm3, v23  }
0x190: {  	v22 =	vld [tilespmem:s25+$0x30];
	_ =	sdelay $0x4  }
0x191: {  	v22 =	vsub.s32 v22, v0  }
0x192: {  	v23 =	vadd.s32 s3, v1;
	vm3 =	vlt.u32 v22, $0x620;
	v22 =	vshll.u32 v22, $0x4  }
0x193: {  	v23 =	vand.u32 $0xF, v23;
	v22 =	vnsel vm3, $0x0, v22  }
0x194: {  	v22 =	vor.u32 v23, v22;
	_ =	sdelay $0x3  }
0x195: {  	v23 =	vld [tilespmem:s24+$0x30]  }
0x196: {  	v24 =	vld.idx.msk [tilespmem:v22+s4+$0x0], $0xffff  }
0x197: {  	v63 =	vld.idx.msk [tilespmem:v22+s18+$0x0], $0xffff  }
0x198: {  	p0 =	sne.s32 s3, $0x3F  }
.Ltmp9:
0x199: {  	_ = 	snop;
	(pc) =	sbr.rel @p0 .LBB2_12-.Ltmp9, $4  }
0x19a: {  	_ = 	snop  }
0x19b: {  	v24 =	vmax.f32 v24, v23  }
0x19c: {  	v23 =	vmin.f32 v63, v23;
	[tilespmem:v22+s4+$0x0] =	vst.idx.msk vm3, v24  }
0x19d: {  	s3 =	sadd.s32 $0x8, s3;
	s25 =	sadd.s32 $0x80, s25;
	s24 =	sadd.s32 $0x80, s24;
	[tilespmem:v22+s18+$0x0] =	vst.idx.msk vm3, v23  }
0x19e: {  	s0 =	simm.s32 $0x0  }
0x19f: {  	v23 =	vcombine.low v16, v17;
	v22 =	vmul.u32 $0x10, v1;
	v24 =	vmov s0  }
0x1a0: {  	v25 =	vcombine.low v14, v15;
	v8 =	vld [tilespmem:$0x1FFE0];
	v24 =	vshll.u32 v24, $0x4  }
0x1a1: {  	v26 =	vcombine.low v12, v13;
	v9 =	vld [tilespmem:$0x1FFF0];
	_ =	swait.ge [sflag:s20], $0x620;
	v23 =	vand.u32 $0xF, v23;
	v37 =	vor.u32 v22, v24  }
0x1a2: {  	v27 =	vcombine.low v10, v11;
	v6 =	vld [tilespmem:$0x1FFC0];
	v24 =	vand.u32 $0xF, v25;
	v38 =	vor.u32 v23, v37  }
0x1a3: {  	v7 =	vld [tilespmem:$0x1FFD0];
	v25 =	vand.u32 $0xF, v26;
	v39 =	vor.u32 v24, v37  }
0x1a4: {  	v26 =	vand.u32 $0xF, v27;
	v40 =	vor.u32 v25, v37  }
0x1a5: {  	[sflag:s20] =	ssyncset.done $0x0;
	v41 =	vor.u32 v26, v37  }
0x1a6: {  	[sflag:s20] =	ssyncadd.s32 $0xFFFFF9E0;
	v44 =	vor.u32 v20, v37  }
0x1a7: {  	v30 =	vcombine.low v19, v18;
	v59 =	vor.u32 v1, v37;
	v28 =	vcombine.low v8, v9;
	v43 =	vld.idx.msk [tilespmem:v38+s18+$0x0], $0xffff  }
0x1a8: {  	v31 =	vcombine.low v17, v16;
	v29 =	vcombine.low v6, v7;
	v45 =	vld.idx.msk [tilespmem:v39+s18+$0x0], $0xffff  }
0x1a9: {  	v32 =	vcombine.low v15, v14;
	v33 =	vcombine.low v13, v12;
	v27 =	vand.u32 $0xF, v28;
	v47 =	vld.idx.msk [tilespmem:v40+s18+$0x0], $0xffff  }
0x1aa: {  	v28 =	vand.u32 $0xF, v29;
	v42 =	vor.u32 v27, v37;
	v29 =	vand.u32 $0xF, v30;
	v49 =	vld.idx.msk [tilespmem:v41+s18+$0x0], $0xffff  }
0x1ab: {  	v34 =	vcombine.low v11, v10;
	v30 =	vand.u32 $0xF, v31;
	v46 =	vor.u32 v29, v37;
	v56 =	vld.idx.msk [tilespmem:v44+s18+$0x0], $0xffff  }
0x1ac: {  	v54 =	vcombine.low v7, v6;
	v31 =	vand.u32 $0xF, v32;
	v48 =	vor.u32 v30, v37;
	v7 =	vld.idx.msk [tilespmem:v59+s18+$0x0], $0xffff  }
0x1ad: {  	v36 =	vcombine.low v9, v8;
	v32 =	vand.u32 $0xF, v33;
	v50 =	vor.u32 v31, v37;
	v59 =	vld.idx.msk [tilespmem:v59+s4+$0x0], $0xffff  }
0x1ae: {  	v33 =	vand.u32 $0xF, v34;
	v52 =	vor.u32 v32, v37;
	v44 =	vld.idx.msk [tilespmem:v44+s4+$0x0], $0xffff  }
0x1af: {  	v34 =	vand.u32 $0xF, v36;
	v55 =	vor.u32 v33, v37;
	v51 =	vld.idx.msk [tilespmem:v42+s18+$0x0], $0xffff  }
0x1b0: {  	v36 =	vand.u32 $0xF, v54;
	v57 =	vor.u32 v34, v37;
	v58 =	vld.idx.msk [tilespmem:v46+s18+$0x0], $0xffff  }
0x1b1: {  	v60 =	vor.u32 v36, v37;
	v54 =	vld.idx.msk [tilespmem:v48+s18+$0x0], $0xffff  }
0x1b2: {  	v61 =	vld.idx.msk [tilespmem:v50+s18+$0x0], $0xffff  }
0x1b3: {  	v62 =	vld.idx.msk [tilespmem:v52+s18+$0x0], $0xffff  }
0x1b4: {  	v63 =	vld.idx.msk [tilespmem:v55+s18+$0x0], $0xffff  }
0x1b5: {  	v6 =	vld.idx.msk [tilespmem:v57+s18+$0x0], $0xffff  }
0x1b6: {  	v8 =	vld.idx.msk [tilespmem:v60+s18+$0x0], $0xffff  }
0x1b7: {  	v60 =	vld.idx.msk [tilespmem:v60+s4+$0x0], $0xffff  }
0x1b8: {  	v57 =	vld.idx.msk [tilespmem:v57+s4+$0x0], $0xffff  }
0x1b9: {  	v35 =	vor.u32 v28, v37;
	v55 =	vld.idx.msk [tilespmem:v55+s4+$0x0], $0xffff  }
0x1ba: {  	v52 =	vld.idx.msk [tilespmem:v52+s4+$0x0], $0xffff  }
0x1bb: {  	v50 =	vld.idx.msk [tilespmem:v50+s4+$0x0], $0xffff  }
0x1bc: {  	v48 =	vld.idx.msk [tilespmem:v48+s4+$0x0], $0xffff;
	v59 =	vmax.f32 v59, v60  }
0x1bd: {  	v46 =	vld.idx.msk [tilespmem:v46+s4+$0x0], $0xffff;
	v60 =	vcombine.low v18, v19;
	v7 =	vmin.f32 v7, v8;
	v8 =	vmax.f32 v59, v57  }
0x1be: {  	v53 =	vld.idx.msk [tilespmem:v35+s18+$0x0], $0xffff;
	v6 =	vmin.f32 v7, v6;
	v7 =	vmax.f32 v8, v55  }
0x1bf: {  	v8 =	vld.idx.msk [tilespmem:v35+s4+$0x0], $0xffff;
	v35 =	vand.u32 $0xF, v60;
	v6 =	vmin.f32 v6, v63;
	v7 =	vmax.f32 v7, v52  }
0x1c0: {  	v42 =	vld.idx.msk [tilespmem:v42+s4+$0x0], $0xffff;
	v37 =	vor.u32 v35, v37;
	v6 =	vmin.f32 v6, v62;
	v7 =	vmax.f32 v7, v50  }
0x1c1: {  	v41 =	vld.idx.msk [tilespmem:v41+s4+$0x0], $0xffff;
	v6 =	vmin.f32 v6, v61;
	v7 =	vmax.f32 v7, v48  }
0x1c2: {  	v40 =	vld.idx.msk [tilespmem:v40+s4+$0x0], $0xffff;
	v6 =	vmin.f32 v6, v54;
	v7 =	vmax.f32 v7, v46  }
0x1c3: {  	v39 =	vld.idx.msk [tilespmem:v39+s4+$0x0], $0xffff;
	v6 =	vmin.f32 v6, v58;
	v7 =	vmax.f32 v7, v44  }
0x1c4: {  	v38 =	vld.idx.msk [tilespmem:v38+s4+$0x0], $0xffff;
	v6 =	vmin.f32 v6, v56;
	v7 =	vmax.f32 v7, v8  }
0x1c5: {  	v8 =	vld.idx.msk [tilespmem:v37+s4+$0x0], $0xffff;
	v6 =	vmin.f32 v6, v53;
	v7 =	vmax.f32 v7, v42  }
0x1c6: {  	v37 =	vld.idx.msk [tilespmem:v37+s18+$0x0], $0xffff;
	v6 =	vmin.f32 v6, v51;
	v7 =	vmax.f32 v7, v41  }
0x1c7: {  	s24 =	simm.s32 $0x10400;
	v6 =	vmin.f32 v6, v49;
	v7 =	vmax.f32 v7, v40  }
0x1c8: {  	s31 =	simm.s32 $0x10;
	v61 =	vld [tilespmem:s24+$0x0];
	v6 =	vmin.f32 v6, v47;
	v7 =	vmax.f32 v7, v39  }
0x1c9: {  	v62 =	vmov s31;
	v6 =	vmin.f32 v6, v45;
	v7 =	vmax.f32 v7, v38  }
0x1ca: {  	v63 =	vshll.u32 v62, $0x4;
	v6 =	vmin.f32 v6, v43;
	v7 =	vmax.f32 v7, v8  }
0x1cb: {  	v42 =	vor.u32 v22, v63;
	v6 =	vmin.f32 v6, v37;
	vm3 =	veq.f32 v7, $-Inf  }
0x1cc: {  	v38 =	vor.u32 v23, v42;
	v6 =	vsel vm3, $0x0, v6  }
0x1cd: {  	v40 =	vor.u32 v24, v42;
	v7 =	vsel vm3, $0x0, v7;
	vm3 =	vlt.f32 v61, v6  }
0x1ce: {  	v44 =	vor.u32 v25, v42;
	vm4 =	vgt.f32 v61, v7;
	v6 =	vsel vm3, $0xBF800000, v21  }
0x1cf: {  	s25 =	simm.s32 $0x10A80;
	v46 =	vor.u32 v26, v42;
	v6 =	vsel vm4, $0x3F800000, v6  }
0x1d0: {  	v48 =	vor.u32 v27, v42;
	[tilespmem:s25+$0x0] =	vst v6  }
0x1d1: {  	v50 =	vor.u32 v28, v42;
	v37 =	vld.idx.msk [tilespmem:v38+s18+$0x0], $0xffff  }
0x1d2: {  	v52 =	vor.u32 v20, v42;
	v39 =	vld.idx.msk [tilespmem:v40+s18+$0x0], $0xffff  }
0x1d3: {  	v54 =	vor.u32 v29, v42;
	v41 =	vld.idx.msk [tilespmem:v44+s18+$0x0], $0xffff  }
0x1d4: {  	v55 =	vor.u32 v30, v42;
	v43 =	vld.idx.msk [tilespmem:v46+s18+$0x0], $0xffff  }
0x1d5: {  	v56 =	vor.u32 v31, v42;
	v45 =	vld.idx.msk [tilespmem:v48+s18+$0x0], $0xffff  }
0x1d6: {  	v57 =	vor.u32 v32, v42;
	v47 =	vld.idx.msk [tilespmem:v50+s18+$0x0], $0xffff  }
0x1d7: {  	v58 =	vor.u32 v33, v42;
	v49 =	vld.idx.msk [tilespmem:v52+s18+$0x0], $0xffff  }
0x1d8: {  	v59 =	vor.u32 v34, v42;
	v51 =	vld.idx.msk [tilespmem:v54+s18+$0x0], $0xffff  }
0x1d9: {  	s3 =	simm.s32 $0x20;
	v60 =	vor.u32 v1, v42;
	v53 =	vld.idx.msk [tilespmem:v55+s18+$0x0], $0xffff  }
.LBB2_14:
0x1da: {  	p0 =	sne.s32 s3, $0x610;
	v6 =	vor.u32 v36, v42;
	v7 =	vld.idx.msk [tilespmem:v56+s18+$0x0], $0xffff  }
0x1db: {  	v8 =	vld.idx.msk [tilespmem:v57+s18+$0x0], $0xffff  }
0x1dc: {  	v61 =	vld.idx.msk [tilespmem:v58+s18+$0x0], $0xffff  }
0x1dd: {  	v62 =	vld.idx.msk [tilespmem:v59+s18+$0x0], $0xffff  }
0x1de: {  	v63 =	vld.idx.msk [tilespmem:v60+s18+$0x0], $0xffff  }
0x1df: {  	v9 =	vld.idx.msk [tilespmem:v6+s18+$0x0], $0xffff  }
0x1e0: {  	v6 =	vld.idx.msk [tilespmem:v6+s4+$0x0], $0xffff  }
0x1e1: {  	v60 =	vld.idx.msk [tilespmem:v60+s4+$0x0], $0xffff  }
0x1e2: {  	v59 =	vld.idx.msk [tilespmem:v59+s4+$0x0], $0xffff  }
0x1e3: {  	v58 =	vld.idx.msk [tilespmem:v58+s4+$0x0], $0xffff  }
0x1e4: {  	v57 =	vld.idx.msk [tilespmem:v57+s4+$0x0], $0xffff  }
0x1e5: {  	v56 =	vld.idx.msk [tilespmem:v56+s4+$0x0], $0xffff  }
0x1e6: {  	v55 =	vld.idx.msk [tilespmem:v55+s4+$0x0], $0xffff  }
0x1e7: {  	v6 =	vmax.f32 v60, v6;
	v54 =	vld.idx.msk [tilespmem:v54+s4+$0x0], $0xffff  }
0x1e8: {  	v9 =	vmin.f32 v63, v9;
	v6 =	vmax.f32 v6, v59;
	v52 =	vld.idx.msk [tilespmem:v52+s4+$0x0], $0xffff  }
0x1e9: {  	v9 =	vmin.f32 v9, v62;
	v6 =	vmax.f32 v6, v58;
	v50 =	vld.idx.msk [tilespmem:v50+s4+$0x0], $0xffff  }
0x1ea: {  	v42 =	vor.u32 v35, v42;
	v9 =	vmin.f32 v9, v61;
	v6 =	vmax.f32 v6, v57;
	v48 =	vld.idx.msk [tilespmem:v48+s4+$0x0], $0xffff  }
0x1eb: {  	v8 =	vmin.f32 v9, v8;
	v6 =	vmax.f32 v6, v56;
	v9 =	vld.idx.msk [tilespmem:v46+s4+$0x0], $0xffff  }
0x1ec: {  	v7 =	vmin.f32 v8, v7;
	v6 =	vmax.f32 v6, v55;
	v8 =	vld.idx.msk [tilespmem:v44+s4+$0x0], $0xffff  }
0x1ed: {  	v7 =	vmin.f32 v7, v53;
	v6 =	vmax.f32 v6, v54;
	v40 =	vld.idx.msk [tilespmem:v40+s4+$0x0], $0xffff  }
0x1ee: {  	v7 =	vmin.f32 v7, v51;
	v6 =	vmax.f32 v6, v52;
	v38 =	vld.idx.msk [tilespmem:v38+s4+$0x0], $0xffff  }
0x1ef: {  	v7 =	vmin.f32 v7, v49;
	v6 =	vmax.f32 v6, v50;
	v44 =	vld.idx.msk [tilespmem:v42+s4+$0x0], $0xffff  }
0x1f0: {  	v46 =	vmov s3;
	v7 =	vmin.f32 v7, v47;
	v6 =	vmax.f32 v6, v48;
	v47 =	vld.idx.msk [tilespmem:v42+s18+$0x0], $0xffff  }
0x1f1: {  	v7 =	vmin.f32 v7, v45;
	v6 =	vmax.f32 v6, v9  }
0x1f2: {  	s24 =	sadd.s32 $0x10, s24;
	v7 =	vmin.f32 v7, v43;
	v9 =	vshll.u32 v46, $0x4;
	v6 =	vmax.f32 v6, v8  }
0x1f3: {  	v7 =	vmin.f32 v7, v41;
	v6 =	vmax.f32 v6, v40;
	v8 =	vld [tilespmem:s24+$0x0]  }
0x1f4: {  	v7 =	vmin.f32 v7, v39;
	v6 =	vmax.f32 v6, v38  }
0x1f5: {  	v7 =	vmin.f32 v7, v37;
	v6 =	vmax.f32 v6, v44  }
0x1f6: {  	v42 =	vor.u32 v22, v9;
	v7 =	vmin.f32 v7, v47;
	vm3 =	veq.f32 v6, $-Inf  }
0x1f7: {  	v38 =	vor.u32 v23, v42;
	v7 =	vsel vm3, $0x0, v7  }
0x1f8: {  	v40 =	vor.u32 v24, v42;
	v6 =	vsel vm3, $0x0, v6;
	vm3 =	vlt.f32 v8, v7  }
0x1f9: {  	v44 =	vor.u32 v25, v42;
	vm4 =	vgt.f32 v8, v6;
	v6 =	vsel vm3, $0xBF800000, v21  }
0x1fa: {  	s25 =	sadd.s32 $0x10, s25;
	v46 =	vor.u32 v26, v42;
	v6 =	vsel vm4, $0x3F800000, v6  }
0x1fb: {  	v48 =	vor.u32 v27, v42;
	[tilespmem:s25+$0x0] =	vst v6  }
0x1fc: {  	v50 =	vor.u32 v28, v42;
	v37 =	vld.idx.msk [tilespmem:v38+s18+$0x0], $0xffff  }
0x1fd: {  	v52 =	vor.u32 v20, v42;
	v39 =	vld.idx.msk [tilespmem:v40+s18+$0x0], $0xffff  }
0x1fe: {  	v54 =	vor.u32 v29, v42;
	v41 =	vld.idx.msk [tilespmem:v44+s18+$0x0], $0xffff  }
0x1ff: {  	v55 =	vor.u32 v30, v42;
	v43 =	vld.idx.msk [tilespmem:v46+s18+$0x0], $0xffff  }
.Ltmp10:
0x200: {  	v56 =	vor.u32 v31, v42;
	v45 =	vld.idx.msk [tilespmem:v48+s18+$0x0], $0xffff;
	(pc) =	sbr.rel @p0 .LBB2_14-.Ltmp10, $4  }
0x201: {  	v57 =	vor.u32 v32, v42;
	v47 =	vld.idx.msk [tilespmem:v50+s18+$0x0], $0xffff  }
0x202: {  	v58 =	vor.u32 v33, v42;
	v49 =	vld.idx.msk [tilespmem:v52+s18+$0x0], $0xffff  }
0x203: {  	v59 =	vor.u32 v34, v42;
	v51 =	vld.idx.msk [tilespmem:v54+s18+$0x0], $0xffff  }
0x204: {  	s3 =	sadd.s32 $0x10, s3;
	v60 =	vor.u32 v1, v42;
	v53 =	vld.idx.msk [tilespmem:v55+s18+$0x0], $0xffff  }
0x205: {  	_ =	sdelay $0x3  }
0x206: {  	v7 =	vld.idx.msk [tilespmem:v56+s18+$0x0], $0xffff  }
0x207: {  	v6 =	vor.u32 v36, v42;
	v8 =	vld.idx.msk [tilespmem:v57+s18+$0x0], $0xffff  }
0x208: {  	v9 =	vld.idx.msk [tilespmem:v58+s18+$0x0], $0xffff  }
0x209: {  	v22 =	vld.idx.msk [tilespmem:v59+s18+$0x0], $0xffff  }
0x20a: {  	v23 =	vld.idx.msk [tilespmem:v60+s18+$0x0], $0xffff  }
0x20b: {  	v25 =	vld.idx.msk [tilespmem:v60+s4+$0x0], $0xffff  }
0x20c: {  	v24 =	vld.idx.msk [tilespmem:v6+s18+$0x0], $0xffff  }
0x20d: {  	v6 =	vld.idx.msk [tilespmem:v6+s4+$0x0], $0xffff  }
0x20e: {  	v26 =	vld.idx.msk [tilespmem:v59+s4+$0x0], $0xffff  }
0x20f: {  	v27 =	vld.idx.msk [tilespmem:v58+s4+$0x0], $0xffff  }
0x210: {  	v28 =	vld.idx.msk [tilespmem:v57+s4+$0x0], $0xffff  }
0x211: {  	v29 =	vld.idx.msk [tilespmem:v56+s4+$0x0], $0xffff  }
0x212: {  	v30 =	vld.idx.msk [tilespmem:v55+s4+$0x0], $0xffff;
	v6 =	vmax.f32 v25, v6  }
0x213: {  	v59 =	vld.idx.msk [tilespmem:v54+s4+$0x0], $0xffff;
	v23 =	vmin.f32 v23, v24;
	v6 =	vmax.f32 v6, v26  }
0x214: {  	v60 =	vld.idx.msk [tilespmem:v52+s4+$0x0], $0xffff;
	v22 =	vmin.f32 v23, v22;
	v6 =	vmax.f32 v6, v27  }
0x215: {  	v23 =	vld.idx.msk [tilespmem:v50+s4+$0x0], $0xffff;
	v9 =	vmin.f32 v22, v9;
	v6 =	vmax.f32 v6, v28  }
0x216: {  	v61 =	vor.u32 v35, v42;
	v22 =	vld.idx.msk [tilespmem:v48+s4+$0x0], $0xffff;
	v8 =	vmin.f32 v9, v8;
	v6 =	vmax.f32 v6, v29  }
0x217: {  	v9 =	vld.idx.msk [tilespmem:v46+s4+$0x0], $0xffff;
	v7 =	vmin.f32 v8, v7;
	v6 =	vmax.f32 v6, v30  }
0x218: {  	v8 =	vld.idx.msk [tilespmem:v44+s4+$0x0], $0xffff;
	v7 =	vmin.f32 v7, v53;
	v6 =	vmax.f32 v6, v59  }
0x219: {  	v62 =	vld.idx.msk [tilespmem:v40+s4+$0x0], $0xffff;
	v7 =	vmin.f32 v7, v51;
	v6 =	vmax.f32 v6, v60  }
0x21a: {  	v63 =	vld.idx.msk [tilespmem:v38+s4+$0x0], $0xffff;
	v7 =	vmin.f32 v7, v49;
	v6 =	vmax.f32 v6, v23  }
0x21b: {  	v23 =	vld.idx.msk [tilespmem:v61+s4+$0x0], $0xffff;
	v7 =	vmin.f32 v7, v47;
	v6 =	vmax.f32 v6, v22  }
0x21c: {  	v22 =	vld.idx.msk [tilespmem:v61+s18+$0x0], $0xffff;
	v7 =	vmin.f32 v7, v45;
	v6 =	vmax.f32 v6, v9  }
0x21d: {  	s0 =	sadd.s32 $0x10, s24;
	v7 =	vmin.f32 v7, v43;
	v6 =	vmax.f32 v6, v8  }
0x21e: {  	v7 =	vmin.f32 v7, v41;
	v8 =	vld [tilespmem:s0+$0x0];
	v6 =	vmax.f32 v6, v62  }
0x21f: {  	v7 =	vmin.f32 v7, v39;
	v6 =	vmax.f32 v6, v63  }
0x220: {  	v7 =	vmin.f32 v7, v37;
	v6 =	vmax.f32 v6, v23  }
0x221: {  	v7 =	vmin.f32 v7, v22;
	vm3 =	veq.f32 v6, $-Inf  }
0x222: {  	v7 =	vsel vm3, $0x0, v7  }
0x223: {  	v6 =	vsel vm3, $0x0, v6;
	vm3 =	vlt.f32 v8, v7  }
0x224: {  	s23 =	sadd.s32 $0x1, s23;
	vm4 =	vgt.f32 v8, v6;
	v6 =	vsel vm3, $0xBF800000, v21  }
0x225: {  	s30 =	sadd.s32 $0x10, s25;
	p0 =	sne.s32 s23, s9;
	v6 =	vsel vm4, $0x3F800000, v6  }
.Ltmp11:
0x226: {  	s31 =	simm.s32 $0x10A80;
	[tilespmem:s30+$0x0] =	vst v6;
	(pc) =	sbr.rel @p0 .LBB2_1-.Ltmp11, $4  }
0x227: {  	[hbm4b:s8+s4] =	stream.linear.scatter [tilespmem:s31], [sflag:$0x5], $0x620, $0x38;
	[tilespmem:$0x11180] =	vst v63  }
0x228: {  	_ =	swait.ge [sflag:s22], $0x620  }
0x229: {  	[sflag:s22] =	ssyncset.done $0x0  }
0x22a: {  	[sflag:s22] =	ssyncadd.s32 $0xFFFFF9E0  }
0x22b: {  	_ =	sfence.sel $0x180000  }
0x22c: {  	[bflag:$0x0] =	sbarrier.arrive $0xFFFF  }
0x22d: {  	_ =	strace $0x90000047  }
0x22e: {  	s0 =	stileid.u32;
	[bflag:$0x2] =	sbarrier.arrive $0xFFFF  }
0x22f: {  	p0 =	sne.s32 s0, $0x0;
	s0 =	rddreg [dreg:$0x4]  }
0x230: {  	s0 =	sadd.s32 @!p0 $0x100000, s0  }
0x231: {  	[sflag:s0] =	ssyncadd.tile.s32 @!p0 $0x1;
	_ =	shalt  }
.Lfunc_end2:
_tile_overlayer_lowered:
.L_overlay_start_2:
0x232: {  	(tag) =	ssettag $0x2  }
0x233: {  	s0 =	rddreg [dreg:$0x0];
	s2 =	stileid.u32  }
0x234: {  	s1 =	rddreg [dreg:$0x1];
	p0 =	sne.s32 s2, $0x0  }
0x235: {  	s3 =	rddreg [dreg:$0x2];
	[bflag:$0x3] =	sbarrier.arrive $0xFFFF;
	s2 =	simm.s32 @!p0 $0x1C05  }
0x236: {  	[timem:s3], [sflag:s2] =	dma.local @!p0 [hbm:s0], s1  }
0x237: {  	s0 =	simm.s32 @!p0 $0x5  }
0x238: {  	_ =	swait.ge @!p0 [sflag:s0], s1  }
0x239: {  	s1 =	ssub.s32 @!p0 $0x0, s1;
	[sflag:s0] =	ssyncset.done @!p0 $0x0  }
0x23a: {  	[sflag:s0] =	ssyncadd.s32 @!p0 s1  }
0x23b: {  	[bflag:$0x3] =	sbarrier.arrive $0xFFFF  }
0x23c: {  	_ =	shalt  }

</sc_bundles>
